<compile_context>
chip_gen: v7x
topology: tpu7x:2x2x1
jax: 0.10.2.dev20260603
libtpu: 0.0.44.dev20260713+nightly
codegen_flags: <defaults>
</compile_context>

<pallas_src>
import functools

import jax
import jax.numpy as jnp
from jax import lax
from jax.experimental import pallas as pl
from jax.experimental.pallas import tpu as pltpu
from jax.experimental.pallas import tpu_sc as plsc

N_NODES = 10000
N_PAD = 10240
D_FEAT = 128
HIDDEN = 16
OUT_DIM = 1

NC = 2
NS = 16
NW = NC * NS
CHUNK = 128
E_PAD = 327680
NCHUNK = E_PAD // (NW * CHUNK)
ROWS_PER_TILE = N_PAD // NS
NBUF = 4


def _mesh():
    return plsc.VectorSubcoreMesh(core_axis_name="c", subcore_axis_name="s")



def _mm1_body(x_ref, w_ref, o_ref):
    o_ref[...] = jnp.dot(x_ref[...], w_ref[...],
                         preferred_element_type=jnp.float32)


def _mid_body(p_ref, b1_ref, w2_ref, o_ref):
    m1 = p_ref[0, :N_NODES, :] + p_ref[1, :N_NODES, :]
    h = jnp.maximum(m1 + b1_ref[...], 0.0)
    o_ref[...] = jnp.dot(h, w2_ref[...],
                         preferred_element_type=jnp.float32)


def _final_body(p_ref, b2_ref, o_ref):
    z = p_ref[0, :N_NODES] + p_ref[1, :N_NODES] + b2_ref[...]
    o_ref[...] = 1.0 / (1.0 + jnp.exp(-z))



def _spmm16_body(t1_hbm, col_hbm, row_hbm, w_hbm, out_hbm,
                 colv, rowv, wv, rows_v, buf_v, acc_sh,
                 g0, g1, g2, g3, s0, s1, s2, s3):
    gsems = (g0, g1, g2, g3)
    ssems = (s0, s1, s2, s3)
    c = lax.axis_index("c")
    s = lax.axis_index("s")
    wid = s * NC + c

    pltpu.sync_copy(col_hbm.at[wid], colv)
    pltpu.sync_copy(row_hbm.at[wid], rowv)
    pltpu.sync_copy(w_hbm.at[wid], wv)

    def _zero(i, _):
        buf_v[i] = jnp.zeros((16,), jnp.float32)
        return 0
    lax.fori_loop(0, ROWS_PER_TILE, _zero, 0)
    pltpu.sync_copy(buf_v, acc_sh.at[pl.ds(s * ROWS_PER_TILE, ROWS_PER_TILE)])
    plsc.subcore_barrier()

    def _gstart(j, b):
        pltpu.async_copy(t1_hbm.at[colv.at[j]], rows_v.at[b], gsems[b])

    def _gwait(j, b):
        pltpu.make_async_copy(t1_hbm.at[colv.at[j]], rows_v.at[b],
                              gsems[b]).wait()

    def _sstart(j, b):
        pltpu.async_copy(rows_v.at[b], acc_sh.at[rowv.at[j]], ssems[b],
                         add=True)

    def _swait(j, b):
        pltpu.make_async_copy(rows_v.at[b], acc_sh.at[rowv.at[j]],
                              ssems[b]).wait()

    _gstart(0, 0)
    _gstart(1, 1)

    def _outer(jj, _):
        for b in range(NBUF):
            j = jj * NBUF + b
            _gwait(j, b)

            def _scale(g, _):
                w16 = wv[j, pl.ds(g * 16, 16)]
                base = g * 16
                for k in range(16):
                    rows_v[b, base + k] = rows_v[b, base + k] * w16[k]
                return 0
            lax.fori_loop(0, CHUNK // 16, _scale, 0)

            _sstart(j, b)

            bt = (b + 2) % NBUF

            @pl.when(j >= 2)
            def _():
                _swait(j - 2, bt)

            @pl.when(j + 2 < NCHUNK)
            def _():
                _gstart(j + 2, bt)
        return 0

    lax.fori_loop(0, NCHUNK // NBUF, _outer, 0)
    _swait(NCHUNK - 2, (NCHUNK - 2) % NBUF)
    _swait(NCHUNK - 1, (NCHUNK - 1) % NBUF)
    plsc.subcore_barrier()

    pltpu.sync_copy(acc_sh.at[pl.ds(s * ROWS_PER_TILE, ROWS_PER_TILE)], buf_v)
    pltpu.sync_copy(buf_v, out_hbm.at[c, pl.ds(s * ROWS_PER_TILE, ROWS_PER_TILE)])


def _spmm1_body(t2_hbm, col_hbm, row_hbm, w_hbm, out_hbm,
                t2v, colv, rowv, wv, vals_v, buf_v, acc_sh, *sems):
    c = lax.axis_index("c")
    s = lax.axis_index("s")
    wid = s * NC + c

    pltpu.sync_copy(t2_hbm, t2v)
    pltpu.sync_copy(col_hbm.at[wid], colv)
    pltpu.sync_copy(row_hbm.at[wid], rowv)
    pltpu.sync_copy(w_hbm.at[wid], wv)

    def _zero(i, _):
        buf_v[pl.ds(i * 16, 16)] = jnp.zeros((16,), jnp.float32)
        return 0
    lax.fori_loop(0, ROWS_PER_TILE // 16, _zero, 0)
    pltpu.sync_copy(buf_v, acc_sh.at[pl.ds(s * ROWS_PER_TILE, ROWS_PER_TILE)])
    plsc.subcore_barrier()

    def _sstart1(j, b):
        pltpu.async_copy(vals_v.at[b], acc_sh.at[rowv.at[j]], sems[b],
                         add=True)

    def _swait1(j, b):
        pltpu.make_async_copy(vals_v.at[b], acc_sh.at[rowv.at[j]],
                              sems[b]).wait()

    def _outer(jj, _):
        for b in range(2):
            j = jj * 2 + b
            for g in range(CHUNK // 16):
                col16 = colv[j, pl.ds(g * 16, 16)]
                w16 = wv[j, pl.ds(g * 16, 16)]
                vals = plsc.load_gather(t2v, [col16])
                vals_v[b, pl.ds(g * 16, 16)] = vals * w16

            @pl.when(j >= 2)
            def _():
                _swait1(j - 2, b)

            _sstart1(j, b)
        return 0

    lax.fori_loop(0, NCHUNK // 2, _outer, 0)
    _swait1(NCHUNK - 2, 0)
    _swait1(NCHUNK - 1, 1)
    plsc.subcore_barrier()

    pltpu.sync_copy(acc_sh.at[pl.ds(s * ROWS_PER_TILE, ROWS_PER_TILE)], buf_v)
    pltpu.sync_copy(buf_v, out_hbm.at[c, pl.ds(s * ROWS_PER_TILE, ROWS_PER_TILE)])


@functools.partial(
    pl.kernel,
    out_type=jax.ShapeDtypeStruct((NC, N_PAD, HIDDEN), jnp.float32),
    mesh=_mesh(),
    compiler_params=pltpu.CompilerParams(use_tc_tiling_on_sc=False, needs_layout_passes=False),
    scratch_types=[
        pltpu.VMEM((NCHUNK, CHUNK), jnp.int32),
        pltpu.VMEM((NCHUNK, CHUNK), jnp.int32),
        pltpu.VMEM((NCHUNK, CHUNK), jnp.float32),
        pltpu.VMEM((NBUF, CHUNK, HIDDEN), jnp.float32),
        pltpu.VMEM((ROWS_PER_TILE, HIDDEN), jnp.float32),
        pltpu.VMEM_SHARED((N_PAD, HIDDEN), jnp.float32),
    ] + [pltpu.SemaphoreType.DMA] * (2 * NBUF),
)
def _spmm16(t1_hbm, col_hbm, row_hbm, w_hbm, out_hbm,
            colv, rowv, wv, rows_v, buf_v, acc_sh, *sems):
    _spmm16_body(t1_hbm, col_hbm, row_hbm, w_hbm, out_hbm,
                 colv, rowv, wv, rows_v, buf_v, acc_sh, *sems)


@functools.partial(
    pl.kernel,
    out_type=jax.ShapeDtypeStruct((NC, N_PAD), jnp.float32),
    mesh=_mesh(),
    compiler_params=pltpu.CompilerParams(use_tc_tiling_on_sc=False, needs_layout_passes=False),
    scratch_types=[
        pltpu.VMEM((N_NODES,), jnp.float32),
        pltpu.VMEM((NCHUNK, CHUNK), jnp.int32),
        pltpu.VMEM((NCHUNK, CHUNK), jnp.int32),
        pltpu.VMEM((NCHUNK, CHUNK), jnp.float32),
        pltpu.VMEM((2, CHUNK), jnp.float32),
        pltpu.VMEM((ROWS_PER_TILE,), jnp.float32),
        pltpu.VMEM_SHARED((N_PAD,), jnp.float32),
        pltpu.SemaphoreType.DMA,
        pltpu.SemaphoreType.DMA,
    ],
)
def _spmm1(t2_hbm, col_hbm, row_hbm, w_hbm, out_hbm,
           t2v, colv, rowv, wv, vals_v, buf_v, acc_sh, *sems):
    _spmm1_body(t2_hbm, col_hbm, row_hbm, w_hbm, out_hbm,
                t2v, colv, rowv, wv, vals_v, buf_v, acc_sh, *sems)



def kernel(x, edge_index, edge_weight, W1, b1, W2, b2):
    row = edge_index[0]
    col = edge_index[1]
    n_edges = row.shape[0]
    pad = E_PAD - n_edges
    pad_idx = (jnp.arange(pad, dtype=jnp.int32) * 7) % N_NODES
    colp = jnp.concatenate([col, pad_idx]).reshape(NW, NCHUNK, CHUNK)
    rowp = jnp.concatenate([row, pad_idx]).reshape(NW, NCHUNK, CHUNK)
    wp = jnp.concatenate(
        [edge_weight, jnp.zeros((pad,), jnp.float32)]).reshape(NW, NCHUNK, CHUNK)

    t1 = pl.pallas_call(
        _mm1_body,
        out_shape=jax.ShapeDtypeStruct((N_NODES, HIDDEN), jnp.float32),
    )(x, W1)

    parts1 = _spmm16(t1, colp, rowp, wp)

    t2 = pl.pallas_call(
        _mid_body,
        out_shape=jax.ShapeDtypeStruct((N_NODES, OUT_DIM), jnp.float32),
    )(parts1, b1, W2).reshape(N_NODES)

    parts2 = _spmm1(t2, colp, rowp, wp)

    out = pl.pallas_call(
        _final_body,
        out_shape=jax.ShapeDtypeStruct((N_NODES,), jnp.float32),
    )(parts2, b2)

    return out.reshape(N_NODES, OUT_DIM)

# --- scband reference (transcript-rebuilt; emitter-appended) ---
"""Pipeline reference for scband-graph-convolutional-network-62466004353722 (READ-ONLY COPY).

The authoritative reference and input builder live on the scoring server;
editing this copy changes nothing except your own understanding.
"""

import jax, jax.numpy as jnp
import numpy as np

N_NODES = 10000
N_EDGES = 320000
D_FEAT = 128
HIDDEN = 16
OUT_DIM = 1


def setup_inputs(seed: int = 0) -> dict:
    key = jax.random.key(seed)
    k1, k2, k3, k4, k5 = jax.random.split(key, 5)
    x = jax.random.normal(k1, (N_NODES, D_FEAT), dtype=jnp.float32)
    edge_index = jax.random.randint(k2, (2, N_EDGES), 0, N_NODES, dtype=jnp.int64 if jax.config.read('jax_enable_x64') else jnp.int32).astype(jnp.int32)
    edge_weight = jax.random.uniform(k3, (N_EDGES,), dtype=jnp.float32)
    # learned params (keras 'uniform' init ~ U[-0.05, 0.05]; biases zeros)
    W1 = jax.random.uniform(k4, (D_FEAT, HIDDEN), minval=-0.05, maxval=0.05, dtype=jnp.float32)
    b1 = jnp.zeros((HIDDEN,), dtype=jnp.float32)
    W2 = jax.random.uniform(k5, (HIDDEN, OUT_DIM), minval=-0.05, maxval=0.05, dtype=jnp.float32)
    b2 = jnp.zeros((OUT_DIM,), dtype=jnp.float32)
    return {"x": x, "edge_index": edge_index, "edge_weight": edge_weight,
            "W1": W1, "b1": b1, "W2": W2, "b2": b2}


def _spmm(edge_index, edge_weight, dense):
    # sparse laplacian (COO) @ dense: gather rows by col idx, weight, scatter-add to row idx
    row = edge_index[0]
    col = edge_index[1]
    gathered = jnp.take(dense, col, axis=0) * edge_weight[:, None]
    return jax.ops.segment_sum(gathered, row, num_segments=N_NODES)


def reference(x, edge_index, edge_weight, W1, b1, W2, b2):
    # conv1: relu(L @ (x @ W1) + b1)
    t1 = jnp.matmul(x, W1)
    m1 = _spmm(edge_index, edge_weight, t1)
    h = jax.nn.relu(m1 + b1)
    # conv2: sigmoid(L @ (h @ W2) + b2)
    t2 = jnp.matmul(h, W2)
    m2 = _spmm(edge_index, edge_weight, t2)
    out = jax.nn.sigmoid(m2 + b2)
    return out

if __name__ == "__main__":
    import jax
    _d = setup_inputs()
    print(jax.jit(kernel)(*tuple(_d.values())))

</pallas_src>

<mosaic_0001>
#map = affine_map<(d0, d1) -> (0, 0)>
#map1 = affine_map<(d0, d1) -> (0, 0, 0)>
module attributes {stable_mosaic.version = 14 : i64} {
  func.func @_spmm16(%arg0: i32, %arg1: i32, %arg2: memref<10000x16xf32, #tpu.memory_space<hbm>>, %arg3: memref<32x80x128xi32, #tpu.memory_space<hbm>>, %arg4: memref<32x80x128xi32, #tpu.memory_space<hbm>>, %arg5: memref<32x80x128xf32, #tpu.memory_space<hbm>>, %arg6: memref<2x10240x16xf32, #tpu.memory_space<hbm>>, %arg7: memref<80x128xi32, #tpu.memory_space<vmem>>, %arg8: memref<80x128xi32, #tpu.memory_space<vmem>>, %arg9: memref<80x128xf32, #tpu.memory_space<vmem>>, %arg10: memref<4x128x16xf32, #tpu.memory_space<vmem>>, %arg11: memref<640x16xf32, #tpu.memory_space<vmem>>, %arg12: memref<10240x16xf32, #tpu.memory_space<vmem_shared>>, %arg13: memref<!tpu.dma_semaphore, #tpu.memory_space<semaphore_mem>>, %arg14: memref<!tpu.dma_semaphore, #tpu.memory_space<semaphore_mem>>, %arg15: memref<!tpu.dma_semaphore, #tpu.memory_space<semaphore_mem>>, %arg16: memref<!tpu.dma_semaphore, #tpu.memory_space<semaphore_mem>>, %arg17: memref<!tpu.dma_semaphore, #tpu.memory_space<semaphore_mem>>, %arg18: memref<!tpu.dma_semaphore, #tpu.memory_space<semaphore_mem>>, %arg19: memref<!tpu.dma_semaphore, #tpu.memory_space<semaphore_mem>>, %arg20: memref<!tpu.dma_semaphore, #tpu.memory_space<semaphore_mem>>) attributes {dimension_semantics = [#tpu.dimension_semantics<core_parallel>, #tpu.dimension_semantics<subcore_parallel>], iteration_bounds = array<i64: 2, 16>, scalar_prefetch = 0 : i64, scratch_operands = 14 : i64, tpu.core_type = #tpu.core_type<sc_vector_subcore>, window_params = [{transform_indices = #map}, {transform_indices = #map1}, {transform_indices = #map1}, {transform_indices = #map1}, {transform_indices = #map1}]} {
    %mul3A = arith.constant 2 : i32
    %mul3A_0 = arith.muli %arg1, %mul3A : i32
    %add3A = arith.addi %mul3A_0, %arg0 : i32
    "tpu.region"() ({
      %run_scoped3A = tpu.sem_alloc : memref<!tpu.dma_semaphore, #tpu.memory_space<semaphore_mem>>
      %dma_start3A_67 = arith.constant 0 : i32
      %dma_start3A_68 = arith.constant 0 : i32
      %dma_start3A_69 = tpu.memref_slice %arg3[%add3A, %dma_start3A_67, %dma_start3A_68] : memref<32x80x128xi32, #tpu.memory_space<hbm>> -> memref<1x80x128xi32, #tpu.memory_space<hbm>>
      %dma_start3A_70 = tpu.memref_squeeze %dma_start3A_69 : memref<1x80x128xi32, #tpu.memory_space<hbm>> -> memref<80x128xi32, #tpu.memory_space<hbm>>
      %dma_start3A_71 = arith.constant 0 : i32
      %dma_start3A_72 = arith.constant 0 : i32
      %dma_start3A_73 = tpu.memref_slice %arg3[%add3A, %dma_start3A_71, %dma_start3A_72] : memref<32x80x128xi32, #tpu.memory_space<hbm>> -> memref<1x80x128xi32, #tpu.memory_space<hbm>>
      %dma_start3A_74 = tpu.memref_squeeze %dma_start3A_73 : memref<1x80x128xi32, #tpu.memory_space<hbm>> -> memref<80x128xi32, #tpu.memory_space<hbm>>
      tpu.enqueue_dma source(%dma_start3A_74 : memref<80x128xi32, #tpu.memory_space<hbm>>) target(%arg7 : memref<80x128xi32, #tpu.memory_space<vmem>>) target_semaphore(%run_scoped3A : memref<!tpu.dma_semaphore, #tpu.memory_space<semaphore_mem>>)
      %dma_wait3A_75 = arith.constant 0 : i32
      %dma_wait3A_76 = arith.constant 0 : i32
      %dma_wait3A_77 = tpu.memref_slice %arg3[%add3A, %dma_wait3A_75, %dma_wait3A_76] : memref<32x80x128xi32, #tpu.memory_space<hbm>> -> memref<1x80x128xi32, #tpu.memory_space<hbm>>
      %dma_wait3A_78 = tpu.memref_squeeze %dma_wait3A_77 : memref<1x80x128xi32, #tpu.memory_space<hbm>> -> memref<80x128xi32, #tpu.memory_space<hbm>>
      %dma_wait3A_79 = arith.constant 0 : i32
      %dma_wait3A_80 = arith.constant 0 : i32
      %dma_wait3A_81 = tpu.memref_slice %arg3[%add3A, %dma_wait3A_79, %dma_wait3A_80] : memref<32x80x128xi32, #tpu.memory_space<hbm>> -> memref<1x80x128xi32, #tpu.memory_space<hbm>>
      %dma_wait3A_82 = tpu.memref_squeeze %dma_wait3A_81 : memref<1x80x128xi32, #tpu.memory_space<hbm>> -> memref<80x128xi32, #tpu.memory_space<hbm>>
      tpu.wait_dma2 semaphore(%run_scoped3A : memref<!tpu.dma_semaphore, #tpu.memory_space<semaphore_mem>>) src(%dma_wait3A_82 : memref<80x128xi32, #tpu.memory_space<hbm>>) dst(%arg7 : memref<80x128xi32, #tpu.memory_space<vmem>>)
      tpu.yield
    }) : () -> ()
    "tpu.region"() ({
      %run_scoped3A = tpu.sem_alloc : memref<!tpu.dma_semaphore, #tpu.memory_space<semaphore_mem>>
      %dma_start3A_67 = arith.constant 0 : i32
      %dma_start3A_68 = arith.constant 0 : i32
      %dma_start3A_69 = tpu.memref_slice %arg4[%add3A, %dma_start3A_67, %dma_start3A_68] : memref<32x80x128xi32, #tpu.memory_space<hbm>> -> memref<1x80x128xi32, #tpu.memory_space<hbm>>
      %dma_start3A_70 = tpu.memref_squeeze %dma_start3A_69 : memref<1x80x128xi32, #tpu.memory_space<hbm>> -> memref<80x128xi32, #tpu.memory_space<hbm>>
      %dma_start3A_71 = arith.constant 0 : i32
      %dma_start3A_72 = arith.constant 0 : i32
      %dma_start3A_73 = tpu.memref_slice %arg4[%add3A, %dma_start3A_71, %dma_start3A_72] : memref<32x80x128xi32, #tpu.memory_space<hbm>> -> memref<1x80x128xi32, #tpu.memory_space<hbm>>
      %dma_start3A_74 = tpu.memref_squeeze %dma_start3A_73 : memref<1x80x128xi32, #tpu.memory_space<hbm>> -> memref<80x128xi32, #tpu.memory_space<hbm>>
      tpu.enqueue_dma source(%dma_start3A_74 : memref<80x128xi32, #tpu.memory_space<hbm>>) target(%arg8 : memref<80x128xi32, #tpu.memory_space<vmem>>) target_semaphore(%run_scoped3A : memref<!tpu.dma_semaphore, #tpu.memory_space<semaphore_mem>>)
      %dma_wait3A_75 = arith.constant 0 : i32
      %dma_wait3A_76 = arith.constant 0 : i32
      %dma_wait3A_77 = tpu.memref_slice %arg4[%add3A, %dma_wait3A_75, %dma_wait3A_76] : memref<32x80x128xi32, #tpu.memory_space<hbm>> -> memref<1x80x128xi32, #tpu.memory_space<hbm>>
      %dma_wait3A_78 = tpu.memref_squeeze %dma_wait3A_77 : memref<1x80x128xi32, #tpu.memory_space<hbm>> -> memref<80x128xi32, #tpu.memory_space<hbm>>
      %dma_wait3A_79 = arith.constant 0 : i32
      %dma_wait3A_80 = arith.constant 0 : i32
      %dma_wait3A_81 = tpu.memref_slice %arg4[%add3A, %dma_wait3A_79, %dma_wait3A_80] : memref<32x80x128xi32, #tpu.memory_space<hbm>> -> memref<1x80x128xi32, #tpu.memory_space<hbm>>
      %dma_wait3A_82 = tpu.memref_squeeze %dma_wait3A_81 : memref<1x80x128xi32, #tpu.memory_space<hbm>> -> memref<80x128xi32, #tpu.memory_space<hbm>>
      tpu.wait_dma2 semaphore(%run_scoped3A : memref<!tpu.dma_semaphore, #tpu.memory_space<semaphore_mem>>) src(%dma_wait3A_82 : memref<80x128xi32, #tpu.memory_space<hbm>>) dst(%arg8 : memref<80x128xi32, #tpu.memory_space<vmem>>)
      tpu.yield
    }) : () -> ()
    "tpu.region"() ({
      %run_scoped3A = tpu.sem_alloc : memref<!tpu.dma_semaphore, #tpu.memory_space<semaphore_mem>>
      %dma_start3A_67 = arith.constant 0 : i32
      %dma_start3A_68 = arith.constant 0 : i32
      %dma_start3A_69 = tpu.memref_slice %arg5[%add3A, %dma_start3A_67, %dma_start3A_68] : memref<32x80x128xf32, #tpu.memory_space<hbm>> -> memref<1x80x128xf32, #tpu.memory_space<hbm>>
      %dma_start3A_70 = tpu.memref_squeeze %dma_start3A_69 : memref<1x80x128xf32, #tpu.memory_space<hbm>> -> memref<80x128xf32, #tpu.memory_space<hbm>>
      %dma_start3A_71 = arith.constant 0 : i32
      %dma_start3A_72 = arith.constant 0 : i32
      %dma_start3A_73 = tpu.memref_slice %arg5[%add3A, %dma_start3A_71, %dma_start3A_72] : memref<32x80x128xf32, #tpu.memory_space<hbm>> -> memref<1x80x128xf32, #tpu.memory_space<hbm>>
      %dma_start3A_74 = tpu.memref_squeeze %dma_start3A_73 : memref<1x80x128xf32, #tpu.memory_space<hbm>> -> memref<80x128xf32, #tpu.memory_space<hbm>>
      tpu.enqueue_dma source(%dma_start3A_74 : memref<80x128xf32, #tpu.memory_space<hbm>>) target(%arg9 : memref<80x128xf32, #tpu.memory_space<vmem>>) target_semaphore(%run_scoped3A : memref<!tpu.dma_semaphore, #tpu.memory_space<semaphore_mem>>)
      %dma_wait3A_75 = arith.constant 0 : i32
      %dma_wait3A_76 = arith.constant 0 : i32
      %dma_wait3A_77 = tpu.memref_slice %arg5[%add3A, %dma_wait3A_75, %dma_wait3A_76] : memref<32x80x128xf32, #tpu.memory_space<hbm>> -> memref<1x80x128xf32, #tpu.memory_space<hbm>>
      %dma_wait3A_78 = tpu.memref_squeeze %dma_wait3A_77 : memref<1x80x128xf32, #tpu.memory_space<hbm>> -> memref<80x128xf32, #tpu.memory_space<hbm>>
      %dma_wait3A_79 = arith.constant 0 : i32
      %dma_wait3A_80 = arith.constant 0 : i32
      %dma_wait3A_81 = tpu.memref_slice %arg5[%add3A, %dma_wait3A_79, %dma_wait3A_80] : memref<32x80x128xf32, #tpu.memory_space<hbm>> -> memref<1x80x128xf32, #tpu.memory_space<hbm>>
      %dma_wait3A_82 = tpu.memref_squeeze %dma_wait3A_81 : memref<1x80x128xf32, #tpu.memory_space<hbm>> -> memref<80x128xf32, #tpu.memory_space<hbm>>
      tpu.wait_dma2 semaphore(%run_scoped3A : memref<!tpu.dma_semaphore, #tpu.memory_space<semaphore_mem>>) src(%dma_wait3A_82 : memref<80x128xf32, #tpu.memory_space<hbm>>) dst(%arg9 : memref<80x128xf32, #tpu.memory_space<vmem>>)
      tpu.yield
    }) : () -> ()
    %scan3A = arith.constant 0 : i32
    %scan3A_1 = arith.constant 0 : i32
    %scan3A_2 = arith.constant 640 : i32
    %scan3A_3 = arith.addi %scan3A_1, %scan3A_2 : i32
    %scan3A_4 = arith.constant 1 : i32
    %scan3A_5 = scf.for %scan3A_67 = %scan3A_1 to %scan3A_3 step %scan3A_4 iter_args(%scan3A_68 = %scan3A) -> (i32)  : i32 {
      %broadcast_in_dim3A = arith.constant 0.000000e+00 : f32
      %broadcast_in_dim3A_69 = vector.broadcast %broadcast_in_dim3A : f32 to vector<16xf32>
      %swap3A = arith.index_cast %scan3A_67 : i32 to index
      %swap3A_70 = arith.constant 0 : index
      %swap3A_71 = tpu.vector_load %arg11[%swap3A, %swap3A_70] {strides = array<i32>} : memref<640x16xf32, #tpu.memory_space<vmem>>, vector<16xf32>,
      tpu.vector_store %arg11[%swap3A, %swap3A_70], %broadcast_in_dim3A_69 {strides = array<i32>} : memref<640x16xf32, #tpu.memory_space<vmem>>, vector<16xf32>,
      %scan3A_72 = arith.constant 0 : i32
      scf.yield %scan3A_72 : i32
    }
    %scan3A_6 = arith.constant 640 : i32
    %mul3A_7 = arith.constant 640 : i32
    %mul3A_8 = arith.muli %arg1, %mul3A_7 : i32
    "tpu.region"() ({
      %run_scoped3A = tpu.sem_alloc : memref<!tpu.dma_semaphore, #tpu.memory_space<semaphore_mem>>
      %dma_start3A_67 = arith.constant 0 : i32
      %dma_start3A_68 = tpu.memref_slice %arg12[%mul3A_8, %dma_start3A_67] : memref<10240x16xf32, #tpu.memory_space<vmem_shared>> -> memref<640x16xf32, #tpu.memory_space<vmem_shared>>
      %dma_start3A_69 = arith.constant 0 : i32
      %dma_start3A_70 = tpu.memref_slice %arg12[%mul3A_8, %dma_start3A_69] : memref<10240x16xf32, #tpu.memory_space<vmem_shared>> -> memref<640x16xf32, #tpu.memory_space<vmem_shared>>
      tpu.enqueue_dma source(%arg11 : memref<640x16xf32, #tpu.memory_space<vmem>>) target(%dma_start3A_70 : memref<640x16xf32, #tpu.memory_space<vmem_shared>>) target_semaphore(%run_scoped3A : memref<!tpu.dma_semaphore, #tpu.memory_space<semaphore_mem>>)
      %dma_wait3A_71 = arith.constant 0 : i32
      %dma_wait3A_72 = tpu.memref_slice %arg12[%mul3A_8, %dma_wait3A_71] : memref<10240x16xf32, #tpu.memory_space<vmem_shared>> -> memref<640x16xf32, #tpu.memory_space<vmem_shared>>
      %dma_wait3A_73 = arith.constant 0 : i32
      %dma_wait3A_74 = tpu.memref_slice %arg12[%mul3A_8, %dma_wait3A_73] : memref<10240x16xf32, #tpu.memory_space<vmem_shared>> -> memref<640x16xf32, #tpu.memory_space<vmem_shared>>
      tpu.wait_dma2 semaphore(%run_scoped3A : memref<!tpu.dma_semaphore, #tpu.memory_space<semaphore_mem>>) src(%arg11 : memref<640x16xf32, #tpu.memory_space<vmem>>) dst(%dma_wait3A_74 : memref<640x16xf32, #tpu.memory_space<vmem_shared>>)
      tpu.yield
    }) : () -> ()
    %barrier3A = arith.constant 0 : index
    tpu.barrier barrier_id(%barrier3A)
    %dma_start3A = arith.constant 0 : i32
    %dma_start3A_9 = arith.constant 0 : i32
    %dma_start3A_10 = arith.constant 0 : i32
    %dma_start3A_11 = arith.constant 0 : i32
    %dma_start3A_12 = tpu.memref_slice %arg10[%dma_start3A_9, %dma_start3A_10, %dma_start3A_11] : memref<4x128x16xf32, #tpu.memory_space<vmem>> -> memref<1x128x16xf32, #tpu.memory_space<vmem>>
    %dma_start3A_13 = tpu.memref_squeeze %dma_start3A_12 : memref<1x128x16xf32, #tpu.memory_space<vmem>> -> memref<128x16xf32, #tpu.memory_space<vmem>>
    %dma_start3A_14 = arith.constant 0 : i32
    %dma_start3A_15 = tpu.memref_slice %arg7[%dma_start3A, %dma_start3A_14] : memref<80x128xi32, #tpu.memory_space<vmem>> -> memref<1x128xi32, #tpu.memory_space<vmem>>
    %dma_start3A_16 = tpu.memref_squeeze %dma_start3A_15 : memref<1x128xi32, #tpu.memory_space<vmem>> -> memref<128xi32, #tpu.memory_space<vmem>>
    %dma_start3A_17 = arith.constant 0 : i32
    %dma_start3A_18 = arith.constant 0 : i32
    %dma_start3A_19 = tpu.memref_slice %arg2[%dma_start3A_17, %dma_start3A_18] : memref<10000x16xf32, #tpu.memory_space<hbm>> -> memref<10000x16xf32, #tpu.memory_space<hbm>>
    tpu.enqueue_indirect_dma source(%dma_start3A_19 : memref<10000x16xf32, #tpu.memory_space<hbm>>) target(%dma_start3A_13 : memref<128x16xf32, #tpu.memory_space<vmem>>) offsets(%dma_start3A_16 : memref<128xi32, #tpu.memory_space<vmem>>) semaphore(%arg13 : memref<!tpu.dma_semaphore, #tpu.memory_space<semaphore_mem>>)
    %dma_start3A_20 = arith.constant 1 : i32
    %dma_start3A_21 = arith.constant 1 : i32
    %dma_start3A_22 = arith.constant 0 : i32
    %dma_start3A_23 = arith.constant 0 : i32
    %dma_start3A_24 = tpu.memref_slice %arg10[%dma_start3A_21, %dma_start3A_22, %dma_start3A_23] : memref<4x128x16xf32, #tpu.memory_space<vmem>> -> memref<1x128x16xf32, #tpu.memory_space<vmem>>
    %dma_start3A_25 = tpu.memref_squeeze %dma_start3A_24 : memref<1x128x16xf32, #tpu.memory_space<vmem>> -> memref<128x16xf32, #tpu.memory_space<vmem>>
    %dma_start3A_26 = arith.constant 0 : i32
    %dma_start3A_27 = tpu.memref_slice %arg7[%dma_start3A_20, %dma_start3A_26] : memref<80x128xi32, #tpu.memory_space<vmem>> -> memref<1x128xi32, #tpu.memory_space<vmem>>
    %dma_start3A_28 = tpu.memref_squeeze %dma_start3A_27 : memref<1x128xi32, #tpu.memory_space<vmem>> -> memref<128xi32, #tpu.memory_space<vmem>>
    %dma_start3A_29 = arith.constant 0 : i32
    %dma_start3A_30 = arith.constant 0 : i32
    %dma_start3A_31 = tpu.memref_slice %arg2[%dma_start3A_29, %dma_start3A_30] : memref<10000x16xf32, #tpu.memory_space<hbm>> -> memref<10000x16xf32, #tpu.memory_space<hbm>>
    tpu.enqueue_indirect_dma source(%dma_start3A_31 : memref<10000x16xf32, #tpu.memory_space<hbm>>) target(%dma_start3A_25 : memref<128x16xf32, #tpu.memory_space<vmem>>) offsets(%dma_start3A_28 : memref<128xi32, #tpu.memory_space<vmem>>) semaphore(%arg14 : memref<!tpu.dma_semaphore, #tpu.memory_space<semaphore_mem>>)
    %scan3A_32 = arith.constant 0 : i32
    %scan3A_33 = arith.constant 0 : i32
    %scan3A_34 = arith.constant 20 : i32
    %scan3A_35 = arith.addi %scan3A_33, %scan3A_34 : i32
    %scan3A_36 = arith.constant 1 : i32
    %scan3A_37 = scf.for %scan3A_67 = %scan3A_33 to %scan3A_35 step %scan3A_36 iter_args(%scan3A_68 = %scan3A_32) -> (i32)  : i32 {
      %mul3A_69 = arith.constant 4 : i32
      %mul3A_70 = arith.muli %scan3A_67, %mul3A_69 : i32
      %add3A_71 = arith.constant 0 : i32
      %add3A_72 = arith.addi %mul3A_70, %add3A_71 : i32
      %dma_wait3A_73 = arith.constant 0 : i32
      %dma_wait3A_74 = arith.constant 0 : i32
      %dma_wait3A_75 = arith.constant 0 : i32
      %dma_wait3A_76 = tpu.memref_slice %arg10[%dma_wait3A_73, %dma_wait3A_74, %dma_wait3A_75] : memref<4x128x16xf32, #tpu.memory_space<vmem>> -> memref<1x128x16xf32, #tpu.memory_space<vmem>>
      %dma_wait3A_77 = tpu.memref_squeeze %dma_wait3A_76 : memref<1x128x16xf32, #tpu.memory_space<vmem>> -> memref<128x16xf32, #tpu.memory_space<vmem>>
      %dma_wait3A_78 = arith.constant 0 : i32
      %dma_wait3A_79 = tpu.memref_slice %arg7[%add3A_72, %dma_wait3A_78] : memref<80x128xi32, #tpu.memory_space<vmem>> -> memref<1x128xi32, #tpu.memory_space<vmem>>
      %dma_wait3A_80 = tpu.memref_squeeze %dma_wait3A_79 : memref<1x128xi32, #tpu.memory_space<vmem>> -> memref<128xi32, #tpu.memory_space<vmem>>
      %dma_wait3A_81 = arith.constant 0 : i32
      %dma_wait3A_82 = arith.constant 0 : i32
      %dma_wait3A_83 = tpu.memref_slice %arg2[%dma_wait3A_81, %dma_wait3A_82] : memref<10000x16xf32, #tpu.memory_space<hbm>> -> memref<10000x16xf32, #tpu.memory_space<hbm>>
      tpu.wait_indirect_dma semaphore(%arg13 : memref<!tpu.dma_semaphore, #tpu.memory_space<semaphore_mem>>) src(%dma_wait3A_83 : memref<10000x16xf32, #tpu.memory_space<hbm>>) dst(%dma_wait3A_77 : memref<128x16xf32, #tpu.memory_space<vmem>>)
      %scan3A_84 = arith.constant 0 : i32
      %scan3A_85 = arith.constant 0 : i32
      %scan3A_86 = arith.constant 8 : i32
      %scan3A_87 = arith.addi %scan3A_85, %scan3A_86 : i32
      %scan3A_88 = arith.constant 1 : i32
      %scan3A_89 = scf.for %scan3A_246 = %scan3A_85 to %scan3A_87 step %scan3A_88 iter_args(%scan3A_247 = %scan3A_84) -> (i32)  : i32 {
        %mul3A_248 = arith.constant 16 : i32
        %mul3A_249 = arith.muli %scan3A_246, %mul3A_248 : i32
        %get3A = arith.index_cast %add3A_72 : i32 to index
        %get3A_250 = arith.index_cast %mul3A_249 : i32 to index
        %get3A_251 = tpu.vector_load %arg9[%get3A, %get3A_250] {strides = array<i32>} : memref<80x128xf32, #tpu.memory_space<vmem>>, vector<16xf32>,
        %mul3A_252 = arith.constant 16 : i32
        %mul3A_253 = arith.muli %scan3A_246, %mul3A_252 : i32
        %add3A_254 = arith.constant 0 : i32
        %add3A_255 = arith.addi %mul3A_253, %add3A_254 : i32
        %get3A_256 = arith.constant 0 : i32
        %get3A_257 = arith.index_cast %get3A_256 : i32 to index
        %get3A_258 = arith.index_cast %add3A_255 : i32 to index
        %get3A_259 = arith.constant 0 : index
        %get3A_260 = tpu.vector_load %arg10[%get3A_257, %get3A_258, %get3A_259] {strides = array<i32>} : memref<4x128x16xf32, #tpu.memory_space<vmem>>, vector<16xf32>,
        %slice3A = vector.extract_strided_slice %get3A_251 {offsets = [0], sizes = [1], strides = [1]} : vector<16xf32> to vector<1xf32>
        %squeeze3A = vector.extract %slice3A[0] : f32 from vector<1xf32>
        %mul3A_261 = vector.broadcast %squeeze3A : f32 to vector<16xf32>
        %mul3A_262 = arith.mulf %get3A_260, %mul3A_261 : vector<16xf32>
        %add3A_263 = arith.constant 0 : i32
        %add3A_264 = arith.addi %mul3A_253, %add3A_263 : i32
        %swap3A = arith.constant 0 : i32
        %swap3A_265 = arith.index_cast %swap3A : i32 to index
        %swap3A_266 = arith.index_cast %add3A_264 : i32 to index
        %swap3A_267 = arith.constant 0 : index
        %swap3A_268 = tpu.vector_load %arg10[%swap3A_265, %swap3A_266, %swap3A_267] {strides = array<i32>} : memref<4x128x16xf32, #tpu.memory_space<vmem>>, vector<16xf32>,
        tpu.vector_store %arg10[%swap3A_265, %swap3A_266, %swap3A_267], %mul3A_262 {strides = array<i32>} : memref<4x128x16xf32, #tpu.memory_space<vmem>>, vector<16xf32>,
        %add3A_269 = arith.constant 1 : i32
        %add3A_270 = arith.addi %mul3A_253, %add3A_269 : i32
        %get3A_271 = arith.constant 0 : i32
        %get3A_272 = arith.index_cast %get3A_271 : i32 to index
        %get3A_273 = arith.index_cast %add3A_270 : i32 to index
        %get3A_274 = arith.constant 0 : index
        %get3A_275 = tpu.vector_load %arg10[%get3A_272, %get3A_273, %get3A_274] {strides = array<i32>} : memref<4x128x16xf32, #tpu.memory_space<vmem>>, vector<16xf32>,
        %slice3A_276 = vector.extract_strided_slice %get3A_251 {offsets = [1], sizes = [1], strides = [1]} : vector<16xf32> to vector<1xf32>
        %squeeze3A_277 = vector.extract %slice3A_276[0] : f32 from vector<1xf32>
        %mul3A_278 = vector.broadcast %squeeze3A_277 : f32 to vector<16xf32>
        %mul3A_279 = arith.mulf %get3A_275, %mul3A_278 : vector<16xf32>
        %add3A_280 = arith.constant 1 : i32
        %add3A_281 = arith.addi %mul3A_253, %add3A_280 : i32
        %swap3A_282 = arith.constant 0 : i32
        %swap3A_283 = arith.index_cast %swap3A_282 : i32 to index
        %swap3A_284 = arith.index_cast %add3A_281 : i32 to index
        %swap3A_285 = arith.constant 0 : index
        %swap3A_286 = tpu.vector_load %arg10[%swap3A_283, %swap3A_284, %swap3A_285] {strides = array<i32>} : memref<4x128x16xf32, #tpu.memory_space<vmem>>, vector<16xf32>,
        tpu.vector_store %arg10[%swap3A_283, %swap3A_284, %swap3A_285], %mul3A_279 {strides = array<i32>} : memref<4x128x16xf32, #tpu.memory_space<vmem>>, vector<16xf32>,
        %add3A_287 = arith.constant 2 : i32
        %add3A_288 = arith.addi %mul3A_253, %add3A_287 : i32
        %get3A_289 = arith.constant 0 : i32
        %get3A_290 = arith.index_cast %get3A_289 : i32 to index
        %get3A_291 = arith.index_cast %add3A_288 : i32 to index
        %get3A_292 = arith.constant 0 : index
        %get3A_293 = tpu.vector_load %arg10[%get3A_290, %get3A_291, %get3A_292] {strides = array<i32>} : memref<4x128x16xf32, #tpu.memory_space<vmem>>, vector<16xf32>,
        %slice3A_294 = vector.extract_strided_slice %get3A_251 {offsets = [2], sizes = [1], strides = [1]} : vector<16xf32> to vector<1xf32>
        %squeeze3A_295 = vector.extract %slice3A_294[0] : f32 from vector<1xf32>
        %mul3A_296 = vector.broadcast %squeeze3A_295 : f32 to vector<16xf32>
        %mul3A_297 = arith.mulf %get3A_293, %mul3A_296 : vector<16xf32>
        %add3A_298 = arith.constant 2 : i32
        %add3A_299 = arith.addi %mul3A_253, %add3A_298 : i32
        %swap3A_300 = arith.constant 0 : i32
        %swap3A_301 = arith.index_cast %swap3A_300 : i32 to index
        %swap3A_302 = arith.index_cast %add3A_299 : i32 to index
        %swap3A_303 = arith.constant 0 : index
        %swap3A_304 = tpu.vector_load %arg10[%swap3A_301, %swap3A_302, %swap3A_303] {strides = array<i32>} : memref<4x128x16xf32, #tpu.memory_space<vmem>>, vector<16xf32>,
        tpu.vector_store %arg10[%swap3A_301, %swap3A_302, %swap3A_303], %mul3A_297 {strides = array<i32>} : memref<4x128x16xf32, #tpu.memory_space<vmem>>, vector<16xf32>,
        %add3A_305 = arith.constant 3 : i32
        %add3A_306 = arith.addi %mul3A_253, %add3A_305 : i32
        %get3A_307 = arith.constant 0 : i32
        %get3A_308 = arith.index_cast %get3A_307 : i32 to index
        %get3A_309 = arith.index_cast %add3A_306 : i32 to index
        %get3A_310 = arith.constant 0 : index
        %get3A_311 = tpu.vector_load %arg10[%get3A_308, %get3A_309, %get3A_310] {strides = array<i32>} : memref<4x128x16xf32, #tpu.memory_space<vmem>>, vector<16xf32>,
        %slice3A_312 = vector.extract_strided_slice %get3A_251 {offsets = [3], sizes = [1], strides = [1]} : vector<16xf32> to vector<1xf32>
        %squeeze3A_313 = vector.extract %slice3A_312[0] : f32 from vector<1xf32>
        %mul3A_314 = vector.broadcast %squeeze3A_313 : f32 to vector<16xf32>
        %mul3A_315 = arith.mulf %get3A_311, %mul3A_314 : vector<16xf32>
        %add3A_316 = arith.constant 3 : i32
        %add3A_317 = arith.addi %mul3A_253, %add3A_316 : i32
        %swap3A_318 = arith.constant 0 : i32
        %swap3A_319 = arith.index_cast %swap3A_318 : i32 to index
        %swap3A_320 = arith.index_cast %add3A_317 : i32 to index
        %swap3A_321 = arith.constant 0 : index
        %swap3A_322 = tpu.vector_load %arg10[%swap3A_319, %swap3A_320, %swap3A_321] {strides = array<i32>} : memref<4x128x16xf32, #tpu.memory_space<vmem>>, vector<16xf32>,
        tpu.vector_store %arg10[%swap3A_319, %swap3A_320, %swap3A_321], %mul3A_315 {strides = array<i32>} : memref<4x128x16xf32, #tpu.memory_space<vmem>>, vector<16xf32>,
        %add3A_323 = arith.constant 4 : i32
        %add3A_324 = arith.addi %mul3A_253, %add3A_323 : i32
        %get3A_325 = arith.constant 0 : i32
        %get3A_326 = arith.index_cast %get3A_325 : i32 to index
        %get3A_327 = arith.index_cast %add3A_324 : i32 to index
        %get3A_328 = arith.constant 0 : index
        %get3A_329 = tpu.vector_load %arg10[%get3A_326, %get3A_327, %get3A_328] {strides = array<i32>} : memref<4x128x16xf32, #tpu.memory_space<vmem>>, vector<16xf32>,
        %slice3A_330 = vector.extract_strided_slice %get3A_251 {offsets = [4], sizes = [1], strides = [1]} : vector<16xf32> to vector<1xf32>
        %squeeze3A_331 = vector.extract %slice3A_330[0] : f32 from vector<1xf32>
        %mul3A_332 = vector.broadcast %squeeze3A_331 : f32 to vector<16xf32>
        %mul3A_333 = arith.mulf %get3A_329, %mul3A_332 : vector<16xf32>
        %add3A_334 = arith.constant 4 : i32
        %add3A_335 = arith.addi %mul3A_253, %add3A_334 : i32
        %swap3A_336 = arith.constant 0 : i32
        %swap3A_337 = arith.index_cast %swap3A_336 : i32 to index
        %swap3A_338 = arith.index_cast %add3A_335 : i32 to index
        %swap3A_339 = arith.constant 0 : index
        %swap3A_340 = tpu.vector_load %arg10[%swap3A_337, %swap3A_338, %swap3A_339] {strides = array<i32>} : memref<4x128x16xf32, #tpu.memory_space<vmem>>, vector<16xf32>,
        tpu.vector_store %arg10[%swap3A_337, %swap3A_338, %swap3A_339], %mul3A_333 {strides = array<i32>} : memref<4x128x16xf32, #tpu.memory_space<vmem>>, vector<16xf32>,
        %add3A_341 = arith.constant 5 : i32
        %add3A_342 = arith.addi %mul3A_253, %add3A_341 : i32
        %get3A_343 = arith.constant 0 : i32
        %get3A_344 = arith.index_cast %get3A_343 : i32 to index
        %get3A_345 = arith.index_cast %add3A_342 : i32 to index
        %get3A_346 = arith.constant 0 : index
        %get3A_347 = tpu.vector_load %arg10[%get3A_344, %get3A_345, %get3A_346] {strides = array<i32>} : memref<4x128x16xf32, #tpu.memory_space<vmem>>, vector<16xf32>,
        %slice3A_348 = vector.extract_strided_slice %get3A_251 {offsets = [5], sizes = [1], strides = [1]} : vector<16xf32> to vector<1xf32>
        %squeeze3A_349 = vector.extract %slice3A_348[0] : f32 from vector<1xf32>
        %mul3A_350 = vector.broadcast %squeeze3A_349 : f32 to vector<16xf32>
        %mul3A_351 = arith.mulf %get3A_347, %mul3A_350 : vector<16xf32>
        %add3A_352 = arith.constant 5 : i32
        %add3A_353 = arith.addi %mul3A_253, %add3A_352 : i32
        %swap3A_354 = arith.constant 0 : i32
        %swap3A_355 = arith.index_cast %swap3A_354 : i32 to index
        %swap3A_356 = arith.index_cast %add3A_353 : i32 to index
        %swap3A_357 = arith.constant 0 : index
        %swap3A_358 = tpu.vector_load %arg10[%swap3A_355, %swap3A_356, %swap3A_357] {strides = array<i32>} : memref<4x128x16xf32, #tpu.memory_space<vmem>>, vector<16xf32>,
        tpu.vector_store %arg10[%swap3A_355, %swap3A_356, %swap3A_357], %mul3A_351 {strides = array<i32>} : memref<4x128x16xf32, #tpu.memory_space<vmem>>, vector<16xf32>,
        %add3A_359 = arith.constant 6 : i32
        %add3A_360 = arith.addi %mul3A_253, %add3A_359 : i32
        %get3A_361 = arith.constant 0 : i32
        %get3A_362 = arith.index_cast %get3A_361 : i32 to index
        %get3A_363 = arith.index_cast %add3A_360 : i32 to index
        %get3A_364 = arith.constant 0 : index
        %get3A_365 = tpu.vector_load %arg10[%get3A_362, %get3A_363, %get3A_364] {strides = array<i32>} : memref<4x128x16xf32, #tpu.memory_space<vmem>>, vector<16xf32>,
        %slice3A_366 = vector.extract_strided_slice %get3A_251 {offsets = [6], sizes = [1], strides = [1]} : vector<16xf32> to vector<1xf32>
        %squeeze3A_367 = vector.extract %slice3A_366[0] : f32 from vector<1xf32>
        %mul3A_368 = vector.broadcast %squeeze3A_367 : f32 to vector<16xf32>
        %mul3A_369 = arith.mulf %get3A_365, %mul3A_368 : vector<16xf32>
        %add3A_370 = arith.constant 6 : i32
        %add3A_371 = arith.addi %mul3A_253, %add3A_370 : i32
        %swap3A_372 = arith.constant 0 : i32
        %swap3A_373 = arith.index_cast %swap3A_372 : i32 to index
        %swap3A_374 = arith.index_cast %add3A_371 : i32 to index
        %swap3A_375 = arith.constant 0 : index
        %swap3A_376 = tpu.vector_load %arg10[%swap3A_373, %swap3A_374, %swap3A_375] {strides = array<i32>} : memref<4x128x16xf32, #tpu.memory_space<vmem>>, vector<16xf32>,
        tpu.vector_store %arg10[%swap3A_373, %swap3A_374, %swap3A_375], %mul3A_369 {strides = array<i32>} : memref<4x128x16xf32, #tpu.memory_space<vmem>>, vector<16xf32>,
        %add3A_377 = arith.constant 7 : i32
        %add3A_378 = arith.addi %mul3A_253, %add3A_377 : i32
        %get3A_379 = arith.constant 0 : i32
        %get3A_380 = arith.index_cast %get3A_379 : i32 to index
        %get3A_381 = arith.index_cast %add3A_378 : i32 to index
        %get3A_382 = arith.constant 0 : index
        %get3A_383 = tpu.vector_load %arg10[%get3A_380, %get3A_381, %get3A_382] {strides = array<i32>} : memref<4x128x16xf32, #tpu.memory_space<vmem>>, vector<16xf32>,
        %slice3A_384 = vector.extract_strided_slice %get3A_251 {offsets = [7], sizes = [1], strides = [1]} : vector<16xf32> to vector<1xf32>
        %squeeze3A_385 = vector.extract %slice3A_384[0] : f32 from vector<1xf32>
        %mul3A_386 = vector.broadcast %squeeze3A_385 : f32 to vector<16xf32>
        %mul3A_387 = arith.mulf %get3A_383, %mul3A_386 : vector<16xf32>
        %add3A_388 = arith.constant 7 : i32
        %add3A_389 = arith.addi %mul3A_253, %add3A_388 : i32
        %swap3A_390 = arith.constant 0 : i32
        %swap3A_391 = arith.index_cast %swap3A_390 : i32 to index
        %swap3A_392 = arith.index_cast %add3A_389 : i32 to index
        %swap3A_393 = arith.constant 0 : index
        %swap3A_394 = tpu.vector_load %arg10[%swap3A_391, %swap3A_392, %swap3A_393] {strides = array<i32>} : memref<4x128x16xf32, #tpu.memory_space<vmem>>, vector<16xf32>,
        tpu.vector_store %arg10[%swap3A_391, %swap3A_392, %swap3A_393], %mul3A_387 {strides = array<i32>} : memref<4x128x16xf32, #tpu.memory_space<vmem>>, vector<16xf32>,
        %add3A_395 = arith.constant 8 : i32
        %add3A_396 = arith.addi %mul3A_253, %add3A_395 : i32
        %get3A_397 = arith.constant 0 : i32
        %get3A_398 = arith.index_cast %get3A_397 : i32 to index
        %get3A_399 = arith.index_cast %add3A_396 : i32 to index
        %get3A_400 = arith.constant 0 : index
        %get3A_401 = tpu.vector_load %arg10[%get3A_398, %get3A_399, %get3A_400] {strides = array<i32>} : memref<4x128x16xf32, #tpu.memory_space<vmem>>, vector<16xf32>,
        %slice3A_402 = vector.extract_strided_slice %get3A_251 {offsets = [8], sizes = [1], strides = [1]} : vector<16xf32> to vector<1xf32>
        %squeeze3A_403 = vector.extract %slice3A_402[0] : f32 from vector<1xf32>
        %mul3A_404 = vector.broadcast %squeeze3A_403 : f32 to vector<16xf32>
        %mul3A_405 = arith.mulf %get3A_401, %mul3A_404 : vector<16xf32>
        %add3A_406 = arith.constant 8 : i32
        %add3A_407 = arith.addi %mul3A_253, %add3A_406 : i32
        %swap3A_408 = arith.constant 0 : i32
        %swap3A_409 = arith.index_cast %swap3A_408 : i32 to index
        %swap3A_410 = arith.index_cast %add3A_407 : i32 to index
        %swap3A_411 = arith.constant 0 : index
        %swap3A_412 = tpu.vector_load %arg10[%swap3A_409, %swap3A_410, %swap3A_411] {strides = array<i32>} : memref<4x128x16xf32, #tpu.memory_space<vmem>>, vector<16xf32>,
        tpu.vector_store %arg10[%swap3A_409, %swap3A_410, %swap3A_411], %mul3A_405 {strides = array<i32>} : memref<4x128x16xf32, #tpu.memory_space<vmem>>, vector<16xf32>,
        %add3A_413 = arith.constant 9 : i32
        %add3A_414 = arith.addi %mul3A_253, %add3A_413 : i32
        %get3A_415 = arith.constant 0 : i32
        %get3A_416 = arith.index_cast %get3A_415 : i32 to index
        %get3A_417 = arith.index_cast %add3A_414 : i32 to index
        %get3A_418 = arith.constant 0 : index
        %get3A_419 = tpu.vector_load %arg10[%get3A_416, %get3A_417, %get3A_418] {strides = array<i32>} : memref<4x128x16xf32, #tpu.memory_space<vmem>>, vector<16xf32>,
        %slice3A_420 = vector.extract_strided_slice %get3A_251 {offsets = [9], sizes = [1], strides = [1]} : vector<16xf32> to vector<1xf32>
        %squeeze3A_421 = vector.extract %slice3A_420[0] : f32 from vector<1xf32>
        %mul3A_422 = vector.broadcast %squeeze3A_421 : f32 to vector<16xf32>
        %mul3A_423 = arith.mulf %get3A_419, %mul3A_422 : vector<16xf32>
        %add3A_424 = arith.constant 9 : i32
        %add3A_425 = arith.addi %mul3A_253, %add3A_424 : i32
        %swap3A_426 = arith.constant 0 : i32
        %swap3A_427 = arith.index_cast %swap3A_426 : i32 to index
        %swap3A_428 = arith.index_cast %add3A_425 : i32 to index
        %swap3A_429 = arith.constant 0 : index
        %swap3A_430 = tpu.vector_load %arg10[%swap3A_427, %swap3A_428, %swap3A_429] {strides = array<i32>} : memref<4x128x16xf32, #tpu.memory_space<vmem>>, vector<16xf32>,
        tpu.vector_store %arg10[%swap3A_427, %swap3A_428, %swap3A_429], %mul3A_423 {strides = array<i32>} : memref<4x128x16xf32, #tpu.memory_space<vmem>>, vector<16xf32>,
        %add3A_431 = arith.constant 10 : i32
        %add3A_432 = arith.addi %mul3A_253, %add3A_431 : i32
        %get3A_433 = arith.constant 0 : i32
        %get3A_434 = arith.index_cast %get3A_433 : i32 to index
        %get3A_435 = arith.index_cast %add3A_432 : i32 to index
        %get3A_436 = arith.constant 0 : index
        %get3A_437 = tpu.vector_load %arg10[%get3A_434, %get3A_435, %get3A_436] {strides = array<i32>} : memref<4x128x16xf32, #tpu.memory_space<vmem>>, vector<16xf32>,
        %slice3A_438 = vector.extract_strided_slice %get3A_251 {offsets = [10], sizes = [1], strides = [1]} : vector<16xf32> to vector<1xf32>
        %squeeze3A_439 = vector.extract %slice3A_438[0] : f32 from vector<1xf32>
        %mul3A_440 = vector.broadcast %squeeze3A_439 : f32 to vector<16xf32>
        %mul3A_441 = arith.mulf %get3A_437, %mul3A_440 : vector<16xf32>
        %add3A_442 = arith.constant 10 : i32
        %add3A_443 = arith.addi %mul3A_253, %add3A_442 : i32
        %swap3A_444 = arith.constant 0 : i32
        %swap3A_445 = arith.index_cast %swap3A_444 : i32 to index
        %swap3A_446 = arith.index_cast %add3A_443 : i32 to index
        %swap3A_447 = arith.constant 0 : index
        %swap3A_448 = tpu.vector_load %arg10[%swap3A_445, %swap3A_446, %swap3A_447] {strides = array<i32>} : memref<4x128x16xf32, #tpu.memory_space<vmem>>, vector<16xf32>,
        tpu.vector_store %arg10[%swap3A_445, %swap3A_446, %swap3A_447], %mul3A_441 {strides = array<i32>} : memref<4x128x16xf32, #tpu.memory_space<vmem>>, vector<16xf32>,
        %add3A_449 = arith.constant 11 : i32
        %add3A_450 = arith.addi %mul3A_253, %add3A_449 : i32
        %get3A_451 = arith.constant 0 : i32
        %get3A_452 = arith.index_cast %get3A_451 : i32 to index
        %get3A_453 = arith.index_cast %add3A_450 : i32 to index
        %get3A_454 = arith.constant 0 : index
        %get3A_455 = tpu.vector_load %arg10[%get3A_452, %get3A_453, %get3A_454] {strides = array<i32>} : memref<4x128x16xf32, #tpu.memory_space<vmem>>, vector<16xf32>,
        %slice3A_456 = vector.extract_strided_slice %get3A_251 {offsets = [11], sizes = [1], strides = [1]} : vector<16xf32> to vector<1xf32>
        %squeeze3A_457 = vector.extract %slice3A_456[0] : f32 from vector<1xf32>
        %mul3A_458 = vector.broadcast %squeeze3A_457 : f32 to vector<16xf32>
        %mul3A_459 = arith.mulf %get3A_455, %mul3A_458 : vector<16xf32>
        %add3A_460 = arith.constant 11 : i32
        %add3A_461 = arith.addi %mul3A_253, %add3A_460 : i32
        %swap3A_462 = arith.constant 0 : i32
        %swap3A_463 = arith.index_cast %swap3A_462 : i32 to index
        %swap3A_464 = arith.index_cast %add3A_461 : i32 to index
        %swap3A_465 = arith.constant 0 : index
        %swap3A_466 = tpu.vector_load %arg10[%swap3A_463, %swap3A_464, %swap3A_465] {strides = array<i32>} : memref<4x128x16xf32, #tpu.memory_space<vmem>>, vector<16xf32>,
        tpu.vector_store %arg10[%swap3A_463, %swap3A_464, %swap3A_465], %mul3A_459 {strides = array<i32>} : memref<4x128x16xf32, #tpu.memory_space<vmem>>, vector<16xf32>,
        %add3A_467 = arith.constant 12 : i32
        %add3A_468 = arith.addi %mul3A_253, %add3A_467 : i32
        %get3A_469 = arith.constant 0 : i32
        %get3A_470 = arith.index_cast %get3A_469 : i32 to index
        %get3A_471 = arith.index_cast %add3A_468 : i32 to index
        %get3A_472 = arith.constant 0 : index
        %get3A_473 = tpu.vector_load %arg10[%get3A_470, %get3A_471, %get3A_472] {strides = array<i32>} : memref<4x128x16xf32, #tpu.memory_space<vmem>>, vector<16xf32>,
        %slice3A_474 = vector.extract_strided_slice %get3A_251 {offsets = [12], sizes = [1], strides = [1]} : vector<16xf32> to vector<1xf32>
        %squeeze3A_475 = vector.extract %slice3A_474[0] : f32 from vector<1xf32>
        %mul3A_476 = vector.broadcast %squeeze3A_475 : f32 to vector<16xf32>
        %mul3A_477 = arith.mulf %get3A_473, %mul3A_476 : vector<16xf32>
        %add3A_478 = arith.constant 12 : i32
        %add3A_479 = arith.addi %mul3A_253, %add3A_478 : i32
        %swap3A_480 = arith.constant 0 : i32
        %swap3A_481 = arith.index_cast %swap3A_480 : i32 to index
        %swap3A_482 = arith.index_cast %add3A_479 : i32 to index
        %swap3A_483 = arith.constant 0 : index
        %swap3A_484 = tpu.vector_load %arg10[%swap3A_481, %swap3A_482, %swap3A_483] {strides = array<i32>} : memref<4x128x16xf32, #tpu.memory_space<vmem>>, vector<16xf32>,
        tpu.vector_store %arg10[%swap3A_481, %swap3A_482, %swap3A_483], %mul3A_477 {strides = array<i32>} : memref<4x128x16xf32, #tpu.memory_space<vmem>>, vector<16xf32>,
        %add3A_485 = arith.constant 13 : i32
        %add3A_486 = arith.addi %mul3A_253, %add3A_485 : i32
        %get3A_487 = arith.constant 0 : i32
        %get3A_488 = arith.index_cast %get3A_487 : i32 to index
        %get3A_489 = arith.index_cast %add3A_486 : i32 to index
        %get3A_490 = arith.constant 0 : index
        %get3A_491 = tpu.vector_load %arg10[%get3A_488, %get3A_489, %get3A_490] {strides = array<i32>} : memref<4x128x16xf32, #tpu.memory_space<vmem>>, vector<16xf32>,
        %slice3A_492 = vector.extract_strided_slice %get3A_251 {offsets = [13], sizes = [1], strides = [1]} : vector<16xf32> to vector<1xf32>
        %squeeze3A_493 = vector.extract %slice3A_492[0] : f32 from vector<1xf32>
        %mul3A_494 = vector.broadcast %squeeze3A_493 : f32 to vector<16xf32>
        %mul3A_495 = arith.mulf %get3A_491, %mul3A_494 : vector<16xf32>
        %add3A_496 = arith.constant 13 : i32
        %add3A_497 = arith.addi %mul3A_253, %add3A_496 : i32
        %swap3A_498 = arith.constant 0 : i32
        %swap3A_499 = arith.index_cast %swap3A_498 : i32 to index
        %swap3A_500 = arith.index_cast %add3A_497 : i32 to index
        %swap3A_501 = arith.constant 0 : index
        %swap3A_502 = tpu.vector_load %arg10[%swap3A_499, %swap3A_500, %swap3A_501] {strides = array<i32>} : memref<4x128x16xf32, #tpu.memory_space<vmem>>, vector<16xf32>,
        tpu.vector_store %arg10[%swap3A_499, %swap3A_500, %swap3A_501], %mul3A_495 {strides = array<i32>} : memref<4x128x16xf32, #tpu.memory_space<vmem>>, vector<16xf32>,
        %add3A_503 = arith.constant 14 : i32
        %add3A_504 = arith.addi %mul3A_253, %add3A_503 : i32
        %get3A_505 = arith.constant 0 : i32
        %get3A_506 = arith.index_cast %get3A_505 : i32 to index
        %get3A_507 = arith.index_cast %add3A_504 : i32 to index
        %get3A_508 = arith.constant 0 : index
        %get3A_509 = tpu.vector_load %arg10[%get3A_506, %get3A_507, %get3A_508] {strides = array<i32>} : memref<4x128x16xf32, #tpu.memory_space<vmem>>, vector<16xf32>,
        %slice3A_510 = vector.extract_strided_slice %get3A_251 {offsets = [14], sizes = [1], strides = [1]} : vector<16xf32> to vector<1xf32>
        %squeeze3A_511 = vector.extract %slice3A_510[0] : f32 from vector<1xf32>
        %mul3A_512 = vector.broadcast %squeeze3A_511 : f32 to vector<16xf32>
        %mul3A_513 = arith.mulf %get3A_509, %mul3A_512 : vector<16xf32>
        %add3A_514 = arith.constant 14 : i32
        %add3A_515 = arith.addi %mul3A_253, %add3A_514 : i32
        %swap3A_516 = arith.constant 0 : i32
        %swap3A_517 = arith.index_cast %swap3A_516 : i32 to index
        %swap3A_518 = arith.index_cast %add3A_515 : i32 to index
        %swap3A_519 = arith.constant 0 : index
        %swap3A_520 = tpu.vector_load %arg10[%swap3A_517, %swap3A_518, %swap3A_519] {strides = array<i32>} : memref<4x128x16xf32, #tpu.memory_space<vmem>>, vector<16xf32>,
        tpu.vector_store %arg10[%swap3A_517, %swap3A_518, %swap3A_519], %mul3A_513 {strides = array<i32>} : memref<4x128x16xf32, #tpu.memory_space<vmem>>, vector<16xf32>,
        %add3A_521 = arith.constant 15 : i32
        %add3A_522 = arith.addi %mul3A_253, %add3A_521 : i32
        %get3A_523 = arith.constant 0 : i32
        %get3A_524 = arith.index_cast %get3A_523 : i32 to index
        %get3A_525 = arith.index_cast %add3A_522 : i32 to index
        %get3A_526 = arith.constant 0 : index
        %get3A_527 = tpu.vector_load %arg10[%get3A_524, %get3A_525, %get3A_526] {strides = array<i32>} : memref<4x128x16xf32, #tpu.memory_space<vmem>>, vector<16xf32>,
        %slice3A_528 = vector.extract_strided_slice %get3A_251 {offsets = [15], sizes = [1], strides = [1]} : vector<16xf32> to vector<1xf32>
        %squeeze3A_529 = vector.extract %slice3A_528[0] : f32 from vector<1xf32>
        %mul3A_530 = vector.broadcast %squeeze3A_529 : f32 to vector<16xf32>
        %mul3A_531 = arith.mulf %get3A_527, %mul3A_530 : vector<16xf32>
        %add3A_532 = arith.constant 15 : i32
        %add3A_533 = arith.addi %mul3A_253, %add3A_532 : i32
        %swap3A_534 = arith.constant 0 : i32
        %swap3A_535 = arith.index_cast %swap3A_534 : i32 to index
        %swap3A_536 = arith.index_cast %add3A_533 : i32 to index
        %swap3A_537 = arith.constant 0 : index
        %swap3A_538 = tpu.vector_load %arg10[%swap3A_535, %swap3A_536, %swap3A_537] {strides = array<i32>} : memref<4x128x16xf32, #tpu.memory_space<vmem>>, vector<16xf32>,
        tpu.vector_store %arg10[%swap3A_535, %swap3A_536, %swap3A_537], %mul3A_531 {strides = array<i32>} : memref<4x128x16xf32, #tpu.memory_space<vmem>>, vector<16xf32>,
        %scan3A_539 = arith.constant 0 : i32
        scf.yield %scan3A_539 : i32
      }
      %scan3A_90 = arith.constant 8 : i32
      %dma_start3A_91 = arith.constant 0 : i32
      %dma_start3A_92 = arith.constant 0 : i32
      %dma_start3A_93 = arith.constant 0 : i32
      %dma_start3A_94 = tpu.memref_slice %arg10[%dma_start3A_91, %dma_start3A_92, %dma_start3A_93] : memref<4x128x16xf32, #tpu.memory_space<vmem>> -> memref<1x128x16xf32, #tpu.memory_space<vmem>>
      %dma_start3A_95 = tpu.memref_squeeze %dma_start3A_94 : memref<1x128x16xf32, #tpu.memory_space<vmem>> -> memref<128x16xf32, #tpu.memory_space<vmem>>
      %dma_start3A_96 = arith.constant 0 : i32
      %dma_start3A_97 = tpu.memref_slice %arg8[%add3A_72, %dma_start3A_96] : memref<80x128xi32, #tpu.memory_space<vmem>> -> memref<1x128xi32, #tpu.memory_space<vmem>>
      %dma_start3A_98 = tpu.memref_squeeze %dma_start3A_97 : memref<1x128xi32, #tpu.memory_space<vmem>> -> memref<128xi32, #tpu.memory_space<vmem>>
      %dma_start3A_99 = arith.constant 0 : i32
      %dma_start3A_100 = arith.constant 0 : i32
      %dma_start3A_101 = tpu.memref_slice %arg12[%dma_start3A_99, %dma_start3A_100] : memref<10240x16xf32, #tpu.memory_space<vmem_shared>> -> memref<10240x16xf32, #tpu.memory_space<vmem_shared>>
      tpu.enqueue_indirect_dma source(%dma_start3A_95 : memref<128x16xf32, #tpu.memory_space<vmem>>) target(%dma_start3A_101 : memref<10240x16xf32, #tpu.memory_space<vmem_shared>>) offsets(%dma_start3A_98 : memref<128xi32, #tpu.memory_space<vmem>>) semaphore(%arg17 : memref<!tpu.dma_semaphore, #tpu.memory_space<semaphore_mem>>) {add = true}
      %ge3A = arith.constant 2 : i32
      %ge3A_102 = arith.cmpi sge, %add3A_72, %ge3A : i32
      %convert_element_type3A = arith.extui %ge3A_102 : i1 to i32
      %cond3A = arith.constant 0 : i32
      %cond3A_103 = arith.cmpi ne, %convert_element_type3A, %cond3A : i32
      scf.if %cond3A_103 {
        %sub3A = arith.constant 2 : i32
        %sub3A_246 = arith.subi %add3A_72, %sub3A : i32
        %dma_wait3A_247 = arith.constant 2 : i32
        %dma_wait3A_248 = arith.constant 0 : i32
        %dma_wait3A_249 = arith.constant 0 : i32
        %dma_wait3A_250 = tpu.memref_slice %arg10[%dma_wait3A_247, %dma_wait3A_248, %dma_wait3A_249] : memref<4x128x16xf32, #tpu.memory_space<vmem>> -> memref<1x128x16xf32, #tpu.memory_space<vmem>>
        %dma_wait3A_251 = tpu.memref_squeeze %dma_wait3A_250 : memref<1x128x16xf32, #tpu.memory_space<vmem>> -> memref<128x16xf32, #tpu.memory_space<vmem>>
        %dma_wait3A_252 = arith.constant 0 : i32
        %dma_wait3A_253 = tpu.memref_slice %arg8[%sub3A_246, %dma_wait3A_252] : memref<80x128xi32, #tpu.memory_space<vmem>> -> memref<1x128xi32, #tpu.memory_space<vmem>>
        %dma_wait3A_254 = tpu.memref_squeeze %dma_wait3A_253 : memref<1x128xi32, #tpu.memory_space<vmem>> -> memref<128xi32, #tpu.memory_space<vmem>>
        %dma_wait3A_255 = arith.constant 0 : i32
        %dma_wait3A_256 = arith.constant 0 : i32
        %dma_wait3A_257 = tpu.memref_slice %arg12[%dma_wait3A_255, %dma_wait3A_256] : memref<10240x16xf32, #tpu.memory_space<vmem_shared>> -> memref<10240x16xf32, #tpu.memory_space<vmem_shared>>
        tpu.wait_indirect_dma semaphore(%arg19 : memref<!tpu.dma_semaphore, #tpu.memory_space<semaphore_mem>>) src(%dma_wait3A_251 : memref<128x16xf32, #tpu.memory_space<vmem>>) dst(%dma_wait3A_257 : memref<10240x16xf32, #tpu.memory_space<vmem_shared>>)
      } else {
      }
      %add3A_104 = arith.constant 2 : i32
      %add3A_105 = arith.addi %add3A_72, %add3A_104 : i32
      %lt3A = arith.constant 80 : i32
      %lt3A_106 = arith.cmpi slt, %add3A_105, %lt3A : i32
      %convert_element_type3A_107 = arith.extui %lt3A_106 : i1 to i32
      %cond3A_108 = arith.constant 0 : i32
      %cond3A_109 = arith.cmpi ne, %convert_element_type3A_107, %cond3A_108 : i32
      scf.if %cond3A_109 {
        %add3A_246 = arith.constant 2 : i32
        %add3A_247 = arith.addi %add3A_72, %add3A_246 : i32
        %dma_start3A_248 = arith.constant 2 : i32
        %dma_start3A_249 = arith.constant 0 : i32
        %dma_start3A_250 = arith.constant 0 : i32
        %dma_start3A_251 = tpu.memref_slice %arg10[%dma_start3A_248, %dma_start3A_249, %dma_start3A_250] : memref<4x128x16xf32, #tpu.memory_space<vmem>> -> memref<1x128x16xf32, #tpu.memory_space<vmem>>
        %dma_start3A_252 = tpu.memref_squeeze %dma_start3A_251 : memref<1x128x16xf32, #tpu.memory_space<vmem>> -> memref<128x16xf32, #tpu.memory_space<vmem>>
        %dma_start3A_253 = arith.constant 0 : i32
        %dma_start3A_254 = tpu.memref_slice %arg7[%add3A_247, %dma_start3A_253] : memref<80x128xi32, #tpu.memory_space<vmem>> -> memref<1x128xi32, #tpu.memory_space<vmem>>
        %dma_start3A_255 = tpu.memref_squeeze %dma_start3A_254 : memref<1x128xi32, #tpu.memory_space<vmem>> -> memref<128xi32, #tpu.memory_space<vmem>>
        %dma_start3A_256 = arith.constant 0 : i32
        %dma_start3A_257 = arith.constant 0 : i32
        %dma_start3A_258 = tpu.memref_slice %arg2[%dma_start3A_256, %dma_start3A_257] : memref<10000x16xf32, #tpu.memory_space<hbm>> -> memref<10000x16xf32, #tpu.memory_space<hbm>>
        tpu.enqueue_indirect_dma source(%dma_start3A_258 : memref<10000x16xf32, #tpu.memory_space<hbm>>) target(%dma_start3A_252 : memref<128x16xf32, #tpu.memory_space<vmem>>) offsets(%dma_start3A_255 : memref<128xi32, #tpu.memory_space<vmem>>) semaphore(%arg15 : memref<!tpu.dma_semaphore, #tpu.memory_space<semaphore_mem>>)
      } else {
      }
      %mul3A_110 = arith.constant 4 : i32
      %mul3A_111 = arith.muli %scan3A_67, %mul3A_110 : i32
      %add3A_112 = arith.constant 1 : i32
      %add3A_113 = arith.addi %mul3A_111, %add3A_112 : i32
      %dma_wait3A_114 = arith.constant 1 : i32
      %dma_wait3A_115 = arith.constant 0 : i32
      %dma_wait3A_116 = arith.constant 0 : i32
      %dma_wait3A_117 = tpu.memref_slice %arg10[%dma_wait3A_114, %dma_wait3A_115, %dma_wait3A_116] : memref<4x128x16xf32, #tpu.memory_space<vmem>> -> memref<1x128x16xf32, #tpu.memory_space<vmem>>
      %dma_wait3A_118 = tpu.memref_squeeze %dma_wait3A_117 : memref<1x128x16xf32, #tpu.memory_space<vmem>> -> memref<128x16xf32, #tpu.memory_space<vmem>>
      %dma_wait3A_119 = arith.constant 0 : i32
      %dma_wait3A_120 = tpu.memref_slice %arg7[%add3A_113, %dma_wait3A_119] : memref<80x128xi32, #tpu.memory_space<vmem>> -> memref<1x128xi32, #tpu.memory_space<vmem>>
      %dma_wait3A_121 = tpu.memref_squeeze %dma_wait3A_120 : memref<1x128xi32, #tpu.memory_space<vmem>> -> memref<128xi32, #tpu.memory_space<vmem>>
      %dma_wait3A_122 = arith.constant 0 : i32
      %dma_wait3A_123 = arith.constant 0 : i32
      %dma_wait3A_124 = tpu.memref_slice %arg2[%dma_wait3A_122, %dma_wait3A_123] : memref<10000x16xf32, #tpu.memory_space<hbm>> -> memref<10000x16xf32, #tpu.memory_space<hbm>>
      tpu.wait_indirect_dma semaphore(%arg14 : memref<!tpu.dma_semaphore, #tpu.memory_space<semaphore_mem>>) src(%dma_wait3A_124 : memref<10000x16xf32, #tpu.memory_space<hbm>>) dst(%dma_wait3A_118 : memref<128x16xf32, #tpu.memory_space<vmem>>)
      %scan3A_125 = arith.constant 0 : i32
      %scan3A_126 = arith.constant 0 : i32
      %scan3A_127 = arith.constant 8 : i32
      %scan3A_128 = arith.addi %scan3A_126, %scan3A_127 : i32
      %scan3A_129 = arith.constant 1 : i32
      %scan3A_130 = scf.for %scan3A_246 = %scan3A_126 to %scan3A_128 step %scan3A_129 iter_args(%scan3A_247 = %scan3A_125) -> (i32)  : i32 {
        %mul3A_248 = arith.constant 16 : i32
        %mul3A_249 = arith.muli %scan3A_246, %mul3A_248 : i32
        %get3A = arith.index_cast %add3A_113 : i32 to index
        %get3A_250 = arith.index_cast %mul3A_249 : i32 to index
        %get3A_251 = tpu.vector_load %arg9[%get3A, %get3A_250] {strides = array<i32>} : memref<80x128xf32, #tpu.memory_space<vmem>>, vector<16xf32>,
        %mul3A_252 = arith.constant 16 : i32
        %mul3A_253 = arith.muli %scan3A_246, %mul3A_252 : i32
        %add3A_254 = arith.constant 0 : i32
        %add3A_255 = arith.addi %mul3A_253, %add3A_254 : i32
        %get3A_256 = arith.constant 1 : i32
        %get3A_257 = arith.index_cast %get3A_256 : i32 to index
        %get3A_258 = arith.index_cast %add3A_255 : i32 to index
        %get3A_259 = arith.constant 0 : index
        %get3A_260 = tpu.vector_load %arg10[%get3A_257, %get3A_258, %get3A_259] {strides = array<i32>} : memref<4x128x16xf32, #tpu.memory_space<vmem>>, vector<16xf32>,
        %slice3A = vector.extract_strided_slice %get3A_251 {offsets = [0], sizes = [1], strides = [1]} : vector<16xf32> to vector<1xf32>
        %squeeze3A = vector.extract %slice3A[0] : f32 from vector<1xf32>
        %mul3A_261 = vector.broadcast %squeeze3A : f32 to vector<16xf32>
        %mul3A_262 = arith.mulf %get3A_260, %mul3A_261 : vector<16xf32>
        %add3A_263 = arith.constant 0 : i32
        %add3A_264 = arith.addi %mul3A_253, %add3A_263 : i32
        %swap3A = arith.constant 1 : i32
        %swap3A_265 = arith.index_cast %swap3A : i32 to index
        %swap3A_266 = arith.index_cast %add3A_264 : i32 to index
        %swap3A_267 = arith.constant 0 : index
        %swap3A_268 = tpu.vector_load %arg10[%swap3A_265, %swap3A_266, %swap3A_267] {strides = array<i32>} : memref<4x128x16xf32, #tpu.memory_space<vmem>>, vector<16xf32>,
        tpu.vector_store %arg10[%swap3A_265, %swap3A_266, %swap3A_267], %mul3A_262 {strides = array<i32>} : memref<4x128x16xf32, #tpu.memory_space<vmem>>, vector<16xf32>,
        %add3A_269 = arith.constant 1 : i32
        %add3A_270 = arith.addi %mul3A_253, %add3A_269 : i32
        %get3A_271 = arith.constant 1 : i32
        %get3A_272 = arith.index_cast %get3A_271 : i32 to index
        %get3A_273 = arith.index_cast %add3A_270 : i32 to index
        %get3A_274 = arith.constant 0 : index
        %get3A_275 = tpu.vector_load %arg10[%get3A_272, %get3A_273, %get3A_274] {strides = array<i32>} : memref<4x128x16xf32, #tpu.memory_space<vmem>>, vector<16xf32>,
        %slice3A_276 = vector.extract_strided_slice %get3A_251 {offsets = [1], sizes = [1], strides = [1]} : vector<16xf32> to vector<1xf32>
        %squeeze3A_277 = vector.extract %slice3A_276[0] : f32 from vector<1xf32>
        %mul3A_278 = vector.broadcast %squeeze3A_277 : f32 to vector<16xf32>
        %mul3A_279 = arith.mulf %get3A_275, %mul3A_278 : vector<16xf32>
        %add3A_280 = arith.constant 1 : i32
        %add3A_281 = arith.addi %mul3A_253, %add3A_280 : i32
        %swap3A_282 = arith.constant 1 : i32
        %swap3A_283 = arith.index_cast %swap3A_282 : i32 to index
        %swap3A_284 = arith.index_cast %add3A_281 : i32 to index
        %swap3A_285 = arith.constant 0 : index
        %swap3A_286 = tpu.vector_load %arg10[%swap3A_283, %swap3A_284, %swap3A_285] {strides = array<i32>} : memref<4x128x16xf32, #tpu.memory_space<vmem>>, vector<16xf32>,
        tpu.vector_store %arg10[%swap3A_283, %swap3A_284, %swap3A_285], %mul3A_279 {strides = array<i32>} : memref<4x128x16xf32, #tpu.memory_space<vmem>>, vector<16xf32>,
        %add3A_287 = arith.constant 2 : i32
        %add3A_288 = arith.addi %mul3A_253, %add3A_287 : i32
        %get3A_289 = arith.constant 1 : i32
        %get3A_290 = arith.index_cast %get3A_289 : i32 to index
        %get3A_291 = arith.index_cast %add3A_288 : i32 to index
        %get3A_292 = arith.constant 0 : index
        %get3A_293 = tpu.vector_load %arg10[%get3A_290, %get3A_291, %get3A_292] {strides = array<i32>} : memref<4x128x16xf32, #tpu.memory_space<vmem>>, vector<16xf32>,
        %slice3A_294 = vector.extract_strided_slice %get3A_251 {offsets = [2], sizes = [1], strides = [1]} : vector<16xf32> to vector<1xf32>
        %squeeze3A_295 = vector.extract %slice3A_294[0] : f32 from vector<1xf32>
        %mul3A_296 = vector.broadcast %squeeze3A_295 : f32 to vector<16xf32>
        %mul3A_297 = arith.mulf %get3A_293, %mul3A_296 : vector<16xf32>
        %add3A_298 = arith.constant 2 : i32
        %add3A_299 = arith.addi %mul3A_253, %add3A_298 : i32
        %swap3A_300 = arith.constant 1 : i32
        %swap3A_301 = arith.index_cast %swap3A_300 : i32 to index
        %swap3A_302 = arith.index_cast %add3A_299 : i32 to index
        %swap3A_303 = arith.constant 0 : index
        %swap3A_304 = tpu.vector_load %arg10[%swap3A_301, %swap3A_302, %swap3A_303] {strides = array<i32>} : memref<4x128x16xf32, #tpu.memory_space<vmem>>, vector<16xf32>,
        tpu.vector_store %arg10[%swap3A_301, %swap3A_302, %swap3A_303], %mul3A_297 {strides = array<i32>} : memref<4x128x16xf32, #tpu.memory_space<vmem>>, vector<16xf32>,
        %add3A_305 = arith.constant 3 : i32
        %add3A_306 = arith.addi %mul3A_253, %add3A_305 : i32
        %get3A_307 = arith.constant 1 : i32
        %get3A_308 = arith.index_cast %get3A_307 : i32 to index
        %get3A_309 = arith.index_cast %add3A_306 : i32 to index
        %get3A_310 = arith.constant 0 : index
        %get3A_311 = tpu.vector_load %arg10[%get3A_308, %get3A_309, %get3A_310] {strides = array<i32>} : memref<4x128x16xf32, #tpu.memory_space<vmem>>, vector<16xf32>,
        %slice3A_312 = vector.extract_strided_slice %get3A_251 {offsets = [3], sizes = [1], strides = [1]} : vector<16xf32> to vector<1xf32>
        %squeeze3A_313 = vector.extract %slice3A_312[0] : f32 from vector<1xf32>
        %mul3A_314 = vector.broadcast %squeeze3A_313 : f32 to vector<16xf32>
        %mul3A_315 = arith.mulf %get3A_311, %mul3A_314 : vector<16xf32>
        %add3A_316 = arith.constant 3 : i32
        %add3A_317 = arith.addi %mul3A_253, %add3A_316 : i32
        %swap3A_318 = arith.constant 1 : i32
        %swap3A_319 = arith.index_cast %swap3A_318 : i32 to index
        %swap3A_320 = arith.index_cast %add3A_317 : i32 to index
        %swap3A_321 = arith.constant 0 : index
        %swap3A_322 = tpu.vector_load %arg10[%swap3A_319, %swap3A_320, %swap3A_321] {strides = array<i32>} : memref<4x128x16xf32, #tpu.memory_space<vmem>>, vector<16xf32>,
        tpu.vector_store %arg10[%swap3A_319, %swap3A_320, %swap3A_321], %mul3A_315 {strides = array<i32>} : memref<4x128x16xf32, #tpu.memory_space<vmem>>, vector<16xf32>,
        %add3A_323 = arith.constant 4 : i32
        %add3A_324 = arith.addi %mul3A_253, %add3A_323 : i32
        %get3A_325 = arith.constant 1 : i32
        %get3A_326 = arith.index_cast %get3A_325 : i32 to index
        %get3A_327 = arith.index_cast %add3A_324 : i32 to index
        %get3A_328 = arith.constant 0 : index
        %get3A_329 = tpu.vector_load %arg10[%get3A_326, %get3A_327, %get3A_328] {strides = array<i32>} : memref<4x128x16xf32, #tpu.memory_space<vmem>>, vector<16xf32>,
        %slice3A_330 = vector.extract_strided_slice %get3A_251 {offsets = [4], sizes = [1], strides = [1]} : vector<16xf32> to vector<1xf32>
        %squeeze3A_331 = vector.extract %slice3A_330[0] : f32 from vector<1xf32>
        %mul3A_332 = vector.broadcast %squeeze3A_331 : f32 to vector<16xf32>
        %mul3A_333 = arith.mulf %get3A_329, %mul3A_332 : vector<16xf32>
        %add3A_334 = arith.constant 4 : i32
        %add3A_335 = arith.addi %mul3A_253, %add3A_334 : i32
        %swap3A_336 = arith.constant 1 : i32
        %swap3A_337 = arith.index_cast %swap3A_336 : i32 to index
        %swap3A_338 = arith.index_cast %add3A_335 : i32 to index
        %swap3A_339 = arith.constant 0 : index
        %swap3A_340 = tpu.vector_load %arg10[%swap3A_337, %swap3A_338, %swap3A_339] {strides = array<i32>} : memref<4x128x16xf32, #tpu.memory_space<vmem>>, vector<16xf32>,
        tpu.vector_store %arg10[%swap3A_337, %swap3A_338, %swap3A_339], %mul3A_333 {strides = array<i32>} : memref<4x128x16xf32, #tpu.memory_space<vmem>>, vector<16xf32>,
        %add3A_341 = arith.constant 5 : i32
        %add3A_342 = arith.addi %mul3A_253, %add3A_341 : i32
        %get3A_343 = arith.constant 1 : i32
        %get3A_344 = arith.index_cast %get3A_343 : i32 to index
        %get3A_345 = arith.index_cast %add3A_342 : i32 to index
        %get3A_346 = arith.constant 0 : index
        %get3A_347 = tpu.vector_load %arg10[%get3A_344, %get3A_345, %get3A_346] {strides = array<i32>} : memref<4x128x16xf32, #tpu.memory_space<vmem>>, vector<16xf32>,
        %slice3A_348 = vector.extract_strided_slice %get3A_251 {offsets = [5], sizes = [1], strides = [1]} : vector<16xf32> to vector<1xf32>
        %squeeze3A_349 = vector.extract %slice3A_348[0] : f32 from vector<1xf32>
        %mul3A_350 = vector.broadcast %squeeze3A_349 : f32 to vector<16xf32>
        %mul3A_351 = arith.mulf %get3A_347, %mul3A_350 : vector<16xf32>
        %add3A_352 = arith.constant 5 : i32
        %add3A_353 = arith.addi %mul3A_253, %add3A_352 : i32
        %swap3A_354 = arith.constant 1 : i32
        %swap3A_355 = arith.index_cast %swap3A_354 : i32 to index
        %swap3A_356 = arith.index_cast %add3A_353 : i32 to index
        %swap3A_357 = arith.constant 0 : index
        %swap3A_358 = tpu.vector_load %arg10[%swap3A_355, %swap3A_356, %swap3A_357] {strides = array<i32>} : memref<4x128x16xf32, #tpu.memory_space<vmem>>, vector<16xf32>,
        tpu.vector_store %arg10[%swap3A_355, %swap3A_356, %swap3A_357], %mul3A_351 {strides = array<i32>} : memref<4x128x16xf32, #tpu.memory_space<vmem>>, vector<16xf32>,
        %add3A_359 = arith.constant 6 : i32
        %add3A_360 = arith.addi %mul3A_253, %add3A_359 : i32
        %get3A_361 = arith.constant 1 : i32
        %get3A_362 = arith.index_cast %get3A_361 : i32 to index
        %get3A_363 = arith.index_cast %add3A_360 : i32 to index
        %get3A_364 = arith.constant 0 : index
        %get3A_365 = tpu.vector_load %arg10[%get3A_362, %get3A_363, %get3A_364] {strides = array<i32>} : memref<4x128x16xf32, #tpu.memory_space<vmem>>, vector<16xf32>,
        %slice3A_366 = vector.extract_strided_slice %get3A_251 {offsets = [6], sizes = [1], strides = [1]} : vector<16xf32> to vector<1xf32>
        %squeeze3A_367 = vector.extract %slice3A_366[0] : f32 from vector<1xf32>
        %mul3A_368 = vector.broadcast %squeeze3A_367 : f32 to vector<16xf32>
        %mul3A_369 = arith.mulf %get3A_365, %mul3A_368 : vector<16xf32>
        %add3A_370 = arith.constant 6 : i32
        %add3A_371 = arith.addi %mul3A_253, %add3A_370 : i32
        %swap3A_372 = arith.constant 1 : i32
        %swap3A_373 = arith.index_cast %swap3A_372 : i32 to index
        %swap3A_374 = arith.index_cast %add3A_371 : i32 to index
        %swap3A_375 = arith.constant 0 : index
        %swap3A_376 = tpu.vector_load %arg10[%swap3A_373, %swap3A_374, %swap3A_375] {strides = array<i32>} : memref<4x128x16xf32, #tpu.memory_space<vmem>>, vector<16xf32>,
        tpu.vector_store %arg10[%swap3A_373, %swap3A_374, %swap3A_375], %mul3A_369 {strides = array<i32>} : memref<4x128x16xf32, #tpu.memory_space<vmem>>, vector<16xf32>,
        %add3A_377 = arith.constant 7 : i32
        %add3A_378 = arith.addi %mul3A_253, %add3A_377 : i32
        %get3A_379 = arith.constant 1 : i32
        %get3A_380 = arith.index_cast %get3A_379 : i32 to index
        %get3A_381 = arith.index_cast %add3A_378 : i32 to index
        %get3A_382 = arith.constant 0 : index
        %get3A_383 = tpu.vector_load %arg10[%get3A_380, %get3A_381, %get3A_382] {strides = array<i32>} : memref<4x128x16xf32, #tpu.memory_space<vmem>>, vector<16xf32>,
        %slice3A_384 = vector.extract_strided_slice %get3A_251 {offsets = [7], sizes = [1], strides = [1]} : vector<16xf32> to vector<1xf32>
        %squeeze3A_385 = vector.extract %slice3A_384[0] : f32 from vector<1xf32>
        %mul3A_386 = vector.broadcast %squeeze3A_385 : f32 to vector<16xf32>
        %mul3A_387 = arith.mulf %get3A_383, %mul3A_386 : vector<16xf32>
        %add3A_388 = arith.constant 7 : i32
        %add3A_389 = arith.addi %mul3A_253, %add3A_388 : i32
        %swap3A_390 = arith.constant 1 : i32
        %swap3A_391 = arith.index_cast %swap3A_390 : i32 to index
        %swap3A_392 = arith.index_cast %add3A_389 : i32 to index
        %swap3A_393 = arith.constant 0 : index
        %swap3A_394 = tpu.vector_load %arg10[%swap3A_391, %swap3A_392, %swap3A_393] {strides = array<i32>} : memref<4x128x16xf32, #tpu.memory_space<vmem>>, vector<16xf32>,
        tpu.vector_store %arg10[%swap3A_391, %swap3A_392, %swap3A_393], %mul3A_387 {strides = array<i32>} : memref<4x128x16xf32, #tpu.memory_space<vmem>>, vector<16xf32>,
        %add3A_395 = arith.constant 8 : i32
        %add3A_396 = arith.addi %mul3A_253, %add3A_395 : i32
        %get3A_397 = arith.constant 1 : i32
        %get3A_398 = arith.index_cast %get3A_397 : i32 to index
        %get3A_399 = arith.index_cast %add3A_396 : i32 to index
        %get3A_400 = arith.constant 0 : index
        %get3A_401 = tpu.vector_load %arg10[%get3A_398, %get3A_399, %get3A_400] {strides = array<i32>} : memref<4x128x16xf32, #tpu.memory_space<vmem>>, vector<16xf32>,
        %slice3A_402 = vector.extract_strided_slice %get3A_251 {offsets = [8], sizes = [1], strides = [1]} : vector<16xf32> to vector<1xf32>
        %squeeze3A_403 = vector.extract %slice3A_402[0] : f32 from vector<1xf32>
        %mul3A_404 = vector.broadcast %squeeze3A_403 : f32 to vector<16xf32>
        %mul3A_405 = arith.mulf %get3A_401, %mul3A_404 : vector<16xf32>
        %add3A_406 = arith.constant 8 : i32
        %add3A_407 = arith.addi %mul3A_253, %add3A_406 : i32
        %swap3A_408 = arith.constant 1 : i32
        %swap3A_409 = arith.index_cast %swap3A_408 : i32 to index
        %swap3A_410 = arith.index_cast %add3A_407 : i32 to index
        %swap3A_411 = arith.constant 0 : index
        %swap3A_412 = tpu.vector_load %arg10[%swap3A_409, %swap3A_410, %swap3A_411] {strides = array<i32>} : memref<4x128x16xf32, #tpu.memory_space<vmem>>, vector<16xf32>,
        tpu.vector_store %arg10[%swap3A_409, %swap3A_410, %swap3A_411], %mul3A_405 {strides = array<i32>} : memref<4x128x16xf32, #tpu.memory_space<vmem>>, vector<16xf32>,
        %add3A_413 = arith.constant 9 : i32
        %add3A_414 = arith.addi %mul3A_253, %add3A_413 : i32
        %get3A_415 = arith.constant 1 : i32
        %get3A_416 = arith.index_cast %get3A_415 : i32 to index
        %get3A_417 = arith.index_cast %add3A_414 : i32 to index
        %get3A_418 = arith.constant 0 : index
        %get3A_419 = tpu.vector_load %arg10[%get3A_416, %get3A_417, %get3A_418] {strides = array<i32>} : memref<4x128x16xf32, #tpu.memory_space<vmem>>, vector<16xf32>,
        %slice3A_420 = vector.extract_strided_slice %get3A_251 {offsets = [9], sizes = [1], strides = [1]} : vector<16xf32> to vector<1xf32>
        %squeeze3A_421 = vector.extract %slice3A_420[0] : f32 from vector<1xf32>
        %mul3A_422 = vector.broadcast %squeeze3A_421 : f32 to vector<16xf32>
        %mul3A_423 = arith.mulf %get3A_419, %mul3A_422 : vector<16xf32>
        %add3A_424 = arith.constant 9 : i32
        %add3A_425 = arith.addi %mul3A_253, %add3A_424 : i32
        %swap3A_426 = arith.constant 1 : i32
        %swap3A_427 = arith.index_cast %swap3A_426 : i32 to index
        %swap3A_428 = arith.index_cast %add3A_425 : i32 to index
        %swap3A_429 = arith.constant 0 : index
        %swap3A_430 = tpu.vector_load %arg10[%swap3A_427, %swap3A_428, %swap3A_429] {strides = array<i32>} : memref<4x128x16xf32, #tpu.memory_space<vmem>>, vector<16xf32>,
        tpu.vector_store %arg10[%swap3A_427, %swap3A_428, %swap3A_429], %mul3A_423 {strides = array<i32>} : memref<4x128x16xf32, #tpu.memory_space<vmem>>, vector<16xf32>,
        %add3A_431 = arith.constant 10 : i32
        %add3A_432 = arith.addi %mul3A_253, %add3A_431 : i32
        %get3A_433 = arith.constant 1 : i32
        %get3A_434 = arith.index_cast %get3A_433 : i32 to index
        %get3A_435 = arith.index_cast %add3A_432 : i32 to index
        %get3A_436 = arith.constant 0 : index
        %get3A_437 = tpu.vector_load %arg10[%get3A_434, %get3A_435, %get3A_436] {strides = array<i32>} : memref<4x128x16xf32, #tpu.memory_space<vmem>>, vector<16xf32>,
        %slice3A_438 = vector.extract_strided_slice %get3A_251 {offsets = [10], sizes = [1], strides = [1]} : vector<16xf32> to vector<1xf32>
        %squeeze3A_439 = vector.extract %slice3A_438[0] : f32 from vector<1xf32>
        %mul3A_440 = vector.broadcast %squeeze3A_439 : f32 to vector<16xf32>
        %mul3A_441 = arith.mulf %get3A_437, %mul3A_440 : vector<16xf32>
        %add3A_442 = arith.constant 10 : i32
        %add3A_443 = arith.addi %mul3A_253, %add3A_442 : i32
        %swap3A_444 = arith.constant 1 : i32
        %swap3A_445 = arith.index_cast %swap3A_444 : i32 to index
        %swap3A_446 = arith.index_cast %add3A_443 : i32 to index
        %swap3A_447 = arith.constant 0 : index
        %swap3A_448 = tpu.vector_load %arg10[%swap3A_445, %swap3A_446, %swap3A_447] {strides = array<i32>} : memref<4x128x16xf32, #tpu.memory_space<vmem>>, vector<16xf32>,
        tpu.vector_store %arg10[%swap3A_445, %swap3A_446, %swap3A_447], %mul3A_441 {strides = array<i32>} : memref<4x128x16xf32, #tpu.memory_space<vmem>>, vector<16xf32>,
        %add3A_449 = arith.constant 11 : i32
        %add3A_450 = arith.addi %mul3A_253, %add3A_449 : i32
        %get3A_451 = arith.constant 1 : i32
        %get3A_452 = arith.index_cast %get3A_451 : i32 to index
        %get3A_453 = arith.index_cast %add3A_450 : i32 to index
        %get3A_454 = arith.constant 0 : index
        %get3A_455 = tpu.vector_load %arg10[%get3A_452, %get3A_453, %get3A_454] {strides = array<i32>} : memref<4x128x16xf32, #tpu.memory_space<vmem>>, vector<16xf32>,
        %slice3A_456 = vector.extract_strided_slice %get3A_251 {offsets = [11], sizes = [1], strides = [1]} : vector<16xf32> to vector<1xf32>
        %squeeze3A_457 = vector.extract %slice3A_456[0] : f32 from vector<1xf32>
        %mul3A_458 = vector.broadcast %squeeze3A_457 : f32 to vector<16xf32>
        %mul3A_459 = arith.mulf %get3A_455, %mul3A_458 : vector<16xf32>
        %add3A_460 = arith.constant 11 : i32
        %add3A_461 = arith.addi %mul3A_253, %add3A_460 : i32
        %swap3A_462 = arith.constant 1 : i32
        %swap3A_463 = arith.index_cast %swap3A_462 : i32 to index
        %swap3A_464 = arith.index_cast %add3A_461 : i32 to index
        %swap3A_465 = arith.constant 0 : index
        %swap3A_466 = tpu.vector_load %arg10[%swap3A_463, %swap3A_464, %swap3A_465] {strides = array<i32>} : memref<4x128x16xf32, #tpu.memory_space<vmem>>, vector<16xf32>,
        tpu.vector_store %arg10[%swap3A_463, %swap3A_464, %swap3A_465], %mul3A_459 {strides = array<i32>} : memref<4x128x16xf32, #tpu.memory_space<vmem>>, vector<16xf32>,
        %add3A_467 = arith.constant 12 : i32
        %add3A_468 = arith.addi %mul3A_253, %add3A_467 : i32
        %get3A_469 = arith.constant 1 : i32
        %get3A_470 = arith.index_cast %get3A_469 : i32 to index
        %get3A_471 = arith.index_cast %add3A_468 : i32 to index
        %get3A_472 = arith.constant 0 : index
        %get3A_473 = tpu.vector_load %arg10[%get3A_470, %get3A_471, %get3A_472] {strides = array<i32>} : memref<4x128x16xf32, #tpu.memory_space<vmem>>, vector<16xf32>,
        %slice3A_474 = vector.extract_strided_slice %get3A_251 {offsets = [12], sizes = [1], strides = [1]} : vector<16xf32> to vector<1xf32>
        %squeeze3A_475 = vector.extract %slice3A_474[0] : f32 from vector<1xf32>
        %mul3A_476 = vector.broadcast %squeeze3A_475 : f32 to vector<16xf32>
        %mul3A_477 = arith.mulf %get3A_473, %mul3A_476 : vector<16xf32>
        %add3A_478 = arith.constant 12 : i32
        %add3A_479 = arith.addi %mul3A_253, %add3A_478 : i32
        %swap3A_480 = arith.constant 1 : i32
        %swap3A_481 = arith.index_cast %swap3A_480 : i32 to index
        %swap3A_482 = arith.index_cast %add3A_479 : i32 to index
        %swap3A_483 = arith.constant 0 : index
        %swap3A_484 = tpu.vector_load %arg10[%swap3A_481, %swap3A_482, %swap3A_483] {strides = array<i32>} : memref<4x128x16xf32, #tpu.memory_space<vmem>>, vector<16xf32>,
        tpu.vector_store %arg10[%swap3A_481, %swap3A_482, %swap3A_483], %mul3A_477 {strides = array<i32>} : memref<4x128x16xf32, #tpu.memory_space<vmem>>, vector<16xf32>,
        %add3A_485 = arith.constant 13 : i32
        %add3A_486 = arith.addi %mul3A_253, %add3A_485 : i32
        %get3A_487 = arith.constant 1 : i32
        %get3A_488 = arith.index_cast %get3A_487 : i32 to index
        %get3A_489 = arith.index_cast %add3A_486 : i32 to index
        %get3A_490 = arith.constant 0 : index
        %get3A_491 = tpu.vector_load %arg10[%get3A_488, %get3A_489, %get3A_490] {strides = array<i32>} : memref<4x128x16xf32, #tpu.memory_space<vmem>>, vector<16xf32>,
        %slice3A_492 = vector.extract_strided_slice %get3A_251 {offsets = [13], sizes = [1], strides = [1]} : vector<16xf32> to vector<1xf32>
        %squeeze3A_493 = vector.extract %slice3A_492[0] : f32 from vector<1xf32>
        %mul3A_494 = vector.broadcast %squeeze3A_493 : f32 to vector<16xf32>
        %mul3A_495 = arith.mulf %get3A_491, %mul3A_494 : vector<16xf32>
        %add3A_496 = arith.constant 13 : i32
        %add3A_497 = arith.addi %mul3A_253, %add3A_496 : i32
        %swap3A_498 = arith.constant 1 : i32
        %swap3A_499 = arith.index_cast %swap3A_498 : i32 to index
        %swap3A_500 = arith.index_cast %add3A_497 : i32 to index
        %swap3A_501 = arith.constant 0 : index
        %swap3A_502 = tpu.vector_load %arg10[%swap3A_499, %swap3A_500, %swap3A_501] {strides = array<i32>} : memref<4x128x16xf32, #tpu.memory_space<vmem>>, vector<16xf32>,
        tpu.vector_store %arg10[%swap3A_499, %swap3A_500, %swap3A_501], %mul3A_495 {strides = array<i32>} : memref<4x128x16xf32, #tpu.memory_space<vmem>>, vector<16xf32>,
        %add3A_503 = arith.constant 14 : i32
        %add3A_504 = arith.addi %mul3A_253, %add3A_503 : i32
        %get3A_505 = arith.constant 1 : i32
        %get3A_506 = arith.index_cast %get3A_505 : i32 to index
        %get3A_507 = arith.index_cast %add3A_504 : i32 to index
        %get3A_508 = arith.constant 0 : index
        %get3A_509 = tpu.vector_load %arg10[%get3A_506, %get3A_507, %get3A_508] {strides = array<i32>} : memref<4x128x16xf32, #tpu.memory_space<vmem>>, vector<16xf32>,
        %slice3A_510 = vector.extract_strided_slice %get3A_251 {offsets = [14], sizes = [1], strides = [1]} : vector<16xf32> to vector<1xf32>
        %squeeze3A_511 = vector.extract %slice3A_510[0] : f32 from vector<1xf32>
        %mul3A_512 = vector.broadcast %squeeze3A_511 : f32 to vector<16xf32>
        %mul3A_513 = arith.mulf %get3A_509, %mul3A_512 : vector<16xf32>
        %add3A_514 = arith.constant 14 : i32
        %add3A_515 = arith.addi %mul3A_253, %add3A_514 : i32
        %swap3A_516 = arith.constant 1 : i32
        %swap3A_517 = arith.index_cast %swap3A_516 : i32 to index
        %swap3A_518 = arith.index_cast %add3A_515 : i32 to index
        %swap3A_519 = arith.constant 0 : index
        %swap3A_520 = tpu.vector_load %arg10[%swap3A_517, %swap3A_518, %swap3A_519] {strides = array<i32>} : memref<4x128x16xf32, #tpu.memory_space<vmem>>, vector<16xf32>,
        tpu.vector_store %arg10[%swap3A_517, %swap3A_518, %swap3A_519], %mul3A_513 {strides = array<i32>} : memref<4x128x16xf32, #tpu.memory_space<vmem>>, vector<16xf32>,
        %add3A_521 = arith.constant 15 : i32
        %add3A_522 = arith.addi %mul3A_253, %add3A_521 : i32
        %get3A_523 = arith.constant 1 : i32
        %get3A_524 = arith.index_cast %get3A_523 : i32 to index
        %get3A_525 = arith.index_cast %add3A_522 : i32 to index
        %get3A_526 = arith.constant 0 : index
        %get3A_527 = tpu.vector_load %arg10[%get3A_524, %get3A_525, %get3A_526] {strides = array<i32>} : memref<4x128x16xf32, #tpu.memory_space<vmem>>, vector<16xf32>,
        %slice3A_528 = vector.extract_strided_slice %get3A_251 {offsets = [15], sizes = [1], strides = [1]} : vector<16xf32> to vector<1xf32>
        %squeeze3A_529 = vector.extract %slice3A_528[0] : f32 from vector<1xf32>
        %mul3A_530 = vector.broadcast %squeeze3A_529 : f32 to vector<16xf32>
        %mul3A_531 = arith.mulf %get3A_527, %mul3A_530 : vector<16xf32>
        %add3A_532 = arith.constant 15 : i32
        %add3A_533 = arith.addi %mul3A_253, %add3A_532 : i32
        %swap3A_534 = arith.constant 1 : i32
        %swap3A_535 = arith.index_cast %swap3A_534 : i32 to index
        %swap3A_536 = arith.index_cast %add3A_533 : i32 to index
        %swap3A_537 = arith.constant 0 : index
        %swap3A_538 = tpu.vector_load %arg10[%swap3A_535, %swap3A_536, %swap3A_537] {strides = array<i32>} : memref<4x128x16xf32, #tpu.memory_space<vmem>>, vector<16xf32>,
        tpu.vector_store %arg10[%swap3A_535, %swap3A_536, %swap3A_537], %mul3A_531 {strides = array<i32>} : memref<4x128x16xf32, #tpu.memory_space<vmem>>, vector<16xf32>,
        %scan3A_539 = arith.constant 0 : i32
        scf.yield %scan3A_539 : i32
      }
      %scan3A_131 = arith.constant 8 : i32
      %dma_start3A_132 = arith.constant 1 : i32
      %dma_start3A_133 = arith.constant 0 : i32
      %dma_start3A_134 = arith.constant 0 : i32
      %dma_start3A_135 = tpu.memref_slice %arg10[%dma_start3A_132, %dma_start3A_133, %dma_start3A_134] : memref<4x128x16xf32, #tpu.memory_space<vmem>> -> memref<1x128x16xf32, #tpu.memory_space<vmem>>
      %dma_start3A_136 = tpu.memref_squeeze %dma_start3A_135 : memref<1x128x16xf32, #tpu.memory_space<vmem>> -> memref<128x16xf32, #tpu.memory_space<vmem>>
      %dma_start3A_137 = arith.constant 0 : i32
      %dma_start3A_138 = tpu.memref_slice %arg8[%add3A_113, %dma_start3A_137] : memref<80x128xi32, #tpu.memory_space<vmem>> -> memref<1x128xi32, #tpu.memory_space<vmem>>
      %dma_start3A_139 = tpu.memref_squeeze %dma_start3A_138 : memref<1x128xi32, #tpu.memory_space<vmem>> -> memref<128xi32, #tpu.memory_space<vmem>>
      %dma_start3A_140 = arith.constant 0 : i32
      %dma_start3A_141 = arith.constant 0 : i32
      %dma_start3A_142 = tpu.memref_slice %arg12[%dma_start3A_140, %dma_start3A_141] : memref<10240x16xf32, #tpu.memory_space<vmem_shared>> -> memref<10240x16xf32, #tpu.memory_space<vmem_shared>>
      tpu.enqueue_indirect_dma source(%dma_start3A_136 : memref<128x16xf32, #tpu.memory_space<vmem>>) target(%dma_start3A_142 : memref<10240x16xf32, #tpu.memory_space<vmem_shared>>) offsets(%dma_start3A_139 : memref<128xi32, #tpu.memory_space<vmem>>) semaphore(%arg18 : memref<!tpu.dma_semaphore, #tpu.memory_space<semaphore_mem>>) {add = true}
      %ge3A_143 = arith.constant 2 : i32
      %ge3A_144 = arith.cmpi sge, %add3A_113, %ge3A_143 : i32
      %convert_element_type3A_145 = arith.extui %ge3A_144 : i1 to i32
      %cond3A_146 = arith.constant 0 : i32
      %cond3A_147 = arith.cmpi ne, %convert_element_type3A_145, %cond3A_146 : i32
      scf.if %cond3A_147 {
        %sub3A = arith.constant 2 : i32
        %sub3A_246 = arith.subi %add3A_113, %sub3A : i32
        %dma_wait3A_247 = arith.constant 3 : i32
        %dma_wait3A_248 = arith.constant 0 : i32
        %dma_wait3A_249 = arith.constant 0 : i32
        %dma_wait3A_250 = tpu.memref_slice %arg10[%dma_wait3A_247, %dma_wait3A_248, %dma_wait3A_249] : memref<4x128x16xf32, #tpu.memory_space<vmem>> -> memref<1x128x16xf32, #tpu.memory_space<vmem>>
        %dma_wait3A_251 = tpu.memref_squeeze %dma_wait3A_250 : memref<1x128x16xf32, #tpu.memory_space<vmem>> -> memref<128x16xf32, #tpu.memory_space<vmem>>
        %dma_wait3A_252 = arith.constant 0 : i32
        %dma_wait3A_253 = tpu.memref_slice %arg8[%sub3A_246, %dma_wait3A_252] : memref<80x128xi32, #tpu.memory_space<vmem>> -> memref<1x128xi32, #tpu.memory_space<vmem>>
        %dma_wait3A_254 = tpu.memref_squeeze %dma_wait3A_253 : memref<1x128xi32, #tpu.memory_space<vmem>> -> memref<128xi32, #tpu.memory_space<vmem>>
        %dma_wait3A_255 = arith.constant 0 : i32
        %dma_wait3A_256 = arith.constant 0 : i32
        %dma_wait3A_257 = tpu.memref_slice %arg12[%dma_wait3A_255, %dma_wait3A_256] : memref<10240x16xf32, #tpu.memory_space<vmem_shared>> -> memref<10240x16xf32, #tpu.memory_space<vmem_shared>>
        tpu.wait_indirect_dma semaphore(%arg20 : memref<!tpu.dma_semaphore, #tpu.memory_space<semaphore_mem>>) src(%dma_wait3A_251 : memref<128x16xf32, #tpu.memory_space<vmem>>) dst(%dma_wait3A_257 : memref<10240x16xf32, #tpu.memory_space<vmem_shared>>)
      } else {
      }
      %add3A_148 = arith.constant 2 : i32
      %add3A_149 = arith.addi %add3A_113, %add3A_148 : i32
      %lt3A_150 = arith.constant 80 : i32
      %lt3A_151 = arith.cmpi slt, %add3A_149, %lt3A_150 : i32
      %convert_element_type3A_152 = arith.extui %lt3A_151 : i1 to i32
      %cond3A_153 = arith.constant 0 : i32
      %cond3A_154 = arith.cmpi ne, %convert_element_type3A_152, %cond3A_153 : i32
      scf.if %cond3A_154 {
        %add3A_246 = arith.constant 2 : i32
        %add3A_247 = arith.addi %add3A_113, %add3A_246 : i32
        %dma_start3A_248 = arith.constant 3 : i32
        %dma_start3A_249 = arith.constant 0 : i32
        %dma_start3A_250 = arith.constant 0 : i32
        %dma_start3A_251 = tpu.memref_slice %arg10[%dma_start3A_248, %dma_start3A_249, %dma_start3A_250] : memref<4x128x16xf32, #tpu.memory_space<vmem>> -> memref<1x128x16xf32, #tpu.memory_space<vmem>>
        %dma_start3A_252 = tpu.memref_squeeze %dma_start3A_251 : memref<1x128x16xf32, #tpu.memory_space<vmem>> -> memref<128x16xf32, #tpu.memory_space<vmem>>
        %dma_start3A_253 = arith.constant 0 : i32
        %dma_start3A_254 = tpu.memref_slice %arg7[%add3A_247, %dma_start3A_253] : memref<80x128xi32, #tpu.memory_space<vmem>> -> memref<1x128xi32, #tpu.memory_space<vmem>>
        %dma_start3A_255 = tpu.memref_squeeze %dma_start3A_254 : memref<1x128xi32, #tpu.memory_space<vmem>> -> memref<128xi32, #tpu.memory_space<vmem>>
        %dma_start3A_256 = arith.constant 0 : i32
        %dma_start3A_257 = arith.constant 0 : i32
        %dma_start3A_258 = tpu.memref_slice %arg2[%dma_start3A_256, %dma_start3A_257] : memref<10000x16xf32, #tpu.memory_space<hbm>> -> memref<10000x16xf32, #tpu.memory_space<hbm>>
        tpu.enqueue_indirect_dma source(%dma_start3A_258 : memref<10000x16xf32, #tpu.memory_space<hbm>>) target(%dma_start3A_252 : memref<128x16xf32, #tpu.memory_space<vmem>>) offsets(%dma_start3A_255 : memref<128xi32, #tpu.memory_space<vmem>>) semaphore(%arg16 : memref<!tpu.dma_semaphore, #tpu.memory_space<semaphore_mem>>)
      } else {
      }
      %mul3A_155 = arith.constant 4 : i32
      %mul3A_156 = arith.muli %scan3A_67, %mul3A_155 : i32
      %add3A_157 = arith.constant 2 : i32
      %add3A_158 = arith.addi %mul3A_156, %add3A_157 : i32
      %dma_wait3A_159 = arith.constant 2 : i32
      %dma_wait3A_160 = arith.constant 0 : i32
      %dma_wait3A_161 = arith.constant 0 : i32
      %dma_wait3A_162 = tpu.memref_slice %arg10[%dma_wait3A_159, %dma_wait3A_160, %dma_wait3A_161] : memref<4x128x16xf32, #tpu.memory_space<vmem>> -> memref<1x128x16xf32, #tpu.memory_space<vmem>>
      %dma_wait3A_163 = tpu.memref_squeeze %dma_wait3A_162 : memref<1x128x16xf32, #tpu.memory_space<vmem>> -> memref<128x16xf32, #tpu.memory_space<vmem>>
      %dma_wait3A_164 = arith.constant 0 : i32
      %dma_wait3A_165 = tpu.memref_slice %arg7[%add3A_158, %dma_wait3A_164] : memref<80x128xi32, #tpu.memory_space<vmem>> -> memref<1x128xi32, #tpu.memory_space<vmem>>
      %dma_wait3A_166 = tpu.memref_squeeze %dma_wait3A_165 : memref<1x128xi32, #tpu.memory_space<vmem>> -> memref<128xi32, #tpu.memory_space<vmem>>
      %dma_wait3A_167 = arith.constant 0 : i32
      %dma_wait3A_168 = arith.constant 0 : i32
      %dma_wait3A_169 = tpu.memref_slice %arg2[%dma_wait3A_167, %dma_wait3A_168] : memref<10000x16xf32, #tpu.memory_space<hbm>> -> memref<10000x16xf32, #tpu.memory_space<hbm>>
      tpu.wait_indirect_dma semaphore(%arg15 : memref<!tpu.dma_semaphore, #tpu.memory_space<semaphore_mem>>) src(%dma_wait3A_169 : memref<10000x16xf32, #tpu.memory_space<hbm>>) dst(%dma_wait3A_163 : memref<128x16xf32, #tpu.memory_space<vmem>>)
      %scan3A_170 = arith.constant 0 : i32
      %scan3A_171 = arith.constant 0 : i32
      %scan3A_172 = arith.constant 8 : i32
      %scan3A_173 = arith.addi %scan3A_171, %scan3A_172 : i32
      %scan3A_174 = arith.constant 1 : i32
      %scan3A_175 = scf.for %scan3A_246 = %scan3A_171 to %scan3A_173 step %scan3A_174 iter_args(%scan3A_247 = %scan3A_170) -> (i32)  : i32 {
        %mul3A_248 = arith.constant 16 : i32
        %mul3A_249 = arith.muli %scan3A_246, %mul3A_248 : i32
        %get3A = arith.index_cast %add3A_158 : i32 to index
        %get3A_250 = arith.index_cast %mul3A_249 : i32 to index
        %get3A_251 = tpu.vector_load %arg9[%get3A, %get3A_250] {strides = array<i32>} : memref<80x128xf32, #tpu.memory_space<vmem>>, vector<16xf32>,
        %mul3A_252 = arith.constant 16 : i32
        %mul3A_253 = arith.muli %scan3A_246, %mul3A_252 : i32
        %add3A_254 = arith.constant 0 : i32
        %add3A_255 = arith.addi %mul3A_253, %add3A_254 : i32
        %get3A_256 = arith.constant 2 : i32
        %get3A_257 = arith.index_cast %get3A_256 : i32 to index
        %get3A_258 = arith.index_cast %add3A_255 : i32 to index
        %get3A_259 = arith.constant 0 : index
        %get3A_260 = tpu.vector_load %arg10[%get3A_257, %get3A_258, %get3A_259] {strides = array<i32>} : memref<4x128x16xf32, #tpu.memory_space<vmem>>, vector<16xf32>,
        %slice3A = vector.extract_strided_slice %get3A_251 {offsets = [0], sizes = [1], strides = [1]} : vector<16xf32> to vector<1xf32>
        %squeeze3A = vector.extract %slice3A[0] : f32 from vector<1xf32>
        %mul3A_261 = vector.broadcast %squeeze3A : f32 to vector<16xf32>
        %mul3A_262 = arith.mulf %get3A_260, %mul3A_261 : vector<16xf32>
        %add3A_263 = arith.constant 0 : i32
        %add3A_264 = arith.addi %mul3A_253, %add3A_263 : i32
        %swap3A = arith.constant 2 : i32
        %swap3A_265 = arith.index_cast %swap3A : i32 to index
        %swap3A_266 = arith.index_cast %add3A_264 : i32 to index
        %swap3A_267 = arith.constant 0 : index
        %swap3A_268 = tpu.vector_load %arg10[%swap3A_265, %swap3A_266, %swap3A_267] {strides = array<i32>} : memref<4x128x16xf32, #tpu.memory_space<vmem>>, vector<16xf32>,
        tpu.vector_store %arg10[%swap3A_265, %swap3A_266, %swap3A_267], %mul3A_262 {strides = array<i32>} : memref<4x128x16xf32, #tpu.memory_space<vmem>>, vector<16xf32>,
        %add3A_269 = arith.constant 1 : i32
        %add3A_270 = arith.addi %mul3A_253, %add3A_269 : i32
        %get3A_271 = arith.constant 2 : i32
        %get3A_272 = arith.index_cast %get3A_271 : i32 to index
        %get3A_273 = arith.index_cast %add3A_270 : i32 to index
        %get3A_274 = arith.constant 0 : index
        %get3A_275 = tpu.vector_load %arg10[%get3A_272, %get3A_273, %get3A_274] {strides = array<i32>} : memref<4x128x16xf32, #tpu.memory_space<vmem>>, vector<16xf32>,
        %slice3A_276 = vector.extract_strided_slice %get3A_251 {offsets = [1], sizes = [1], strides = [1]} : vector<16xf32> to vector<1xf32>
        %squeeze3A_277 = vector.extract %slice3A_276[0] : f32 from vector<1xf32>
        %mul3A_278 = vector.broadcast %squeeze3A_277 : f32 to vector<16xf32>
        %mul3A_279 = arith.mulf %get3A_275, %mul3A_278 : vector<16xf32>
        %add3A_280 = arith.constant 1 : i32
        %add3A_281 = arith.addi %mul3A_253, %add3A_280 : i32
        %swap3A_282 = arith.constant 2 : i32
        %swap3A_283 = arith.index_cast %swap3A_282 : i32 to index
        %swap3A_284 = arith.index_cast %add3A_281 : i32 to index
        %swap3A_285 = arith.constant 0 : index
        %swap3A_286 = tpu.vector_load %arg10[%swap3A_283, %swap3A_284, %swap3A_285] {strides = array<i32>} : memref<4x128x16xf32, #tpu.memory_space<vmem>>, vector<16xf32>,
        tpu.vector_store %arg10[%swap3A_283, %swap3A_284, %swap3A_285], %mul3A_279 {strides = array<i32>} : memref<4x128x16xf32, #tpu.memory_space<vmem>>, vector<16xf32>,
        %add3A_287 = arith.constant 2 : i32
        %add3A_288 = arith.addi %mul3A_253, %add3A_287 : i32
        %get3A_289 = arith.constant 2 : i32
        %get3A_290 = arith.index_cast %get3A_289 : i32 to index
        %get3A_291 = arith.index_cast %add3A_288 : i32 to index
        %get3A_292 = arith.constant 0 : index
        %get3A_293 = tpu.vector_load %arg10[%get3A_290, %get3A_291, %get3A_292] {strides = array<i32>} : memref<4x128x16xf32, #tpu.memory_space<vmem>>, vector<16xf32>,
        %slice3A_294 = vector.extract_strided_slice %get3A_251 {offsets = [2], sizes = [1], strides = [1]} : vector<16xf32> to vector<1xf32>
        %squeeze3A_295 = vector.extract %slice3A_294[0] : f32 from vector<1xf32>
        %mul3A_296 = vector.broadcast %squeeze3A_295 : f32 to vector<16xf32>
        %mul3A_297 = arith.mulf %get3A_293, %mul3A_296 : vector<16xf32>
        %add3A_298 = arith.constant 2 : i32
        %add3A_299 = arith.addi %mul3A_253, %add3A_298 : i32
        %swap3A_300 = arith.constant 2 : i32
        %swap3A_301 = arith.index_cast %swap3A_300 : i32 to index
        %swap3A_302 = arith.index_cast %add3A_299 : i32 to index
        %swap3A_303 = arith.constant 0 : index
        %swap3A_304 = tpu.vector_load %arg10[%swap3A_301, %swap3A_302, %swap3A_303] {strides = array<i32>} : memref<4x128x16xf32, #tpu.memory_space<vmem>>, vector<16xf32>,
        tpu.vector_store %arg10[%swap3A_301, %swap3A_302, %swap3A_303], %mul3A_297 {strides = array<i32>} : memref<4x128x16xf32, #tpu.memory_space<vmem>>, vector<16xf32>,
        %add3A_305 = arith.constant 3 : i32
        %add3A_306 = arith.addi %mul3A_253, %add3A_305 : i32
        %get3A_307 = arith.constant 2 : i32
        %get3A_308 = arith.index_cast %get3A_307 : i32 to index
        %get3A_309 = arith.index_cast %add3A_306 : i32 to index
        %get3A_310 = arith.constant 0 : index
        %get3A_311 = tpu.vector_load %arg10[%get3A_308, %get3A_309, %get3A_310] {strides = array<i32>} : memref<4x128x16xf32, #tpu.memory_space<vmem>>, vector<16xf32>,
        %slice3A_312 = vector.extract_strided_slice %get3A_251 {offsets = [3], sizes = [1], strides = [1]} : vector<16xf32> to vector<1xf32>
        %squeeze3A_313 = vector.extract %slice3A_312[0] : f32 from vector<1xf32>
        %mul3A_314 = vector.broadcast %squeeze3A_313 : f32 to vector<16xf32>
        %mul3A_315 = arith.mulf %get3A_311, %mul3A_314 : vector<16xf32>
        %add3A_316 = arith.constant 3 : i32
        %add3A_317 = arith.addi %mul3A_253, %add3A_316 : i32
        %swap3A_318 = arith.constant 2 : i32
        %swap3A_319 = arith.index_cast %swap3A_318 : i32 to index
        %swap3A_320 = arith.index_cast %add3A_317 : i32 to index
        %swap3A_321 = arith.constant 0 : index
        %swap3A_322 = tpu.vector_load %arg10[%swap3A_319, %swap3A_320, %swap3A_321] {strides = array<i32>} : memref<4x128x16xf32, #tpu.memory_space<vmem>>, vector<16xf32>,
        tpu.vector_store %arg10[%swap3A_319, %swap3A_320, %swap3A_321], %mul3A_315 {strides = array<i32>} : memref<4x128x16xf32, #tpu.memory_space<vmem>>, vector<16xf32>,
        %add3A_323 = arith.constant 4 : i32
        %add3A_324 = arith.addi %mul3A_253, %add3A_323 : i32
        %get3A_325 = arith.constant 2 : i32
        %get3A_326 = arith.index_cast %get3A_325 : i32 to index
        %get3A_327 = arith.index_cast %add3A_324 : i32 to index
        %get3A_328 = arith.constant 0 : index
        %get3A_329 = tpu.vector_load %arg10[%get3A_326, %get3A_327, %get3A_328] {strides = array<i32>} : memref<4x128x16xf32, #tpu.memory_space<vmem>>, vector<16xf32>,
        %slice3A_330 = vector.extract_strided_slice %get3A_251 {offsets = [4], sizes = [1], strides = [1]} : vector<16xf32> to vector<1xf32>
        %squeeze3A_331 = vector.extract %slice3A_330[0] : f32 from vector<1xf32>
        %mul3A_332 = vector.broadcast %squeeze3A_331 : f32 to vector<16xf32>
        %mul3A_333 = arith.mulf %get3A_329, %mul3A_332 : vector<16xf32>
        %add3A_334 = arith.constant 4 : i32
        %add3A_335 = arith.addi %mul3A_253, %add3A_334 : i32
        %swap3A_336 = arith.constant 2 : i32
        %swap3A_337 = arith.index_cast %swap3A_336 : i32 to index
        %swap3A_338 = arith.index_cast %add3A_335 : i32 to index
        %swap3A_339 = arith.constant 0 : index
        %swap3A_340 = tpu.vector_load %arg10[%swap3A_337, %swap3A_338, %swap3A_339] {strides = array<i32>} : memref<4x128x16xf32, #tpu.memory_space<vmem>>, vector<16xf32>,
        tpu.vector_store %arg10[%swap3A_337, %swap3A_338, %swap3A_339], %mul3A_333 {strides = array<i32>} : memref<4x128x16xf32, #tpu.memory_space<vmem>>, vector<16xf32>,
        %add3A_341 = arith.constant 5 : i32
        %add3A_342 = arith.addi %mul3A_253, %add3A_341 : i32
        %get3A_343 = arith.constant 2 : i32
        %get3A_344 = arith.index_cast %get3A_343 : i32 to index
        %get3A_345 = arith.index_cast %add3A_342 : i32 to index
        %get3A_346 = arith.constant 0 : index
        %get3A_347 = tpu.vector_load %arg10[%get3A_344, %get3A_345, %get3A_346] {strides = array<i32>} : memref<4x128x16xf32, #tpu.memory_space<vmem>>, vector<16xf32>,
        %slice3A_348 = vector.extract_strided_slice %get3A_251 {offsets = [5], sizes = [1], strides = [1]} : vector<16xf32> to vector<1xf32>
        %squeeze3A_349 = vector.extract %slice3A_348[0] : f32 from vector<1xf32>
        %mul3A_350 = vector.broadcast %squeeze3A_349 : f32 to vector<16xf32>
        %mul3A_351 = arith.mulf %get3A_347, %mul3A_350 : vector<16xf32>
        %add3A_352 = arith.constant 5 : i32
        %add3A_353 = arith.addi %mul3A_253, %add3A_352 : i32
        %swap3A_354 = arith.constant 2 : i32
        %swap3A_355 = arith.index_cast %swap3A_354 : i32 to index
        %swap3A_356 = arith.index_cast %add3A_353 : i32 to index
        %swap3A_357 = arith.constant 0 : index
        %swap3A_358 = tpu.vector_load %arg10[%swap3A_355, %swap3A_356, %swap3A_357] {strides = array<i32>} : memref<4x128x16xf32, #tpu.memory_space<vmem>>, vector<16xf32>,
        tpu.vector_store %arg10[%swap3A_355, %swap3A_356, %swap3A_357], %mul3A_351 {strides = array<i32>} : memref<4x128x16xf32, #tpu.memory_space<vmem>>, vector<16xf32>,
        %add3A_359 = arith.constant 6 : i32
        %add3A_360 = arith.addi %mul3A_253, %add3A_359 : i32
        %get3A_361 = arith.constant 2 : i32
        %get3A_362 = arith.index_cast %get3A_361 : i32 to index
        %get3A_363 = arith.index_cast %add3A_360 : i32 to index
        %get3A_364 = arith.constant 0 : index
        %get3A_365 = tpu.vector_load %arg10[%get3A_362, %get3A_363, %get3A_364] {strides = array<i32>} : memref<4x128x16xf32, #tpu.memory_space<vmem>>, vector<16xf32>,
        %slice3A_366 = vector.extract_strided_slice %get3A_251 {offsets = [6], sizes = [1], strides = [1]} : vector<16xf32> to vector<1xf32>
        %squeeze3A_367 = vector.extract %slice3A_366[0] : f32 from vector<1xf32>
        %mul3A_368 = vector.broadcast %squeeze3A_367 : f32 to vector<16xf32>
        %mul3A_369 = arith.mulf %get3A_365, %mul3A_368 : vector<16xf32>
        %add3A_370 = arith.constant 6 : i32
        %add3A_371 = arith.addi %mul3A_253, %add3A_370 : i32
        %swap3A_372 = arith.constant 2 : i32
        %swap3A_373 = arith.index_cast %swap3A_372 : i32 to index
        %swap3A_374 = arith.index_cast %add3A_371 : i32 to index
        %swap3A_375 = arith.constant 0 : index
        %swap3A_376 = tpu.vector_load %arg10[%swap3A_373, %swap3A_374, %swap3A_375] {strides = array<i32>} : memref<4x128x16xf32, #tpu.memory_space<vmem>>, vector<16xf32>,
        tpu.vector_store %arg10[%swap3A_373, %swap3A_374, %swap3A_375], %mul3A_369 {strides = array<i32>} : memref<4x128x16xf32, #tpu.memory_space<vmem>>, vector<16xf32>,
        %add3A_377 = arith.constant 7 : i32
        %add3A_378 = arith.addi %mul3A_253, %add3A_377 : i32
        %get3A_379 = arith.constant 2 : i32
        %get3A_380 = arith.index_cast %get3A_379 : i32 to index
        %get3A_381 = arith.index_cast %add3A_378 : i32 to index
        %get3A_382 = arith.constant 0 : index
        %get3A_383 = tpu.vector_load %arg10[%get3A_380, %get3A_381, %get3A_382] {strides = array<i32>} : memref<4x128x16xf32, #tpu.memory_space<vmem>>, vector<16xf32>,
        %slice3A_384 = vector.extract_strided_slice %get3A_251 {offsets = [7], sizes = [1], strides = [1]} : vector<16xf32> to vector<1xf32>
        %squeeze3A_385 = vector.extract %slice3A_384[0] : f32 from vector<1xf32>
        %mul3A_386 = vector.broadcast %squeeze3A_385 : f32 to vector<16xf32>
        %mul3A_387 = arith.mulf %get3A_383, %mul3A_386 : vector<16xf32>
        %add3A_388 = arith.constant 7 : i32
        %add3A_389 = arith.addi %mul3A_253, %add3A_388 : i32
        %swap3A_390 = arith.constant 2 : i32
        %swap3A_391 = arith.index_cast %swap3A_390 : i32 to index
        %swap3A_392 = arith.index_cast %add3A_389 : i32 to index
        %swap3A_393 = arith.constant 0 : index
        %swap3A_394 = tpu.vector_load %arg10[%swap3A_391, %swap3A_392, %swap3A_393] {strides = array<i32>} : memref<4x128x16xf32, #tpu.memory_space<vmem>>, vector<16xf32>,
        tpu.vector_store %arg10[%swap3A_391, %swap3A_392, %swap3A_393], %mul3A_387 {strides = array<i32>} : memref<4x128x16xf32, #tpu.memory_space<vmem>>, vector<16xf32>,
        %add3A_395 = arith.constant 8 : i32
        %add3A_396 = arith.addi %mul3A_253, %add3A_395 : i32
        %get3A_397 = arith.constant 2 : i32
        %get3A_398 = arith.index_cast %get3A_397 : i32 to index
        %get3A_399 = arith.index_cast %add3A_396 : i32 to index
        %get3A_400 = arith.constant 0 : index
        %get3A_401 = tpu.vector_load %arg10[%get3A_398, %get3A_399, %get3A_400] {strides = array<i32>} : memref<4x128x16xf32, #tpu.memory_space<vmem>>, vector<16xf32>,
        %slice3A_402 = vector.extract_strided_slice %get3A_251 {offsets = [8], sizes = [1], strides = [1]} : vector<16xf32> to vector<1xf32>
        %squeeze3A_403 = vector.extract %slice3A_402[0] : f32 from vector<1xf32>
        %mul3A_404 = vector.broadcast %squeeze3A_403 : f32 to vector<16xf32>
        %mul3A_405 = arith.mulf %get3A_401, %mul3A_404 : vector<16xf32>
        %add3A_406 = arith.constant 8 : i32
        %add3A_407 = arith.addi %mul3A_253, %add3A_406 : i32
        %swap3A_408 = arith.constant 2 : i32
        %swap3A_409 = arith.index_cast %swap3A_408 : i32 to index
        %swap3A_410 = arith.index_cast %add3A_407 : i32 to index
        %swap3A_411 = arith.constant 0 : index
        %swap3A_412 = tpu.vector_load %arg10[%swap3A_409, %swap3A_410, %swap3A_411] {strides = array<i32>} : memref<4x128x16xf32, #tpu.memory_space<vmem>>, vector<16xf32>,
        tpu.vector_store %arg10[%swap3A_409, %swap3A_410, %swap3A_411], %mul3A_405 {strides = array<i32>} : memref<4x128x16xf32, #tpu.memory_space<vmem>>, vector<16xf32>,
        %add3A_413 = arith.constant 9 : i32
        %add3A_414 = arith.addi %mul3A_253, %add3A_413 : i32
        %get3A_415 = arith.constant 2 : i32
        %get3A_416 = arith.index_cast %get3A_415 : i32 to index
        %get3A_417 = arith.index_cast %add3A_414 : i32 to index
        %get3A_418 = arith.constant 0 : index
        %get3A_419 = tpu.vector_load %arg10[%get3A_416, %get3A_417, %get3A_418] {strides = array<i32>} : memref<4x128x16xf32, #tpu.memory_space<vmem>>, vector<16xf32>,
        %slice3A_420 = vector.extract_strided_slice %get3A_251 {offsets = [9], sizes = [1], strides = [1]} : vector<16xf32> to vector<1xf32>
        %squeeze3A_421 = vector.extract %slice3A_420[0] : f32 from vector<1xf32>
        %mul3A_422 = vector.broadcast %squeeze3A_421 : f32 to vector<16xf32>
        %mul3A_423 = arith.mulf %get3A_419, %mul3A_422 : vector<16xf32>
        %add3A_424 = arith.constant 9 : i32
        %add3A_425 = arith.addi %mul3A_253, %add3A_424 : i32
        %swap3A_426 = arith.constant 2 : i32
        %swap3A_427 = arith.index_cast %swap3A_426 : i32 to index
        %swap3A_428 = arith.index_cast %add3A_425 : i32 to index
        %swap3A_429 = arith.constant 0 : index
        %swap3A_430 = tpu.vector_load %arg10[%swap3A_427, %swap3A_428, %swap3A_429] {strides = array<i32>} : memref<4x128x16xf32, #tpu.memory_space<vmem>>, vector<16xf32>,
        tpu.vector_store %arg10[%swap3A_427, %swap3A_428, %swap3A_429], %mul3A_423 {strides = array<i32>} : memref<4x128x16xf32, #tpu.memory_space<vmem>>, vector<16xf32>,
        %add3A_431 = arith.constant 10 : i32
        %add3A_432 = arith.addi %mul3A_253, %add3A_431 : i32
        %get3A_433 = arith.constant 2 : i32
        %get3A_434 = arith.index_cast %get3A_433 : i32 to index
        %get3A_435 = arith.index_cast %add3A_432 : i32 to index
        %get3A_436 = arith.constant 0 : index
        %get3A_437 = tpu.vector_load %arg10[%get3A_434, %get3A_435, %get3A_436] {strides = array<i32>} : memref<4x128x16xf32, #tpu.memory_space<vmem>>, vector<16xf32>,
        %slice3A_438 = vector.extract_strided_slice %get3A_251 {offsets = [10], sizes = [1], strides = [1]} : vector<16xf32> to vector<1xf32>
        %squeeze3A_439 = vector.extract %slice3A_438[0] : f32 from vector<1xf32>
        %mul3A_440 = vector.broadcast %squeeze3A_439 : f32 to vector<16xf32>
        %mul3A_441 = arith.mulf %get3A_437, %mul3A_440 : vector<16xf32>
        %add3A_442 = arith.constant 10 : i32
        %add3A_443 = arith.addi %mul3A_253, %add3A_442 : i32
        %swap3A_444 = arith.constant 2 : i32
        %swap3A_445 = arith.index_cast %swap3A_444 : i32 to index
        %swap3A_446 = arith.index_cast %add3A_443 : i32 to index
        %swap3A_447 = arith.constant 0 : index
        %swap3A_448 = tpu.vector_load %arg10[%swap3A_445, %swap3A_446, %swap3A_447] {strides = array<i32>} : memref<4x128x16xf32, #tpu.memory_space<vmem>>, vector<16xf32>,
        tpu.vector_store %arg10[%swap3A_445, %swap3A_446, %swap3A_447], %mul3A_441 {strides = array<i32>} : memref<4x128x16xf32, #tpu.memory_space<vmem>>, vector<16xf32>,
        %add3A_449 = arith.constant 11 : i32
        %add3A_450 = arith.addi %mul3A_253, %add3A_449 : i32
        %get3A_451 = arith.constant 2 : i32
        %get3A_452 = arith.index_cast %get3A_451 : i32 to index
        %get3A_453 = arith.index_cast %add3A_450 : i32 to index
        %get3A_454 = arith.constant 0 : index
        %get3A_455 = tpu.vector_load %arg10[%get3A_452, %get3A_453, %get3A_454] {strides = array<i32>} : memref<4x128x16xf32, #tpu.memory_space<vmem>>, vector<16xf32>,
        %slice3A_456 = vector.extract_strided_slice %get3A_251 {offsets = [11], sizes = [1], strides = [1]} : vector<16xf32> to vector<1xf32>
        %squeeze3A_457 = vector.extract %slice3A_456[0] : f32 from vector<1xf32>
        %mul3A_458 = vector.broadcast %squeeze3A_457 : f32 to vector<16xf32>
        %mul3A_459 = arith.mulf %get3A_455, %mul3A_458 : vector<16xf32>
        %add3A_460 = arith.constant 11 : i32
        %add3A_461 = arith.addi %mul3A_253, %add3A_460 : i32
        %swap3A_462 = arith.constant 2 : i32
        %swap3A_463 = arith.index_cast %swap3A_462 : i32 to index
        %swap3A_464 = arith.index_cast %add3A_461 : i32 to index
        %swap3A_465 = arith.constant 0 : index
        %swap3A_466 = tpu.vector_load %arg10[%swap3A_463, %swap3A_464, %swap3A_465] {strides = array<i32>} : memref<4x128x16xf32, #tpu.memory_space<vmem>>, vector<16xf32>,
        tpu.vector_store %arg10[%swap3A_463, %swap3A_464, %swap3A_465], %mul3A_459 {strides = array<i32>} : memref<4x128x16xf32, #tpu.memory_space<vmem>>, vector<16xf32>,
        %add3A_467 = arith.constant 12 : i32
        %add3A_468 = arith.addi %mul3A_253, %add3A_467 : i32
        %get3A_469 = arith.constant 2 : i32
        %get3A_470 = arith.index_cast %get3A_469 : i32 to index
        %get3A_471 = arith.index_cast %add3A_468 : i32 to index
        %get3A_472 = arith.constant 0 : index
        %get3A_473 = tpu.vector_load %arg10[%get3A_470, %get3A_471, %get3A_472] {strides = array<i32>} : memref<4x128x16xf32, #tpu.memory_space<vmem>>, vector<16xf32>,
        %slice3A_474 = vector.extract_strided_slice %get3A_251 {offsets = [12], sizes = [1], strides = [1]} : vector<16xf32> to vector<1xf32>
        %squeeze3A_475 = vector.extract %slice3A_474[0] : f32 from vector<1xf32>
        %mul3A_476 = vector.broadcast %squeeze3A_475 : f32 to vector<16xf32>
        %mul3A_477 = arith.mulf %get3A_473, %mul3A_476 : vector<16xf32>
        %add3A_478 = arith.constant 12 : i32
        %add3A_479 = arith.addi %mul3A_253, %add3A_478 : i32
        %swap3A_480 = arith.constant 2 : i32
        %swap3A_481 = arith.index_cast %swap3A_480 : i32 to index
        %swap3A_482 = arith.index_cast %add3A_479 : i32 to index
        %swap3A_483 = arith.constant 0 : index
        %swap3A_484 = tpu.vector_load %arg10[%swap3A_481, %swap3A_482, %swap3A_483] {strides = array<i32>} : memref<4x128x16xf32, #tpu.memory_space<vmem>>, vector<16xf32>,
        tpu.vector_store %arg10[%swap3A_481, %swap3A_482, %swap3A_483], %mul3A_477 {strides = array<i32>} : memref<4x128x16xf32, #tpu.memory_space<vmem>>, vector<16xf32>,
        %add3A_485 = arith.constant 13 : i32
        %add3A_486 = arith.addi %mul3A_253, %add3A_485 : i32
        %get3A_487 = arith.constant 2 : i32
        %get3A_488 = arith.index_cast %get3A_487 : i32 to index
        %get3A_489 = arith.index_cast %add3A_486 : i32 to index
        %get3A_490 = arith.constant 0 : index
        %get3A_491 = tpu.vector_load %arg10[%get3A_488, %get3A_489, %get3A_490] {strides = array<i32>} : memref<4x128x16xf32, #tpu.memory_space<vmem>>, vector<16xf32>,
        %slice3A_492 = vector.extract_strided_slice %get3A_251 {offsets = [13], sizes = [1], strides = [1]} : vector<16xf32> to vector<1xf32>
        %squeeze3A_493 = vector.extract %slice3A_492[0] : f32 from vector<1xf32>
        %mul3A_494 = vector.broadcast %squeeze3A_493 : f32 to vector<16xf32>
        %mul3A_495 = arith.mulf %get3A_491, %mul3A_494 : vector<16xf32>
        %add3A_496 = arith.constant 13 : i32
        %add3A_497 = arith.addi %mul3A_253, %add3A_496 : i32
        %swap3A_498 = arith.constant 2 : i32
        %swap3A_499 = arith.index_cast %swap3A_498 : i32 to index
        %swap3A_500 = arith.index_cast %add3A_497 : i32 to index
        %swap3A_501 = arith.constant 0 : index
        %swap3A_502 = tpu.vector_load %arg10[%swap3A_499, %swap3A_500, %swap3A_501] {strides = array<i32>} : memref<4x128x16xf32, #tpu.memory_space<vmem>>, vector<16xf32>,
        tpu.vector_store %arg10[%swap3A_499, %swap3A_500, %swap3A_501], %mul3A_495 {strides = array<i32>} : memref<4x128x16xf32, #tpu.memory_space<vmem>>, vector<16xf32>,
        %add3A_503 = arith.constant 14 : i32
        %add3A_504 = arith.addi %mul3A_253, %add3A_503 : i32
        %get3A_505 = arith.constant 2 : i32
        %get3A_506 = arith.index_cast %get3A_505 : i32 to index
        %get3A_507 = arith.index_cast %add3A_504 : i32 to index
        %get3A_508 = arith.constant 0 : index
        %get3A_509 = tpu.vector_load %arg10[%get3A_506, %get3A_507, %get3A_508] {strides = array<i32>} : memref<4x128x16xf32, #tpu.memory_space<vmem>>, vector<16xf32>,
        %slice3A_510 = vector.extract_strided_slice %get3A_251 {offsets = [14], sizes = [1], strides = [1]} : vector<16xf32> to vector<1xf32>
        %squeeze3A_511 = vector.extract %slice3A_510[0] : f32 from vector<1xf32>
        %mul3A_512 = vector.broadcast %squeeze3A_511 : f32 to vector<16xf32>
        %mul3A_513 = arith.mulf %get3A_509, %mul3A_512 : vector<16xf32>
        %add3A_514 = arith.constant 14 : i32
        %add3A_515 = arith.addi %mul3A_253, %add3A_514 : i32
        %swap3A_516 = arith.constant 2 : i32
        %swap3A_517 = arith.index_cast %swap3A_516 : i32 to index
        %swap3A_518 = arith.index_cast %add3A_515 : i32 to index
        %swap3A_519 = arith.constant 0 : index
        %swap3A_520 = tpu.vector_load %arg10[%swap3A_517, %swap3A_518, %swap3A_519] {strides = array<i32>} : memref<4x128x16xf32, #tpu.memory_space<vmem>>, vector<16xf32>,
        tpu.vector_store %arg10[%swap3A_517, %swap3A_518, %swap3A_519], %mul3A_513 {strides = array<i32>} : memref<4x128x16xf32, #tpu.memory_space<vmem>>, vector<16xf32>,
        %add3A_521 = arith.constant 15 : i32
        %add3A_522 = arith.addi %mul3A_253, %add3A_521 : i32
        %get3A_523 = arith.constant 2 : i32
        %get3A_524 = arith.index_cast %get3A_523 : i32 to index
        %get3A_525 = arith.index_cast %add3A_522 : i32 to index
        %get3A_526 = arith.constant 0 : index
        %get3A_527 = tpu.vector_load %arg10[%get3A_524, %get3A_525, %get3A_526] {strides = array<i32>} : memref<4x128x16xf32, #tpu.memory_space<vmem>>, vector<16xf32>,
        %slice3A_528 = vector.extract_strided_slice %get3A_251 {offsets = [15], sizes = [1], strides = [1]} : vector<16xf32> to vector<1xf32>
        %squeeze3A_529 = vector.extract %slice3A_528[0] : f32 from vector<1xf32>
        %mul3A_530 = vector.broadcast %squeeze3A_529 : f32 to vector<16xf32>
        %mul3A_531 = arith.mulf %get3A_527, %mul3A_530 : vector<16xf32>
        %add3A_532 = arith.constant 15 : i32
        %add3A_533 = arith.addi %mul3A_253, %add3A_532 : i32
        %swap3A_534 = arith.constant 2 : i32
        %swap3A_535 = arith.index_cast %swap3A_534 : i32 to index
        %swap3A_536 = arith.index_cast %add3A_533 : i32 to index
        %swap3A_537 = arith.constant 0 : index
        %swap3A_538 = tpu.vector_load %arg10[%swap3A_535, %swap3A_536, %swap3A_537] {strides = array<i32>} : memref<4x128x16xf32, #tpu.memory_space<vmem>>, vector<16xf32>,
        tpu.vector_store %arg10[%swap3A_535, %swap3A_536, %swap3A_537], %mul3A_531 {strides = array<i32>} : memref<4x128x16xf32, #tpu.memory_space<vmem>>, vector<16xf32>,
        %scan3A_539 = arith.constant 0 : i32
        scf.yield %scan3A_539 : i32
      }
      %scan3A_176 = arith.constant 8 : i32
      %dma_start3A_177 = arith.constant 2 : i32
      %dma_start3A_178 = arith.constant 0 : i32
      %dma_start3A_179 = arith.constant 0 : i32
      %dma_start3A_180 = tpu.memref_slice %arg10[%dma_start3A_177, %dma_start3A_178, %dma_start3A_179] : memref<4x128x16xf32, #tpu.memory_space<vmem>> -> memref<1x128x16xf32, #tpu.memory_space<vmem>>
      %dma_start3A_181 = tpu.memref_squeeze %dma_start3A_180 : memref<1x128x16xf32, #tpu.memory_space<vmem>> -> memref<128x16xf32, #tpu.memory_space<vmem>>
      %dma_start3A_182 = arith.constant 0 : i32
      %dma_start3A_183 = tpu.memref_slice %arg8[%add3A_158, %dma_start3A_182] : memref<80x128xi32, #tpu.memory_space<vmem>> -> memref<1x128xi32, #tpu.memory_space<vmem>>
      %dma_start3A_184 = tpu.memref_squeeze %dma_start3A_183 : memref<1x128xi32, #tpu.memory_space<vmem>> -> memref<128xi32, #tpu.memory_space<vmem>>
      %dma_start3A_185 = arith.constant 0 : i32
      %dma_start3A_186 = arith.constant 0 : i32
      %dma_start3A_187 = tpu.memref_slice %arg12[%dma_start3A_185, %dma_start3A_186] : memref<10240x16xf32, #tpu.memory_space<vmem_shared>> -> memref<10240x16xf32, #tpu.memory_space<vmem_shared>>
      tpu.enqueue_indirect_dma source(%dma_start3A_181 : memref<128x16xf32, #tpu.memory_space<vmem>>) target(%dma_start3A_187 : memref<10240x16xf32, #tpu.memory_space<vmem_shared>>) offsets(%dma_start3A_184 : memref<128xi32, #tpu.memory_space<vmem>>) semaphore(%arg19 : memref<!tpu.dma_semaphore, #tpu.memory_space<semaphore_mem>>) {add = true}
      %ge3A_188 = arith.constant 2 : i32
      %ge3A_189 = arith.cmpi sge, %add3A_158, %ge3A_188 : i32
      %convert_element_type3A_190 = arith.extui %ge3A_189 : i1 to i32
      %cond3A_191 = arith.constant 0 : i32
      %cond3A_192 = arith.cmpi ne, %convert_element_type3A_190, %cond3A_191 : i32
      scf.if %cond3A_192 {
        %sub3A = arith.constant 2 : i32
        %sub3A_246 = arith.subi %add3A_158, %sub3A : i32
        %dma_wait3A_247 = arith.constant 0 : i32
        %dma_wait3A_248 = arith.constant 0 : i32
        %dma_wait3A_249 = arith.constant 0 : i32
        %dma_wait3A_250 = tpu.memref_slice %arg10[%dma_wait3A_247, %dma_wait3A_248, %dma_wait3A_249] : memref<4x128x16xf32, #tpu.memory_space<vmem>> -> memref<1x128x16xf32, #tpu.memory_space<vmem>>
        %dma_wait3A_251 = tpu.memref_squeeze %dma_wait3A_250 : memref<1x128x16xf32, #tpu.memory_space<vmem>> -> memref<128x16xf32, #tpu.memory_space<vmem>>
        %dma_wait3A_252 = arith.constant 0 : i32
        %dma_wait3A_253 = tpu.memref_slice %arg8[%sub3A_246, %dma_wait3A_252] : memref<80x128xi32, #tpu.memory_space<vmem>> -> memref<1x128xi32, #tpu.memory_space<vmem>>
        %dma_wait3A_254 = tpu.memref_squeeze %dma_wait3A_253 : memref<1x128xi32, #tpu.memory_space<vmem>> -> memref<128xi32, #tpu.memory_space<vmem>>
        %dma_wait3A_255 = arith.constant 0 : i32
        %dma_wait3A_256 = arith.constant 0 : i32
        %dma_wait3A_257 = tpu.memref_slice %arg12[%dma_wait3A_255, %dma_wait3A_256] : memref<10240x16xf32, #tpu.memory_space<vmem_shared>> -> memref<10240x16xf32, #tpu.memory_space<vmem_shared>>
        tpu.wait_indirect_dma semaphore(%arg17 : memref<!tpu.dma_semaphore, #tpu.memory_space<semaphore_mem>>) src(%dma_wait3A_251 : memref<128x16xf32, #tpu.memory_space<vmem>>) dst(%dma_wait3A_257 : memref<10240x16xf32, #tpu.memory_space<vmem_shared>>)
      } else {
      }
      %add3A_193 = arith.constant 2 : i32
      %add3A_194 = arith.addi %add3A_158, %add3A_193 : i32
      %lt3A_195 = arith.constant 80 : i32
      %lt3A_196 = arith.cmpi slt, %add3A_194, %lt3A_195 : i32
      %convert_element_type3A_197 = arith.extui %lt3A_196 : i1 to i32
      %cond3A_198 = arith.constant 0 : i32
      %cond3A_199 = arith.cmpi ne, %convert_element_type3A_197, %cond3A_198 : i32
      scf.if %cond3A_199 {
        %add3A_246 = arith.constant 2 : i32
        %add3A_247 = arith.addi %add3A_158, %add3A_246 : i32
        %dma_start3A_248 = arith.constant 0 : i32
        %dma_start3A_249 = arith.constant 0 : i32
        %dma_start3A_250 = arith.constant 0 : i32
        %dma_start3A_251 = tpu.memref_slice %arg10[%dma_start3A_248, %dma_start3A_249, %dma_start3A_250] : memref<4x128x16xf32, #tpu.memory_space<vmem>> -> memref<1x128x16xf32, #tpu.memory_space<vmem>>
        %dma_start3A_252 = tpu.memref_squeeze %dma_start3A_251 : memref<1x128x16xf32, #tpu.memory_space<vmem>> -> memref<128x16xf32, #tpu.memory_space<vmem>>
        %dma_start3A_253 = arith.constant 0 : i32
        %dma_start3A_254 = tpu.memref_slice %arg7[%add3A_247, %dma_start3A_253] : memref<80x128xi32, #tpu.memory_space<vmem>> -> memref<1x128xi32, #tpu.memory_space<vmem>>
        %dma_start3A_255 = tpu.memref_squeeze %dma_start3A_254 : memref<1x128xi32, #tpu.memory_space<vmem>> -> memref<128xi32, #tpu.memory_space<vmem>>
        %dma_start3A_256 = arith.constant 0 : i32
        %dma_start3A_257 = arith.constant 0 : i32
        %dma_start3A_258 = tpu.memref_slice %arg2[%dma_start3A_256, %dma_start3A_257] : memref<10000x16xf32, #tpu.memory_space<hbm>> -> memref<10000x16xf32, #tpu.memory_space<hbm>>
        tpu.enqueue_indirect_dma source(%dma_start3A_258 : memref<10000x16xf32, #tpu.memory_space<hbm>>) target(%dma_start3A_252 : memref<128x16xf32, #tpu.memory_space<vmem>>) offsets(%dma_start3A_255 : memref<128xi32, #tpu.memory_space<vmem>>) semaphore(%arg13 : memref<!tpu.dma_semaphore, #tpu.memory_space<semaphore_mem>>)
      } else {
      }
      %mul3A_200 = arith.constant 4 : i32
      %mul3A_201 = arith.muli %scan3A_67, %mul3A_200 : i32
      %add3A_202 = arith.constant 3 : i32
      %add3A_203 = arith.addi %mul3A_201, %add3A_202 : i32
      %dma_wait3A_204 = arith.constant 3 : i32
      %dma_wait3A_205 = arith.constant 0 : i32
      %dma_wait3A_206 = arith.constant 0 : i32
      %dma_wait3A_207 = tpu.memref_slice %arg10[%dma_wait3A_204, %dma_wait3A_205, %dma_wait3A_206] : memref<4x128x16xf32, #tpu.memory_space<vmem>> -> memref<1x128x16xf32, #tpu.memory_space<vmem>>
      %dma_wait3A_208 = tpu.memref_squeeze %dma_wait3A_207 : memref<1x128x16xf32, #tpu.memory_space<vmem>> -> memref<128x16xf32, #tpu.memory_space<vmem>>
      %dma_wait3A_209 = arith.constant 0 : i32
      %dma_wait3A_210 = tpu.memref_slice %arg7[%add3A_203, %dma_wait3A_209] : memref<80x128xi32, #tpu.memory_space<vmem>> -> memref<1x128xi32, #tpu.memory_space<vmem>>
      %dma_wait3A_211 = tpu.memref_squeeze %dma_wait3A_210 : memref<1x128xi32, #tpu.memory_space<vmem>> -> memref<128xi32, #tpu.memory_space<vmem>>
      %dma_wait3A_212 = arith.constant 0 : i32
      %dma_wait3A_213 = arith.constant 0 : i32
      %dma_wait3A_214 = tpu.memref_slice %arg2[%dma_wait3A_212, %dma_wait3A_213] : memref<10000x16xf32, #tpu.memory_space<hbm>> -> memref<10000x16xf32, #tpu.memory_space<hbm>>
      tpu.wait_indirect_dma semaphore(%arg16 : memref<!tpu.dma_semaphore, #tpu.memory_space<semaphore_mem>>) src(%dma_wait3A_214 : memref<10000x16xf32, #tpu.memory_space<hbm>>) dst(%dma_wait3A_208 : memref<128x16xf32, #tpu.memory_space<vmem>>)
      %scan3A_215 = arith.constant 0 : i32
      %scan3A_216 = arith.constant 0 : i32
      %scan3A_217 = arith.constant 8 : i32
      %scan3A_218 = arith.addi %scan3A_216, %scan3A_217 : i32
      %scan3A_219 = arith.constant 1 : i32
      %scan3A_220 = scf.for %scan3A_246 = %scan3A_216 to %scan3A_218 step %scan3A_219 iter_args(%scan3A_247 = %scan3A_215) -> (i32)  : i32 {
        %mul3A_248 = arith.constant 16 : i32
        %mul3A_249 = arith.muli %scan3A_246, %mul3A_248 : i32
        %get3A = arith.index_cast %add3A_203 : i32 to index
        %get3A_250 = arith.index_cast %mul3A_249 : i32 to index
        %get3A_251 = tpu.vector_load %arg9[%get3A, %get3A_250] {strides = array<i32>} : memref<80x128xf32, #tpu.memory_space<vmem>>, vector<16xf32>,
        %mul3A_252 = arith.constant 16 : i32
        %mul3A_253 = arith.muli %scan3A_246, %mul3A_252 : i32
        %add3A_254 = arith.constant 0 : i32
        %add3A_255 = arith.addi %mul3A_253, %add3A_254 : i32
        %get3A_256 = arith.constant 3 : i32
        %get3A_257 = arith.index_cast %get3A_256 : i32 to index
        %get3A_258 = arith.index_cast %add3A_255 : i32 to index
        %get3A_259 = arith.constant 0 : index
        %get3A_260 = tpu.vector_load %arg10[%get3A_257, %get3A_258, %get3A_259] {strides = array<i32>} : memref<4x128x16xf32, #tpu.memory_space<vmem>>, vector<16xf32>,
        %slice3A = vector.extract_strided_slice %get3A_251 {offsets = [0], sizes = [1], strides = [1]} : vector<16xf32> to vector<1xf32>
        %squeeze3A = vector.extract %slice3A[0] : f32 from vector<1xf32>
        %mul3A_261 = vector.broadcast %squeeze3A : f32 to vector<16xf32>
        %mul3A_262 = arith.mulf %get3A_260, %mul3A_261 : vector<16xf32>
        %add3A_263 = arith.constant 0 : i32
        %add3A_264 = arith.addi %mul3A_253, %add3A_263 : i32
        %swap3A = arith.constant 3 : i32
        %swap3A_265 = arith.index_cast %swap3A : i32 to index
        %swap3A_266 = arith.index_cast %add3A_264 : i32 to index
        %swap3A_267 = arith.constant 0 : index
        %swap3A_268 = tpu.vector_load %arg10[%swap3A_265, %swap3A_266, %swap3A_267] {strides = array<i32>} : memref<4x128x16xf32, #tpu.memory_space<vmem>>, vector<16xf32>,
        tpu.vector_store %arg10[%swap3A_265, %swap3A_266, %swap3A_267], %mul3A_262 {strides = array<i32>} : memref<4x128x16xf32, #tpu.memory_space<vmem>>, vector<16xf32>,
        %add3A_269 = arith.constant 1 : i32
        %add3A_270 = arith.addi %mul3A_253, %add3A_269 : i32
        %get3A_271 = arith.constant 3 : i32
        %get3A_272 = arith.index_cast %get3A_271 : i32 to index
        %get3A_273 = arith.index_cast %add3A_270 : i32 to index
        %get3A_274 = arith.constant 0 : index
        %get3A_275 = tpu.vector_load %arg10[%get3A_272, %get3A_273, %get3A_274] {strides = array<i32>} : memref<4x128x16xf32, #tpu.memory_space<vmem>>, vector<16xf32>,
        %slice3A_276 = vector.extract_strided_slice %get3A_251 {offsets = [1], sizes = [1], strides = [1]} : vector<16xf32> to vector<1xf32>
        %squeeze3A_277 = vector.extract %slice3A_276[0] : f32 from vector<1xf32>
        %mul3A_278 = vector.broadcast %squeeze3A_277 : f32 to vector<16xf32>
        %mul3A_279 = arith.mulf %get3A_275, %mul3A_278 : vector<16xf32>
        %add3A_280 = arith.constant 1 : i32
        %add3A_281 = arith.addi %mul3A_253, %add3A_280 : i32
        %swap3A_282 = arith.constant 3 : i32
        %swap3A_283 = arith.index_cast %swap3A_282 : i32 to index
        %swap3A_284 = arith.index_cast %add3A_281 : i32 to index
        %swap3A_285 = arith.constant 0 : index
        %swap3A_286 = tpu.vector_load %arg10[%swap3A_283, %swap3A_284, %swap3A_285] {strides = array<i32>} : memref<4x128x16xf32, #tpu.memory_space<vmem>>, vector<16xf32>,
        tpu.vector_store %arg10[%swap3A_283, %swap3A_284, %swap3A_285], %mul3A_279 {strides = array<i32>} : memref<4x128x16xf32, #tpu.memory_space<vmem>>, vector<16xf32>,
        %add3A_287 = arith.constant 2 : i32
        %add3A_288 = arith.addi %mul3A_253, %add3A_287 : i32
        %get3A_289 = arith.constant 3 : i32
        %get3A_290 = arith.index_cast %get3A_289 : i32 to index
        %get3A_291 = arith.index_cast %add3A_288 : i32 to index
        %get3A_292 = arith.constant 0 : index
        %get3A_293 = tpu.vector_load %arg10[%get3A_290, %get3A_291, %get3A_292] {strides = array<i32>} : memref<4x128x16xf32, #tpu.memory_space<vmem>>, vector<16xf32>,
        %slice3A_294 = vector.extract_strided_slice %get3A_251 {offsets = [2], sizes = [1], strides = [1]} : vector<16xf32> to vector<1xf32>
        %squeeze3A_295 = vector.extract %slice3A_294[0] : f32 from vector<1xf32>
        %mul3A_296 = vector.broadcast %squeeze3A_295 : f32 to vector<16xf32>
        %mul3A_297 = arith.mulf %get3A_293, %mul3A_296 : vector<16xf32>
        %add3A_298 = arith.constant 2 : i32
        %add3A_299 = arith.addi %mul3A_253, %add3A_298 : i32
        %swap3A_300 = arith.constant 3 : i32
        %swap3A_301 = arith.index_cast %swap3A_300 : i32 to index
        %swap3A_302 = arith.index_cast %add3A_299 : i32 to index
        %swap3A_303 = arith.constant 0 : index
        %swap3A_304 = tpu.vector_load %arg10[%swap3A_301, %swap3A_302, %swap3A_303] {strides = array<i32>} : memref<4x128x16xf32, #tpu.memory_space<vmem>>, vector<16xf32>,
        tpu.vector_store %arg10[%swap3A_301, %swap3A_302, %swap3A_303], %mul3A_297 {strides = array<i32>} : memref<4x128x16xf32, #tpu.memory_space<vmem>>, vector<16xf32>,
        %add3A_305 = arith.constant 3 : i32
        %add3A_306 = arith.addi %mul3A_253, %add3A_305 : i32
        %get3A_307 = arith.constant 3 : i32
        %get3A_308 = arith.index_cast %get3A_307 : i32 to index
        %get3A_309 = arith.index_cast %add3A_306 : i32 to index
        %get3A_310 = arith.constant 0 : index
        %get3A_311 = tpu.vector_load %arg10[%get3A_308, %get3A_309, %get3A_310] {strides = array<i32>} : memref<4x128x16xf32, #tpu.memory_space<vmem>>, vector<16xf32>,
        %slice3A_312 = vector.extract_strided_slice %get3A_251 {offsets = [3], sizes = [1], strides = [1]} : vector<16xf32> to vector<1xf32>
        %squeeze3A_313 = vector.extract %slice3A_312[0] : f32 from vector<1xf32>
        %mul3A_314 = vector.broadcast %squeeze3A_313 : f32 to vector<16xf32>
        %mul3A_315 = arith.mulf %get3A_311, %mul3A_314 : vector<16xf32>
        %add3A_316 = arith.constant 3 : i32
        %add3A_317 = arith.addi %mul3A_253, %add3A_316 : i32
        %swap3A_318 = arith.constant 3 : i32
        %swap3A_319 = arith.index_cast %swap3A_318 : i32 to index
        %swap3A_320 = arith.index_cast %add3A_317 : i32 to index
        %swap3A_321 = arith.constant 0 : index
        %swap3A_322 = tpu.vector_load %arg10[%swap3A_319, %swap3A_320, %swap3A_321] {strides = array<i32>} : memref<4x128x16xf32, #tpu.memory_space<vmem>>, vector<16xf32>,
        tpu.vector_store %arg10[%swap3A_319, %swap3A_320, %swap3A_321], %mul3A_315 {strides = array<i32>} : memref<4x128x16xf32, #tpu.memory_space<vmem>>, vector<16xf32>,
        %add3A_323 = arith.constant 4 : i32
        %add3A_324 = arith.addi %mul3A_253, %add3A_323 : i32
        %get3A_325 = arith.constant 3 : i32
        %get3A_326 = arith.index_cast %get3A_325 : i32 to index
        %get3A_327 = arith.index_cast %add3A_324 : i32 to index
        %get3A_328 = arith.constant 0 : index
        %get3A_329 = tpu.vector_load %arg10[%get3A_326, %get3A_327, %get3A_328] {strides = array<i32>} : memref<4x128x16xf32, #tpu.memory_space<vmem>>, vector<16xf32>,
        %slice3A_330 = vector.extract_strided_slice %get3A_251 {offsets = [4], sizes = [1], strides = [1]} : vector<16xf32> to vector<1xf32>
        %squeeze3A_331 = vector.extract %slice3A_330[0] : f32 from vector<1xf32>
        %mul3A_332 = vector.broadcast %squeeze3A_331 : f32 to vector<16xf32>
        %mul3A_333 = arith.mulf %get3A_329, %mul3A_332 : vector<16xf32>
        %add3A_334 = arith.constant 4 : i32
        %add3A_335 = arith.addi %mul3A_253, %add3A_334 : i32
        %swap3A_336 = arith.constant 3 : i32
        %swap3A_337 = arith.index_cast %swap3A_336 : i32 to index
        %swap3A_338 = arith.index_cast %add3A_335 : i32 to index
        %swap3A_339 = arith.constant 0 : index
        %swap3A_340 = tpu.vector_load %arg10[%swap3A_337, %swap3A_338, %swap3A_339] {strides = array<i32>} : memref<4x128x16xf32, #tpu.memory_space<vmem>>, vector<16xf32>,
        tpu.vector_store %arg10[%swap3A_337, %swap3A_338, %swap3A_339], %mul3A_333 {strides = array<i32>} : memref<4x128x16xf32, #tpu.memory_space<vmem>>, vector<16xf32>,
        %add3A_341 = arith.constant 5 : i32
        %add3A_342 = arith.addi %mul3A_253, %add3A_341 : i32
        %get3A_343 = arith.constant 3 : i32
        %get3A_344 = arith.index_cast %get3A_343 : i32 to index
        %get3A_345 = arith.index_cast %add3A_342 : i32 to index
        %get3A_346 = arith.constant 0 : index
        %get3A_347 = tpu.vector_load %arg10[%get3A_344, %get3A_345, %get3A_346] {strides = array<i32>} : memref<4x128x16xf32, #tpu.memory_space<vmem>>, vector<16xf32>,
        %slice3A_348 = vector.extract_strided_slice %get3A_251 {offsets = [5], sizes = [1], strides = [1]} : vector<16xf32> to vector<1xf32>
        %squeeze3A_349 = vector.extract %slice3A_348[0] : f32 from vector<1xf32>
        %mul3A_350 = vector.broadcast %squeeze3A_349 : f32 to vector<16xf32>
        %mul3A_351 = arith.mulf %get3A_347, %mul3A_350 : vector<16xf32>
        %add3A_352 = arith.constant 5 : i32
        %add3A_353 = arith.addi %mul3A_253, %add3A_352 : i32
        %swap3A_354 = arith.constant 3 : i32
        %swap3A_355 = arith.index_cast %swap3A_354 : i32 to index
        %swap3A_356 = arith.index_cast %add3A_353 : i32 to index
        %swap3A_357 = arith.constant 0 : index
        %swap3A_358 = tpu.vector_load %arg10[%swap3A_355, %swap3A_356, %swap3A_357] {strides = array<i32>} : memref<4x128x16xf32, #tpu.memory_space<vmem>>, vector<16xf32>,
        tpu.vector_store %arg10[%swap3A_355, %swap3A_356, %swap3A_357], %mul3A_351 {strides = array<i32>} : memref<4x128x16xf32, #tpu.memory_space<vmem>>, vector<16xf32>,
        %add3A_359 = arith.constant 6 : i32
        %add3A_360 = arith.addi %mul3A_253, %add3A_359 : i32
        %get3A_361 = arith.constant 3 : i32
        %get3A_362 = arith.index_cast %get3A_361 : i32 to index
        %get3A_363 = arith.index_cast %add3A_360 : i32 to index
        %get3A_364 = arith.constant 0 : index
        %get3A_365 = tpu.vector_load %arg10[%get3A_362, %get3A_363, %get3A_364] {strides = array<i32>} : memref<4x128x16xf32, #tpu.memory_space<vmem>>, vector<16xf32>,
        %slice3A_366 = vector.extract_strided_slice %get3A_251 {offsets = [6], sizes = [1], strides = [1]} : vector<16xf32> to vector<1xf32>
        %squeeze3A_367 = vector.extract %slice3A_366[0] : f32 from vector<1xf32>
        %mul3A_368 = vector.broadcast %squeeze3A_367 : f32 to vector<16xf32>
        %mul3A_369 = arith.mulf %get3A_365, %mul3A_368 : vector<16xf32>
        %add3A_370 = arith.constant 6 : i32
        %add3A_371 = arith.addi %mul3A_253, %add3A_370 : i32
        %swap3A_372 = arith.constant 3 : i32
        %swap3A_373 = arith.index_cast %swap3A_372 : i32 to index
        %swap3A_374 = arith.index_cast %add3A_371 : i32 to index
        %swap3A_375 = arith.constant 0 : index
        %swap3A_376 = tpu.vector_load %arg10[%swap3A_373, %swap3A_374, %swap3A_375] {strides = array<i32>} : memref<4x128x16xf32, #tpu.memory_space<vmem>>, vector<16xf32>,
        tpu.vector_store %arg10[%swap3A_373, %swap3A_374, %swap3A_375], %mul3A_369 {strides = array<i32>} : memref<4x128x16xf32, #tpu.memory_space<vmem>>, vector<16xf32>,
        %add3A_377 = arith.constant 7 : i32
        %add3A_378 = arith.addi %mul3A_253, %add3A_377 : i32
        %get3A_379 = arith.constant 3 : i32
        %get3A_380 = arith.index_cast %get3A_379 : i32 to index
        %get3A_381 = arith.index_cast %add3A_378 : i32 to index
        %get3A_382 = arith.constant 0 : index
        %get3A_383 = tpu.vector_load %arg10[%get3A_380, %get3A_381, %get3A_382] {strides = array<i32>} : memref<4x128x16xf32, #tpu.memory_space<vmem>>, vector<16xf32>,
        %slice3A_384 = vector.extract_strided_slice %get3A_251 {offsets = [7], sizes = [1], strides = [1]} : vector<16xf32> to vector<1xf32>
        %squeeze3A_385 = vector.extract %slice3A_384[0] : f32 from vector<1xf32>
        %mul3A_386 = vector.broadcast %squeeze3A_385 : f32 to vector<16xf32>
        %mul3A_387 = arith.mulf %get3A_383, %mul3A_386 : vector<16xf32>
        %add3A_388 = arith.constant 7 : i32
        %add3A_389 = arith.addi %mul3A_253, %add3A_388 : i32
        %swap3A_390 = arith.constant 3 : i32
        %swap3A_391 = arith.index_cast %swap3A_390 : i32 to index
        %swap3A_392 = arith.index_cast %add3A_389 : i32 to index
        %swap3A_393 = arith.constant 0 : index
        %swap3A_394 = tpu.vector_load %arg10[%swap3A_391, %swap3A_392, %swap3A_393] {strides = array<i32>} : memref<4x128x16xf32, #tpu.memory_space<vmem>>, vector<16xf32>,
        tpu.vector_store %arg10[%swap3A_391, %swap3A_392, %swap3A_393], %mul3A_387 {strides = array<i32>} : memref<4x128x16xf32, #tpu.memory_space<vmem>>, vector<16xf32>,
        %add3A_395 = arith.constant 8 : i32
        %add3A_396 = arith.addi %mul3A_253, %add3A_395 : i32
        %get3A_397 = arith.constant 3 : i32
        %get3A_398 = arith.index_cast %get3A_397 : i32 to index
        %get3A_399 = arith.index_cast %add3A_396 : i32 to index
        %get3A_400 = arith.constant 0 : index
        %get3A_401 = tpu.vector_load %arg10[%get3A_398, %get3A_399, %get3A_400] {strides = array<i32>} : memref<4x128x16xf32, #tpu.memory_space<vmem>>, vector<16xf32>,
        %slice3A_402 = vector.extract_strided_slice %get3A_251 {offsets = [8], sizes = [1], strides = [1]} : vector<16xf32> to vector<1xf32>
        %squeeze3A_403 = vector.extract %slice3A_402[0] : f32 from vector<1xf32>
        %mul3A_404 = vector.broadcast %squeeze3A_403 : f32 to vector<16xf32>
        %mul3A_405 = arith.mulf %get3A_401, %mul3A_404 : vector<16xf32>
        %add3A_406 = arith.constant 8 : i32
        %add3A_407 = arith.addi %mul3A_253, %add3A_406 : i32
        %swap3A_408 = arith.constant 3 : i32
        %swap3A_409 = arith.index_cast %swap3A_408 : i32 to index
        %swap3A_410 = arith.index_cast %add3A_407 : i32 to index
        %swap3A_411 = arith.constant 0 : index
        %swap3A_412 = tpu.vector_load %arg10[%swap3A_409, %swap3A_410, %swap3A_411] {strides = array<i32>} : memref<4x128x16xf32, #tpu.memory_space<vmem>>, vector<16xf32>,
        tpu.vector_store %arg10[%swap3A_409, %swap3A_410, %swap3A_411], %mul3A_405 {strides = array<i32>} : memref<4x128x16xf32, #tpu.memory_space<vmem>>, vector<16xf32>,
        %add3A_413 = arith.constant 9 : i32
        %add3A_414 = arith.addi %mul3A_253, %add3A_413 : i32
        %get3A_415 = arith.constant 3 : i32
        %get3A_416 = arith.index_cast %get3A_415 : i32 to index
        %get3A_417 = arith.index_cast %add3A_414 : i32 to index
        %get3A_418 = arith.constant 0 : index
        %get3A_419 = tpu.vector_load %arg10[%get3A_416, %get3A_417, %get3A_418] {strides = array<i32>} : memref<4x128x16xf32, #tpu.memory_space<vmem>>, vector<16xf32>,
        %slice3A_420 = vector.extract_strided_slice %get3A_251 {offsets = [9], sizes = [1], strides = [1]} : vector<16xf32> to vector<1xf32>
        %squeeze3A_421 = vector.extract %slice3A_420[0] : f32 from vector<1xf32>
        %mul3A_422 = vector.broadcast %squeeze3A_421 : f32 to vector<16xf32>
        %mul3A_423 = arith.mulf %get3A_419, %mul3A_422 : vector<16xf32>
        %add3A_424 = arith.constant 9 : i32
        %add3A_425 = arith.addi %mul3A_253, %add3A_424 : i32
        %swap3A_426 = arith.constant 3 : i32
        %swap3A_427 = arith.index_cast %swap3A_426 : i32 to index
        %swap3A_428 = arith.index_cast %add3A_425 : i32 to index
        %swap3A_429 = arith.constant 0 : index
        %swap3A_430 = tpu.vector_load %arg10[%swap3A_427, %swap3A_428, %swap3A_429] {strides = array<i32>} : memref<4x128x16xf32, #tpu.memory_space<vmem>>, vector<16xf32>,
        tpu.vector_store %arg10[%swap3A_427, %swap3A_428, %swap3A_429], %mul3A_423 {strides = array<i32>} : memref<4x128x16xf32, #tpu.memory_space<vmem>>, vector<16xf32>,
        %add3A_431 = arith.constant 10 : i32
        %add3A_432 = arith.addi %mul3A_253, %add3A_431 : i32
        %get3A_433 = arith.constant 3 : i32
        %get3A_434 = arith.index_cast %get3A_433 : i32 to index
        %get3A_435 = arith.index_cast %add3A_432 : i32 to index
        %get3A_436 = arith.constant 0 : index
        %get3A_437 = tpu.vector_load %arg10[%get3A_434, %get3A_435, %get3A_436] {strides = array<i32>} : memref<4x128x16xf32, #tpu.memory_space<vmem>>, vector<16xf32>,
        %slice3A_438 = vector.extract_strided_slice %get3A_251 {offsets = [10], sizes = [1], strides = [1]} : vector<16xf32> to vector<1xf32>
        %squeeze3A_439 = vector.extract %slice3A_438[0] : f32 from vector<1xf32>
        %mul3A_440 = vector.broadcast %squeeze3A_439 : f32 to vector<16xf32>
        %mul3A_441 = arith.mulf %get3A_437, %mul3A_440 : vector<16xf32>
        %add3A_442 = arith.constant 10 : i32
        %add3A_443 = arith.addi %mul3A_253, %add3A_442 : i32
        %swap3A_444 = arith.constant 3 : i32
        %swap3A_445 = arith.index_cast %swap3A_444 : i32 to index
        %swap3A_446 = arith.index_cast %add3A_443 : i32 to index
        %swap3A_447 = arith.constant 0 : index
        %swap3A_448 = tpu.vector_load %arg10[%swap3A_445, %swap3A_446, %swap3A_447] {strides = array<i32>} : memref<4x128x16xf32, #tpu.memory_space<vmem>>, vector<16xf32>,
        tpu.vector_store %arg10[%swap3A_445, %swap3A_446, %swap3A_447], %mul3A_441 {strides = array<i32>} : memref<4x128x16xf32, #tpu.memory_space<vmem>>, vector<16xf32>,
        %add3A_449 = arith.constant 11 : i32
        %add3A_450 = arith.addi %mul3A_253, %add3A_449 : i32
        %get3A_451 = arith.constant 3 : i32
        %get3A_452 = arith.index_cast %get3A_451 : i32 to index
        %get3A_453 = arith.index_cast %add3A_450 : i32 to index
        %get3A_454 = arith.constant 0 : index
        %get3A_455 = tpu.vector_load %arg10[%get3A_452, %get3A_453, %get3A_454] {strides = array<i32>} : memref<4x128x16xf32, #tpu.memory_space<vmem>>, vector<16xf32>,
        %slice3A_456 = vector.extract_strided_slice %get3A_251 {offsets = [11], sizes = [1], strides = [1]} : vector<16xf32> to vector<1xf32>
        %squeeze3A_457 = vector.extract %slice3A_456[0] : f32 from vector<1xf32>
        %mul3A_458 = vector.broadcast %squeeze3A_457 : f32 to vector<16xf32>
        %mul3A_459 = arith.mulf %get3A_455, %mul3A_458 : vector<16xf32>
        %add3A_460 = arith.constant 11 : i32
        %add3A_461 = arith.addi %mul3A_253, %add3A_460 : i32
        %swap3A_462 = arith.constant 3 : i32
        %swap3A_463 = arith.index_cast %swap3A_462 : i32 to index
        %swap3A_464 = arith.index_cast %add3A_461 : i32 to index
        %swap3A_465 = arith.constant 0 : index
        %swap3A_466 = tpu.vector_load %arg10[%swap3A_463, %swap3A_464, %swap3A_465] {strides = array<i32>} : memref<4x128x16xf32, #tpu.memory_space<vmem>>, vector<16xf32>,
        tpu.vector_store %arg10[%swap3A_463, %swap3A_464, %swap3A_465], %mul3A_459 {strides = array<i32>} : memref<4x128x16xf32, #tpu.memory_space<vmem>>, vector<16xf32>,
        %add3A_467 = arith.constant 12 : i32
        %add3A_468 = arith.addi %mul3A_253, %add3A_467 : i32
        %get3A_469 = arith.constant 3 : i32
        %get3A_470 = arith.index_cast %get3A_469 : i32 to index
        %get3A_471 = arith.index_cast %add3A_468 : i32 to index
        %get3A_472 = arith.constant 0 : index
        %get3A_473 = tpu.vector_load %arg10[%get3A_470, %get3A_471, %get3A_472] {strides = array<i32>} : memref<4x128x16xf32, #tpu.memory_space<vmem>>, vector<16xf32>,
        %slice3A_474 = vector.extract_strided_slice %get3A_251 {offsets = [12], sizes = [1], strides = [1]} : vector<16xf32> to vector<1xf32>
        %squeeze3A_475 = vector.extract %slice3A_474[0] : f32 from vector<1xf32>
        %mul3A_476 = vector.broadcast %squeeze3A_475 : f32 to vector<16xf32>
        %mul3A_477 = arith.mulf %get3A_473, %mul3A_476 : vector<16xf32>
        %add3A_478 = arith.constant 12 : i32
        %add3A_479 = arith.addi %mul3A_253, %add3A_478 : i32
        %swap3A_480 = arith.constant 3 : i32
        %swap3A_481 = arith.index_cast %swap3A_480 : i32 to index
        %swap3A_482 = arith.index_cast %add3A_479 : i32 to index
        %swap3A_483 = arith.constant 0 : index
        %swap3A_484 = tpu.vector_load %arg10[%swap3A_481, %swap3A_482, %swap3A_483] {strides = array<i32>} : memref<4x128x16xf32, #tpu.memory_space<vmem>>, vector<16xf32>,
        tpu.vector_store %arg10[%swap3A_481, %swap3A_482, %swap3A_483], %mul3A_477 {strides = array<i32>} : memref<4x128x16xf32, #tpu.memory_space<vmem>>, vector<16xf32>,
        %add3A_485 = arith.constant 13 : i32
        %add3A_486 = arith.addi %mul3A_253, %add3A_485 : i32
        %get3A_487 = arith.constant 3 : i32
        %get3A_488 = arith.index_cast %get3A_487 : i32 to index
        %get3A_489 = arith.index_cast %add3A_486 : i32 to index
        %get3A_490 = arith.constant 0 : index
        %get3A_491 = tpu.vector_load %arg10[%get3A_488, %get3A_489, %get3A_490] {strides = array<i32>} : memref<4x128x16xf32, #tpu.memory_space<vmem>>, vector<16xf32>,
        %slice3A_492 = vector.extract_strided_slice %get3A_251 {offsets = [13], sizes = [1], strides = [1]} : vector<16xf32> to vector<1xf32>
        %squeeze3A_493 = vector.extract %slice3A_492[0] : f32 from vector<1xf32>
        %mul3A_494 = vector.broadcast %squeeze3A_493 : f32 to vector<16xf32>
        %mul3A_495 = arith.mulf %get3A_491, %mul3A_494 : vector<16xf32>
        %add3A_496 = arith.constant 13 : i32
        %add3A_497 = arith.addi %mul3A_253, %add3A_496 : i32
        %swap3A_498 = arith.constant 3 : i32
        %swap3A_499 = arith.index_cast %swap3A_498 : i32 to index
        %swap3A_500 = arith.index_cast %add3A_497 : i32 to index
        %swap3A_501 = arith.constant 0 : index
        %swap3A_502 = tpu.vector_load %arg10[%swap3A_499, %swap3A_500, %swap3A_501] {strides = array<i32>} : memref<4x128x16xf32, #tpu.memory_space<vmem>>, vector<16xf32>,
        tpu.vector_store %arg10[%swap3A_499, %swap3A_500, %swap3A_501], %mul3A_495 {strides = array<i32>} : memref<4x128x16xf32, #tpu.memory_space<vmem>>, vector<16xf32>,
        %add3A_503 = arith.constant 14 : i32
        %add3A_504 = arith.addi %mul3A_253, %add3A_503 : i32
        %get3A_505 = arith.constant 3 : i32
        %get3A_506 = arith.index_cast %get3A_505 : i32 to index
        %get3A_507 = arith.index_cast %add3A_504 : i32 to index
        %get3A_508 = arith.constant 0 : index
        %get3A_509 = tpu.vector_load %arg10[%get3A_506, %get3A_507, %get3A_508] {strides = array<i32>} : memref<4x128x16xf32, #tpu.memory_space<vmem>>, vector<16xf32>,
        %slice3A_510 = vector.extract_strided_slice %get3A_251 {offsets = [14], sizes = [1], strides = [1]} : vector<16xf32> to vector<1xf32>
        %squeeze3A_511 = vector.extract %slice3A_510[0] : f32 from vector<1xf32>
        %mul3A_512 = vector.broadcast %squeeze3A_511 : f32 to vector<16xf32>
        %mul3A_513 = arith.mulf %get3A_509, %mul3A_512 : vector<16xf32>
        %add3A_514 = arith.constant 14 : i32
        %add3A_515 = arith.addi %mul3A_253, %add3A_514 : i32
        %swap3A_516 = arith.constant 3 : i32
        %swap3A_517 = arith.index_cast %swap3A_516 : i32 to index
        %swap3A_518 = arith.index_cast %add3A_515 : i32 to index
        %swap3A_519 = arith.constant 0 : index
        %swap3A_520 = tpu.vector_load %arg10[%swap3A_517, %swap3A_518, %swap3A_519] {strides = array<i32>} : memref<4x128x16xf32, #tpu.memory_space<vmem>>, vector<16xf32>,
        tpu.vector_store %arg10[%swap3A_517, %swap3A_518, %swap3A_519], %mul3A_513 {strides = array<i32>} : memref<4x128x16xf32, #tpu.memory_space<vmem>>, vector<16xf32>,
        %add3A_521 = arith.constant 15 : i32
        %add3A_522 = arith.addi %mul3A_253, %add3A_521 : i32
        %get3A_523 = arith.constant 3 : i32
        %get3A_524 = arith.index_cast %get3A_523 : i32 to index
        %get3A_525 = arith.index_cast %add3A_522 : i32 to index
        %get3A_526 = arith.constant 0 : index
        %get3A_527 = tpu.vector_load %arg10[%get3A_524, %get3A_525, %get3A_526] {strides = array<i32>} : memref<4x128x16xf32, #tpu.memory_space<vmem>>, vector<16xf32>,
        %slice3A_528 = vector.extract_strided_slice %get3A_251 {offsets = [15], sizes = [1], strides = [1]} : vector<16xf32> to vector<1xf32>
        %squeeze3A_529 = vector.extract %slice3A_528[0] : f32 from vector<1xf32>
        %mul3A_530 = vector.broadcast %squeeze3A_529 : f32 to vector<16xf32>
        %mul3A_531 = arith.mulf %get3A_527, %mul3A_530 : vector<16xf32>
        %add3A_532 = arith.constant 15 : i32
        %add3A_533 = arith.addi %mul3A_253, %add3A_532 : i32
        %swap3A_534 = arith.constant 3 : i32
        %swap3A_535 = arith.index_cast %swap3A_534 : i32 to index
        %swap3A_536 = arith.index_cast %add3A_533 : i32 to index
        %swap3A_537 = arith.constant 0 : index
        %swap3A_538 = tpu.vector_load %arg10[%swap3A_535, %swap3A_536, %swap3A_537] {strides = array<i32>} : memref<4x128x16xf32, #tpu.memory_space<vmem>>, vector<16xf32>,
        tpu.vector_store %arg10[%swap3A_535, %swap3A_536, %swap3A_537], %mul3A_531 {strides = array<i32>} : memref<4x128x16xf32, #tpu.memory_space<vmem>>, vector<16xf32>,
        %scan3A_539 = arith.constant 0 : i32
        scf.yield %scan3A_539 : i32
      }
      %scan3A_221 = arith.constant 8 : i32
      %dma_start3A_222 = arith.constant 3 : i32
      %dma_start3A_223 = arith.constant 0 : i32
      %dma_start3A_224 = arith.constant 0 : i32
      %dma_start3A_225 = tpu.memref_slice %arg10[%dma_start3A_222, %dma_start3A_223, %dma_start3A_224] : memref<4x128x16xf32, #tpu.memory_space<vmem>> -> memref<1x128x16xf32, #tpu.memory_space<vmem>>
      %dma_start3A_226 = tpu.memref_squeeze %dma_start3A_225 : memref<1x128x16xf32, #tpu.memory_space<vmem>> -> memref<128x16xf32, #tpu.memory_space<vmem>>
      %dma_start3A_227 = arith.constant 0 : i32
      %dma_start3A_228 = tpu.memref_slice %arg8[%add3A_203, %dma_start3A_227] : memref<80x128xi32, #tpu.memory_space<vmem>> -> memref<1x128xi32, #tpu.memory_space<vmem>>
      %dma_start3A_229 = tpu.memref_squeeze %dma_start3A_228 : memref<1x128xi32, #tpu.memory_space<vmem>> -> memref<128xi32, #tpu.memory_space<vmem>>
      %dma_start3A_230 = arith.constant 0 : i32
      %dma_start3A_231 = arith.constant 0 : i32
      %dma_start3A_232 = tpu.memref_slice %arg12[%dma_start3A_230, %dma_start3A_231] : memref<10240x16xf32, #tpu.memory_space<vmem_shared>> -> memref<10240x16xf32, #tpu.memory_space<vmem_shared>>
      tpu.enqueue_indirect_dma source(%dma_start3A_226 : memref<128x16xf32, #tpu.memory_space<vmem>>) target(%dma_start3A_232 : memref<10240x16xf32, #tpu.memory_space<vmem_shared>>) offsets(%dma_start3A_229 : memref<128xi32, #tpu.memory_space<vmem>>) semaphore(%arg20 : memref<!tpu.dma_semaphore, #tpu.memory_space<semaphore_mem>>) {add = true}
      %ge3A_233 = arith.constant 2 : i32
      %ge3A_234 = arith.cmpi sge, %add3A_203, %ge3A_233 : i32
      %convert_element_type3A_235 = arith.extui %ge3A_234 : i1 to i32
      %cond3A_236 = arith.constant 0 : i32
      %cond3A_237 = arith.cmpi ne, %convert_element_type3A_235, %cond3A_236 : i32
      scf.if %cond3A_237 {
        %sub3A = arith.constant 2 : i32
        %sub3A_246 = arith.subi %add3A_203, %sub3A : i32
        %dma_wait3A_247 = arith.constant 1 : i32
        %dma_wait3A_248 = arith.constant 0 : i32
        %dma_wait3A_249 = arith.constant 0 : i32
        %dma_wait3A_250 = tpu.memref_slice %arg10[%dma_wait3A_247, %dma_wait3A_248, %dma_wait3A_249] : memref<4x128x16xf32, #tpu.memory_space<vmem>> -> memref<1x128x16xf32, #tpu.memory_space<vmem>>
        %dma_wait3A_251 = tpu.memref_squeeze %dma_wait3A_250 : memref<1x128x16xf32, #tpu.memory_space<vmem>> -> memref<128x16xf32, #tpu.memory_space<vmem>>
        %dma_wait3A_252 = arith.constant 0 : i32
        %dma_wait3A_253 = tpu.memref_slice %arg8[%sub3A_246, %dma_wait3A_252] : memref<80x128xi32, #tpu.memory_space<vmem>> -> memref<1x128xi32, #tpu.memory_space<vmem>>
        %dma_wait3A_254 = tpu.memref_squeeze %dma_wait3A_253 : memref<1x128xi32, #tpu.memory_space<vmem>> -> memref<128xi32, #tpu.memory_space<vmem>>
        %dma_wait3A_255 = arith.constant 0 : i32
        %dma_wait3A_256 = arith.constant 0 : i32
        %dma_wait3A_257 = tpu.memref_slice %arg12[%dma_wait3A_255, %dma_wait3A_256] : memref<10240x16xf32, #tpu.memory_space<vmem_shared>> -> memref<10240x16xf32, #tpu.memory_space<vmem_shared>>
        tpu.wait_indirect_dma semaphore(%arg18 : memref<!tpu.dma_semaphore, #tpu.memory_space<semaphore_mem>>) src(%dma_wait3A_251 : memref<128x16xf32, #tpu.memory_space<vmem>>) dst(%dma_wait3A_257 : memref<10240x16xf32, #tpu.memory_space<vmem_shared>>)
      } else {
      }
      %add3A_238 = arith.constant 2 : i32
      %add3A_239 = arith.addi %add3A_203, %add3A_238 : i32
      %lt3A_240 = arith.constant 80 : i32
      %lt3A_241 = arith.cmpi slt, %add3A_239, %lt3A_240 : i32
      %convert_element_type3A_242 = arith.extui %lt3A_241 : i1 to i32
      %cond3A_243 = arith.constant 0 : i32
      %cond3A_244 = arith.cmpi ne, %convert_element_type3A_242, %cond3A_243 : i32
      scf.if %cond3A_244 {
        %add3A_246 = arith.constant 2 : i32
        %add3A_247 = arith.addi %add3A_203, %add3A_246 : i32
        %dma_start3A_248 = arith.constant 1 : i32
        %dma_start3A_249 = arith.constant 0 : i32
        %dma_start3A_250 = arith.constant 0 : i32
        %dma_start3A_251 = tpu.memref_slice %arg10[%dma_start3A_248, %dma_start3A_249, %dma_start3A_250] : memref<4x128x16xf32, #tpu.memory_space<vmem>> -> memref<1x128x16xf32, #tpu.memory_space<vmem>>
        %dma_start3A_252 = tpu.memref_squeeze %dma_start3A_251 : memref<1x128x16xf32, #tpu.memory_space<vmem>> -> memref<128x16xf32, #tpu.memory_space<vmem>>
        %dma_start3A_253 = arith.constant 0 : i32
        %dma_start3A_254 = tpu.memref_slice %arg7[%add3A_247, %dma_start3A_253] : memref<80x128xi32, #tpu.memory_space<vmem>> -> memref<1x128xi32, #tpu.memory_space<vmem>>
        %dma_start3A_255 = tpu.memref_squeeze %dma_start3A_254 : memref<1x128xi32, #tpu.memory_space<vmem>> -> memref<128xi32, #tpu.memory_space<vmem>>
        %dma_start3A_256 = arith.constant 0 : i32
        %dma_start3A_257 = arith.constant 0 : i32
        %dma_start3A_258 = tpu.memref_slice %arg2[%dma_start3A_256, %dma_start3A_257] : memref<10000x16xf32, #tpu.memory_space<hbm>> -> memref<10000x16xf32, #tpu.memory_space<hbm>>
        tpu.enqueue_indirect_dma source(%dma_start3A_258 : memref<10000x16xf32, #tpu.memory_space<hbm>>) target(%dma_start3A_252 : memref<128x16xf32, #tpu.memory_space<vmem>>) offsets(%dma_start3A_255 : memref<128xi32, #tpu.memory_space<vmem>>) semaphore(%arg14 : memref<!tpu.dma_semaphore, #tpu.memory_space<semaphore_mem>>)
      } else {
      }
      %scan3A_245 = arith.constant 0 : i32
      scf.yield %scan3A_245 : i32
    }
    %scan3A_38 = arith.constant 20 : i32
    %dma_wait3A = arith.constant 2 : i32
    %dma_wait3A_39 = arith.constant 78 : i32
    %dma_wait3A_40 = arith.constant 0 : i32
    %dma_wait3A_41 = arith.constant 0 : i32
    %dma_wait3A_42 = tpu.memref_slice %arg10[%dma_wait3A, %dma_wait3A_40, %dma_wait3A_41] : memref<4x128x16xf32, #tpu.memory_space<vmem>> -> memref<1x128x16xf32, #tpu.memory_space<vmem>>
    %dma_wait3A_43 = tpu.memref_squeeze %dma_wait3A_42 : memref<1x128x16xf32, #tpu.memory_space<vmem>> -> memref<128x16xf32, #tpu.memory_space<vmem>>
    %dma_wait3A_44 = arith.constant 0 : i32
    %dma_wait3A_45 = tpu.memref_slice %arg8[%dma_wait3A_39, %dma_wait3A_44] : memref<80x128xi32, #tpu.memory_space<vmem>> -> memref<1x128xi32, #tpu.memory_space<vmem>>
    %dma_wait3A_46 = tpu.memref_squeeze %dma_wait3A_45 : memref<1x128xi32, #tpu.memory_space<vmem>> -> memref<128xi32, #tpu.memory_space<vmem>>
    %dma_wait3A_47 = arith.constant 0 : i32
    %dma_wait3A_48 = arith.constant 0 : i32
    %dma_wait3A_49 = tpu.memref_slice %arg12[%dma_wait3A_47, %dma_wait3A_48] : memref<10240x16xf32, #tpu.memory_space<vmem_shared>> -> memref<10240x16xf32, #tpu.memory_space<vmem_shared>>
    tpu.wait_indirect_dma semaphore(%arg19 : memref<!tpu.dma_semaphore, #tpu.memory_space<semaphore_mem>>) src(%dma_wait3A_43 : memref<128x16xf32, #tpu.memory_space<vmem>>) dst(%dma_wait3A_49 : memref<10240x16xf32, #tpu.memory_space<vmem_shared>>)
    %dma_wait3A_50 = arith.constant 3 : i32
    %dma_wait3A_51 = arith.constant 79 : i32
    %dma_wait3A_52 = arith.constant 0 : i32
    %dma_wait3A_53 = arith.constant 0 : i32
    %dma_wait3A_54 = tpu.memref_slice %arg10[%dma_wait3A_50, %dma_wait3A_52, %dma_wait3A_53] : memref<4x128x16xf32, #tpu.memory_space<vmem>> -> memref<1x128x16xf32, #tpu.memory_space<vmem>>
    %dma_wait3A_55 = tpu.memref_squeeze %dma_wait3A_54 : memref<1x128x16xf32, #tpu.memory_space<vmem>> -> memref<128x16xf32, #tpu.memory_space<vmem>>
    %dma_wait3A_56 = arith.constant 0 : i32
    %dma_wait3A_57 = tpu.memref_slice %arg8[%dma_wait3A_51, %dma_wait3A_56] : memref<80x128xi32, #tpu.memory_space<vmem>> -> memref<1x128xi32, #tpu.memory_space<vmem>>
    %dma_wait3A_58 = tpu.memref_squeeze %dma_wait3A_57 : memref<1x128xi32, #tpu.memory_space<vmem>> -> memref<128xi32, #tpu.memory_space<vmem>>
    %dma_wait3A_59 = arith.constant 0 : i32
    %dma_wait3A_60 = arith.constant 0 : i32
    %dma_wait3A_61 = tpu.memref_slice %arg12[%dma_wait3A_59, %dma_wait3A_60] : memref<10240x16xf32, #tpu.memory_space<vmem_shared>> -> memref<10240x16xf32, #tpu.memory_space<vmem_shared>>
    tpu.wait_indirect_dma semaphore(%arg20 : memref<!tpu.dma_semaphore, #tpu.memory_space<semaphore_mem>>) src(%dma_wait3A_55 : memref<128x16xf32, #tpu.memory_space<vmem>>) dst(%dma_wait3A_61 : memref<10240x16xf32, #tpu.memory_space<vmem_shared>>)
    %barrier3A_62 = arith.constant 0 : index
    tpu.barrier barrier_id(%barrier3A_62)
    %mul3A_63 = arith.constant 640 : i32
    %mul3A_64 = arith.muli %arg1, %mul3A_63 : i32
    "tpu.region"() ({
      %run_scoped3A = tpu.sem_alloc : memref<!tpu.dma_semaphore, #tpu.memory_space<semaphore_mem>>
      %dma_start3A_67 = arith.constant 0 : i32
      %dma_start3A_68 = tpu.memref_slice %arg12[%mul3A_64, %dma_start3A_67] : memref<10240x16xf32, #tpu.memory_space<vmem_shared>> -> memref<640x16xf32, #tpu.memory_space<vmem_shared>>
      %dma_start3A_69 = arith.constant 0 : i32
      %dma_start3A_70 = tpu.memref_slice %arg12[%mul3A_64, %dma_start3A_69] : memref<10240x16xf32, #tpu.memory_space<vmem_shared>> -> memref<640x16xf32, #tpu.memory_space<vmem_shared>>
      tpu.enqueue_dma source(%dma_start3A_70 : memref<640x16xf32, #tpu.memory_space<vmem_shared>>) target(%arg11 : memref<640x16xf32, #tpu.memory_space<vmem>>) target_semaphore(%run_scoped3A : memref<!tpu.dma_semaphore, #tpu.memory_space<semaphore_mem>>)
      %dma_wait3A_71 = arith.constant 0 : i32
      %dma_wait3A_72 = tpu.memref_slice %arg12[%mul3A_64, %dma_wait3A_71] : memref<10240x16xf32, #tpu.memory_space<vmem_shared>> -> memref<640x16xf32, #tpu.memory_space<vmem_shared>>
      %dma_wait3A_73 = arith.constant 0 : i32
      %dma_wait3A_74 = tpu.memref_slice %arg12[%mul3A_64, %dma_wait3A_73] : memref<10240x16xf32, #tpu.memory_space<vmem_shared>> -> memref<640x16xf32, #tpu.memory_space<vmem_shared>>
      tpu.wait_dma2 semaphore(%run_scoped3A : memref<!tpu.dma_semaphore, #tpu.memory_space<semaphore_mem>>) src(%dma_wait3A_74 : memref<640x16xf32, #tpu.memory_space<vmem_shared>>) dst(%arg11 : memref<640x16xf32, #tpu.memory_space<vmem>>)
      tpu.yield
    }) : () -> ()
    %mul3A_65 = arith.constant 640 : i32
    %mul3A_66 = arith.muli %arg1, %mul3A_65 : i32
    "tpu.region"() ({
      %run_scoped3A = tpu.sem_alloc : memref<!tpu.dma_semaphore, #tpu.memory_space<semaphore_mem>>
      %dma_start3A_67 = arith.constant 0 : i32
      %dma_start3A_68 = tpu.memref_slice %arg6[%arg0, %mul3A_66, %dma_start3A_67] : memref<2x10240x16xf32, #tpu.memory_space<hbm>> -> memref<1x640x16xf32, #tpu.memory_space<hbm>>
      %dma_start3A_69 = tpu.memref_squeeze %dma_start3A_68 : memref<1x640x16xf32, #tpu.memory_space<hbm>> -> memref<640x16xf32, #tpu.memory_space<hbm>>
      %dma_start3A_70 = arith.constant 0 : i32
      %dma_start3A_71 = tpu.memref_slice %arg6[%arg0, %mul3A_66, %dma_start3A_70] : memref<2x10240x16xf32, #tpu.memory_space<hbm>> -> memref<1x640x16xf32, #tpu.memory_space<hbm>>
      %dma_start3A_72 = tpu.memref_squeeze %dma_start3A_71 : memref<1x640x16xf32, #tpu.memory_space<hbm>> -> memref<640x16xf32, #tpu.memory_space<hbm>>
      tpu.enqueue_dma source(%arg11 : memref<640x16xf32, #tpu.memory_space<vmem>>) target(%dma_start3A_72 : memref<640x16xf32, #tpu.memory_space<hbm>>) target_semaphore(%run_scoped3A : memref<!tpu.dma_semaphore, #tpu.memory_space<semaphore_mem>>)
      %dma_wait3A_73 = arith.constant 0 : i32
      %dma_wait3A_74 = tpu.memref_slice %arg6[%arg0, %mul3A_66, %dma_wait3A_73] : memref<2x10240x16xf32, #tpu.memory_space<hbm>> -> memref<1x640x16xf32, #tpu.memory_space<hbm>>
      %dma_wait3A_75 = tpu.memref_squeeze %dma_wait3A_74 : memref<1x640x16xf32, #tpu.memory_space<hbm>> -> memref<640x16xf32, #tpu.memory_space<hbm>>
      %dma_wait3A_76 = arith.constant 0 : i32
      %dma_wait3A_77 = tpu.memref_slice %arg6[%arg0, %mul3A_66, %dma_wait3A_76] : memref<2x10240x16xf32, #tpu.memory_space<hbm>> -> memref<1x640x16xf32, #tpu.memory_space<hbm>>
      %dma_wait3A_78 = tpu.memref_squeeze %dma_wait3A_77 : memref<1x640x16xf32, #tpu.memory_space<hbm>> -> memref<640x16xf32, #tpu.memory_space<hbm>>
      tpu.wait_dma2 semaphore(%run_scoped3A : memref<!tpu.dma_semaphore, #tpu.memory_space<semaphore_mem>>) src(%arg11 : memref<640x16xf32, #tpu.memory_space<vmem>>) dst(%dma_wait3A_78 : memref<640x16xf32, #tpu.memory_space<hbm>>)
      tpu.yield
    }) : () -> ()
    return
  }
}

#map = affine_map<(d0, d1) -> (0)>
#map1 = affine_map<(d0, d1) -> (0, 0, 0)>
#map2 = affine_map<(d0, d1) -> (0, 0)>
module attributes {stable_mosaic.version = 14 : i64} {
  func.func @_spmm1(%arg0: i32, %arg1: i32, %arg2: memref<10000xf32, #tpu.memory_space<hbm>>, %arg3: memref<32x80x128xi32, #tpu.memory_space<hbm>>, %arg4: memref<32x80x128xi32, #tpu.memory_space<hbm>>, %arg5: memref<32x80x128xf32, #tpu.memory_space<hbm>>, %arg6: memref<2x10240xf32, #tpu.memory_space<hbm>>, %arg7: memref<10000xf32, #tpu.memory_space<vmem>>, %arg8: memref<80x128xi32, #tpu.memory_space<vmem>>, %arg9: memref<80x128xi32, #tpu.memory_space<vmem>>, %arg10: memref<80x128xf32, #tpu.memory_space<vmem>>, %arg11: memref<2x128xf32, #tpu.memory_space<vmem>>, %arg12: memref<640xf32, #tpu.memory_space<vmem>>, %arg13: memref<10240xf32, #tpu.memory_space<vmem_shared>>, %arg14: memref<!tpu.dma_semaphore, #tpu.memory_space<semaphore_mem>>, %arg15: memref<!tpu.dma_semaphore, #tpu.memory_space<semaphore_mem>>) attributes {dimension_semantics = [#tpu.dimension_semantics<core_parallel>, #tpu.dimension_semantics<subcore_parallel>], iteration_bounds = array<i64: 2, 16>, scalar_prefetch = 0 : i64, scratch_operands = 9 : i64, tpu.core_type = #tpu.core_type<sc_vector_subcore>, window_params = [{transform_indices = #map}, {transform_indices = #map1}, {transform_indices = #map1}, {transform_indices = #map1}, {transform_indices = #map2}]} {
    %mul3A = arith.constant 2 : i32
    %mul3A_0 = arith.muli %arg1, %mul3A : i32
    %add3A = arith.addi %mul3A_0, %arg0 : i32
    "tpu.region"() ({
      %run_scoped3A = tpu.sem_alloc : memref<!tpu.dma_semaphore, #tpu.memory_space<semaphore_mem>>
      tpu.enqueue_dma source(%arg2 : memref<10000xf32, #tpu.memory_space<hbm>>) target(%arg7 : memref<10000xf32, #tpu.memory_space<vmem>>) target_semaphore(%run_scoped3A : memref<!tpu.dma_semaphore, #tpu.memory_space<semaphore_mem>>)
      tpu.wait_dma2 semaphore(%run_scoped3A : memref<!tpu.dma_semaphore, #tpu.memory_space<semaphore_mem>>) src(%arg2 : memref<10000xf32, #tpu.memory_space<hbm>>) dst(%arg7 : memref<10000xf32, #tpu.memory_space<vmem>>)
      tpu.yield
    }) : () -> ()
    "tpu.region"() ({
      %run_scoped3A = tpu.sem_alloc : memref<!tpu.dma_semaphore, #tpu.memory_space<semaphore_mem>>
      %dma_start3A = arith.constant 0 : i32
      %dma_start3A_40 = arith.constant 0 : i32
      %dma_start3A_41 = tpu.memref_slice %arg3[%add3A, %dma_start3A, %dma_start3A_40] : memref<32x80x128xi32, #tpu.memory_space<hbm>> -> memref<1x80x128xi32, #tpu.memory_space<hbm>>
      %dma_start3A_42 = tpu.memref_squeeze %dma_start3A_41 : memref<1x80x128xi32, #tpu.memory_space<hbm>> -> memref<80x128xi32, #tpu.memory_space<hbm>>
      %dma_start3A_43 = arith.constant 0 : i32
      %dma_start3A_44 = arith.constant 0 : i32
      %dma_start3A_45 = tpu.memref_slice %arg3[%add3A, %dma_start3A_43, %dma_start3A_44] : memref<32x80x128xi32, #tpu.memory_space<hbm>> -> memref<1x80x128xi32, #tpu.memory_space<hbm>>
      %dma_start3A_46 = tpu.memref_squeeze %dma_start3A_45 : memref<1x80x128xi32, #tpu.memory_space<hbm>> -> memref<80x128xi32, #tpu.memory_space<hbm>>
      tpu.enqueue_dma source(%dma_start3A_46 : memref<80x128xi32, #tpu.memory_space<hbm>>) target(%arg8 : memref<80x128xi32, #tpu.memory_space<vmem>>) target_semaphore(%run_scoped3A : memref<!tpu.dma_semaphore, #tpu.memory_space<semaphore_mem>>)
      %dma_wait3A_47 = arith.constant 0 : i32
      %dma_wait3A_48 = arith.constant 0 : i32
      %dma_wait3A_49 = tpu.memref_slice %arg3[%add3A, %dma_wait3A_47, %dma_wait3A_48] : memref<32x80x128xi32, #tpu.memory_space<hbm>> -> memref<1x80x128xi32, #tpu.memory_space<hbm>>
      %dma_wait3A_50 = tpu.memref_squeeze %dma_wait3A_49 : memref<1x80x128xi32, #tpu.memory_space<hbm>> -> memref<80x128xi32, #tpu.memory_space<hbm>>
      %dma_wait3A_51 = arith.constant 0 : i32
      %dma_wait3A_52 = arith.constant 0 : i32
      %dma_wait3A_53 = tpu.memref_slice %arg3[%add3A, %dma_wait3A_51, %dma_wait3A_52] : memref<32x80x128xi32, #tpu.memory_space<hbm>> -> memref<1x80x128xi32, #tpu.memory_space<hbm>>
      %dma_wait3A_54 = tpu.memref_squeeze %dma_wait3A_53 : memref<1x80x128xi32, #tpu.memory_space<hbm>> -> memref<80x128xi32, #tpu.memory_space<hbm>>
      tpu.wait_dma2 semaphore(%run_scoped3A : memref<!tpu.dma_semaphore, #tpu.memory_space<semaphore_mem>>) src(%dma_wait3A_54 : memref<80x128xi32, #tpu.memory_space<hbm>>) dst(%arg8 : memref<80x128xi32, #tpu.memory_space<vmem>>)
      tpu.yield
    }) : () -> ()
    "tpu.region"() ({
      %run_scoped3A = tpu.sem_alloc : memref<!tpu.dma_semaphore, #tpu.memory_space<semaphore_mem>>
      %dma_start3A = arith.constant 0 : i32
      %dma_start3A_40 = arith.constant 0 : i32
      %dma_start3A_41 = tpu.memref_slice %arg4[%add3A, %dma_start3A, %dma_start3A_40] : memref<32x80x128xi32, #tpu.memory_space<hbm>> -> memref<1x80x128xi32, #tpu.memory_space<hbm>>
      %dma_start3A_42 = tpu.memref_squeeze %dma_start3A_41 : memref<1x80x128xi32, #tpu.memory_space<hbm>> -> memref<80x128xi32, #tpu.memory_space<hbm>>
      %dma_start3A_43 = arith.constant 0 : i32
      %dma_start3A_44 = arith.constant 0 : i32
      %dma_start3A_45 = tpu.memref_slice %arg4[%add3A, %dma_start3A_43, %dma_start3A_44] : memref<32x80x128xi32, #tpu.memory_space<hbm>> -> memref<1x80x128xi32, #tpu.memory_space<hbm>>
      %dma_start3A_46 = tpu.memref_squeeze %dma_start3A_45 : memref<1x80x128xi32, #tpu.memory_space<hbm>> -> memref<80x128xi32, #tpu.memory_space<hbm>>
      tpu.enqueue_dma source(%dma_start3A_46 : memref<80x128xi32, #tpu.memory_space<hbm>>) target(%arg9 : memref<80x128xi32, #tpu.memory_space<vmem>>) target_semaphore(%run_scoped3A : memref<!tpu.dma_semaphore, #tpu.memory_space<semaphore_mem>>)
      %dma_wait3A_47 = arith.constant 0 : i32
      %dma_wait3A_48 = arith.constant 0 : i32
      %dma_wait3A_49 = tpu.memref_slice %arg4[%add3A, %dma_wait3A_47, %dma_wait3A_48] : memref<32x80x128xi32, #tpu.memory_space<hbm>> -> memref<1x80x128xi32, #tpu.memory_space<hbm>>
      %dma_wait3A_50 = tpu.memref_squeeze %dma_wait3A_49 : memref<1x80x128xi32, #tpu.memory_space<hbm>> -> memref<80x128xi32, #tpu.memory_space<hbm>>
      %dma_wait3A_51 = arith.constant 0 : i32
      %dma_wait3A_52 = arith.constant 0 : i32
      %dma_wait3A_53 = tpu.memref_slice %arg4[%add3A, %dma_wait3A_51, %dma_wait3A_52] : memref<32x80x128xi32, #tpu.memory_space<hbm>> -> memref<1x80x128xi32, #tpu.memory_space<hbm>>
      %dma_wait3A_54 = tpu.memref_squeeze %dma_wait3A_53 : memref<1x80x128xi32, #tpu.memory_space<hbm>> -> memref<80x128xi32, #tpu.memory_space<hbm>>
      tpu.wait_dma2 semaphore(%run_scoped3A : memref<!tpu.dma_semaphore, #tpu.memory_space<semaphore_mem>>) src(%dma_wait3A_54 : memref<80x128xi32, #tpu.memory_space<hbm>>) dst(%arg9 : memref<80x128xi32, #tpu.memory_space<vmem>>)
      tpu.yield
    }) : () -> ()
    "tpu.region"() ({
      %run_scoped3A = tpu.sem_alloc : memref<!tpu.dma_semaphore, #tpu.memory_space<semaphore_mem>>
      %dma_start3A = arith.constant 0 : i32
      %dma_start3A_40 = arith.constant 0 : i32
      %dma_start3A_41 = tpu.memref_slice %arg5[%add3A, %dma_start3A, %dma_start3A_40] : memref<32x80x128xf32, #tpu.memory_space<hbm>> -> memref<1x80x128xf32, #tpu.memory_space<hbm>>
      %dma_start3A_42 = tpu.memref_squeeze %dma_start3A_41 : memref<1x80x128xf32, #tpu.memory_space<hbm>> -> memref<80x128xf32, #tpu.memory_space<hbm>>
      %dma_start3A_43 = arith.constant 0 : i32
      %dma_start3A_44 = arith.constant 0 : i32
      %dma_start3A_45 = tpu.memref_slice %arg5[%add3A, %dma_start3A_43, %dma_start3A_44] : memref<32x80x128xf32, #tpu.memory_space<hbm>> -> memref<1x80x128xf32, #tpu.memory_space<hbm>>
      %dma_start3A_46 = tpu.memref_squeeze %dma_start3A_45 : memref<1x80x128xf32, #tpu.memory_space<hbm>> -> memref<80x128xf32, #tpu.memory_space<hbm>>
      tpu.enqueue_dma source(%dma_start3A_46 : memref<80x128xf32, #tpu.memory_space<hbm>>) target(%arg10 : memref<80x128xf32, #tpu.memory_space<vmem>>) target_semaphore(%run_scoped3A : memref<!tpu.dma_semaphore, #tpu.memory_space<semaphore_mem>>)
      %dma_wait3A_47 = arith.constant 0 : i32
      %dma_wait3A_48 = arith.constant 0 : i32
      %dma_wait3A_49 = tpu.memref_slice %arg5[%add3A, %dma_wait3A_47, %dma_wait3A_48] : memref<32x80x128xf32, #tpu.memory_space<hbm>> -> memref<1x80x128xf32, #tpu.memory_space<hbm>>
      %dma_wait3A_50 = tpu.memref_squeeze %dma_wait3A_49 : memref<1x80x128xf32, #tpu.memory_space<hbm>> -> memref<80x128xf32, #tpu.memory_space<hbm>>
      %dma_wait3A_51 = arith.constant 0 : i32
      %dma_wait3A_52 = arith.constant 0 : i32
      %dma_wait3A_53 = tpu.memref_slice %arg5[%add3A, %dma_wait3A_51, %dma_wait3A_52] : memref<32x80x128xf32, #tpu.memory_space<hbm>> -> memref<1x80x128xf32, #tpu.memory_space<hbm>>
      %dma_wait3A_54 = tpu.memref_squeeze %dma_wait3A_53 : memref<1x80x128xf32, #tpu.memory_space<hbm>> -> memref<80x128xf32, #tpu.memory_space<hbm>>
      tpu.wait_dma2 semaphore(%run_scoped3A : memref<!tpu.dma_semaphore, #tpu.memory_space<semaphore_mem>>) src(%dma_wait3A_54 : memref<80x128xf32, #tpu.memory_space<hbm>>) dst(%arg10 : memref<80x128xf32, #tpu.memory_space<vmem>>)
      tpu.yield
    }) : () -> ()
    %scan3A = arith.constant 0 : i32
    %scan3A_1 = arith.constant 0 : i32
    %scan3A_2 = arith.constant 40 : i32
    %scan3A_3 = arith.addi %scan3A_1, %scan3A_2 : i32
    %scan3A_4 = arith.constant 1 : i32
    %scan3A_5 = scf.for %scan3A_40 = %scan3A_1 to %scan3A_3 step %scan3A_4 iter_args(%scan3A_41 = %scan3A) -> (i32)  : i32 {
      %broadcast_in_dim3A = arith.constant 0.000000e+00 : f32
      %broadcast_in_dim3A_42 = vector.broadcast %broadcast_in_dim3A : f32 to vector<16xf32>
      %mul3A_43 = arith.constant 16 : i32
      %mul3A_44 = arith.muli %scan3A_40, %mul3A_43 : i32
      %swap3A = arith.index_cast %mul3A_44 : i32 to index
      %swap3A_45 = tpu.vector_load %arg12[%swap3A] {strides = array<i32>} : memref<640xf32, #tpu.memory_space<vmem>>, vector<16xf32>,
      tpu.vector_store %arg12[%swap3A], %broadcast_in_dim3A_42 {strides = array<i32>} : memref<640xf32, #tpu.memory_space<vmem>>, vector<16xf32>,
      %scan3A_46 = arith.constant 0 : i32
      scf.yield %scan3A_46 : i32
    }
    %scan3A_6 = arith.constant 40 : i32
    %mul3A_7 = arith.constant 640 : i32
    %mul3A_8 = arith.muli %arg1, %mul3A_7 : i32
    "tpu.region"() ({
      %run_scoped3A = tpu.sem_alloc : memref<!tpu.dma_semaphore, #tpu.memory_space<semaphore_mem>>
      %dma_start3A = tpu.memref_slice %arg13[%mul3A_8] : memref<10240xf32, #tpu.memory_space<vmem_shared>> -> memref<640xf32, #tpu.memory_space<vmem_shared>>
      %dma_start3A_40 = tpu.memref_slice %arg13[%mul3A_8] : memref<10240xf32, #tpu.memory_space<vmem_shared>> -> memref<640xf32, #tpu.memory_space<vmem_shared>>
      tpu.enqueue_dma source(%arg12 : memref<640xf32, #tpu.memory_space<vmem>>) target(%dma_start3A_40 : memref<640xf32, #tpu.memory_space<vmem_shared>>) target_semaphore(%run_scoped3A : memref<!tpu.dma_semaphore, #tpu.memory_space<semaphore_mem>>)
      %dma_wait3A_41 = tpu.memref_slice %arg13[%mul3A_8] : memref<10240xf32, #tpu.memory_space<vmem_shared>> -> memref<640xf32, #tpu.memory_space<vmem_shared>>
      %dma_wait3A_42 = tpu.memref_slice %arg13[%mul3A_8] : memref<10240xf32, #tpu.memory_space<vmem_shared>> -> memref<640xf32, #tpu.memory_space<vmem_shared>>
      tpu.wait_dma2 semaphore(%run_scoped3A : memref<!tpu.dma_semaphore, #tpu.memory_space<semaphore_mem>>) src(%arg12 : memref<640xf32, #tpu.memory_space<vmem>>) dst(%dma_wait3A_42 : memref<640xf32, #tpu.memory_space<vmem_shared>>)
      tpu.yield
    }) : () -> ()
    %barrier3A = arith.constant 0 : index
    tpu.barrier barrier_id(%barrier3A)
    %scan3A_9 = arith.constant 0 : i32
    %scan3A_10 = arith.constant 0 : i32
    %scan3A_11 = arith.constant 40 : i32
    %scan3A_12 = arith.addi %scan3A_10, %scan3A_11 : i32
    %scan3A_13 = arith.constant 1 : i32
    %scan3A_14 = scf.for %scan3A_40 = %scan3A_10 to %scan3A_12 step %scan3A_13 iter_args(%scan3A_41 = %scan3A_9) -> (i32)  : i32 {
      %mul3A_42 = arith.constant 2 : i32
      %mul3A_43 = arith.muli %scan3A_40, %mul3A_42 : i32
      %add3A_44 = arith.constant 0 : i32
      %add3A_45 = arith.addi %mul3A_43, %add3A_44 : i32
      %get3A = arith.index_cast %add3A_45 : i32 to index
      %get3A_46 = arith.constant 0 : index
      %get3A_47 = tpu.vector_load %arg8[%get3A, %get3A_46] {strides = array<i32>} : memref<80x128xi32, #tpu.memory_space<vmem>>, vector<16xi32>,
      %get3A_48 = arith.index_cast %add3A_45 : i32 to index
      %get3A_49 = arith.constant 0 : index
      %get3A_50 = tpu.vector_load %arg10[%get3A_48, %get3A_49] {strides = array<i32>} : memref<80x128xf32, #tpu.memory_space<vmem>>, vector<16xf32>,
      %gather3A = tpu.vector_load_idx %arg7[%get3A_47] : memref<10000xf32, #tpu.memory_space<vmem>>[vector<16xi32>], vector<16xf32>,
      %mul3A_51 = arith.mulf %gather3A, %get3A_50 : vector<16xf32>
      %swap3A = arith.constant 0 : i32
      %swap3A_52 = arith.index_cast %swap3A : i32 to index
      %swap3A_53 = arith.constant 0 : index
      %swap3A_54 = tpu.vector_load %arg11[%swap3A_52, %swap3A_53] {strides = array<i32>} : memref<2x128xf32, #tpu.memory_space<vmem>>, vector<16xf32>,
      tpu.vector_store %arg11[%swap3A_52, %swap3A_53], %mul3A_51 {strides = array<i32>} : memref<2x128xf32, #tpu.memory_space<vmem>>, vector<16xf32>,
      %get3A_55 = arith.index_cast %add3A_45 : i32 to index
      %get3A_56 = arith.constant 16 : index
      %get3A_57 = tpu.vector_load %arg8[%get3A_55, %get3A_56] {strides = array<i32>} : memref<80x128xi32, #tpu.memory_space<vmem>>, vector<16xi32>,
      %get3A_58 = arith.index_cast %add3A_45 : i32 to index
      %get3A_59 = arith.constant 16 : index
      %get3A_60 = tpu.vector_load %arg10[%get3A_58, %get3A_59] {strides = array<i32>} : memref<80x128xf32, #tpu.memory_space<vmem>>, vector<16xf32>,
      %gather3A_61 = tpu.vector_load_idx %arg7[%get3A_57] : memref<10000xf32, #tpu.memory_space<vmem>>[vector<16xi32>], vector<16xf32>,
      %mul3A_62 = arith.mulf %gather3A_61, %get3A_60 : vector<16xf32>
      %swap3A_63 = arith.constant 0 : i32
      %swap3A_64 = arith.index_cast %swap3A_63 : i32 to index
      %swap3A_65 = arith.constant 16 : index
      %swap3A_66 = tpu.vector_load %arg11[%swap3A_64, %swap3A_65] {strides = array<i32>} : memref<2x128xf32, #tpu.memory_space<vmem>>, vector<16xf32>,
      tpu.vector_store %arg11[%swap3A_64, %swap3A_65], %mul3A_62 {strides = array<i32>} : memref<2x128xf32, #tpu.memory_space<vmem>>, vector<16xf32>,
      %get3A_67 = arith.index_cast %add3A_45 : i32 to index
      %get3A_68 = arith.constant 32 : index
      %get3A_69 = tpu.vector_load %arg8[%get3A_67, %get3A_68] {strides = array<i32>} : memref<80x128xi32, #tpu.memory_space<vmem>>, vector<16xi32>,
      %get3A_70 = arith.index_cast %add3A_45 : i32 to index
      %get3A_71 = arith.constant 32 : index
      %get3A_72 = tpu.vector_load %arg10[%get3A_70, %get3A_71] {strides = array<i32>} : memref<80x128xf32, #tpu.memory_space<vmem>>, vector<16xf32>,
      %gather3A_73 = tpu.vector_load_idx %arg7[%get3A_69] : memref<10000xf32, #tpu.memory_space<vmem>>[vector<16xi32>], vector<16xf32>,
      %mul3A_74 = arith.mulf %gather3A_73, %get3A_72 : vector<16xf32>
      %swap3A_75 = arith.constant 0 : i32
      %swap3A_76 = arith.index_cast %swap3A_75 : i32 to index
      %swap3A_77 = arith.constant 32 : index
      %swap3A_78 = tpu.vector_load %arg11[%swap3A_76, %swap3A_77] {strides = array<i32>} : memref<2x128xf32, #tpu.memory_space<vmem>>, vector<16xf32>,
      tpu.vector_store %arg11[%swap3A_76, %swap3A_77], %mul3A_74 {strides = array<i32>} : memref<2x128xf32, #tpu.memory_space<vmem>>, vector<16xf32>,
      %get3A_79 = arith.index_cast %add3A_45 : i32 to index
      %get3A_80 = arith.constant 48 : index
      %get3A_81 = tpu.vector_load %arg8[%get3A_79, %get3A_80] {strides = array<i32>} : memref<80x128xi32, #tpu.memory_space<vmem>>, vector<16xi32>,
      %get3A_82 = arith.index_cast %add3A_45 : i32 to index
      %get3A_83 = arith.constant 48 : index
      %get3A_84 = tpu.vector_load %arg10[%get3A_82, %get3A_83] {strides = array<i32>} : memref<80x128xf32, #tpu.memory_space<vmem>>, vector<16xf32>,
      %gather3A_85 = tpu.vector_load_idx %arg7[%get3A_81] : memref<10000xf32, #tpu.memory_space<vmem>>[vector<16xi32>], vector<16xf32>,
      %mul3A_86 = arith.mulf %gather3A_85, %get3A_84 : vector<16xf32>
      %swap3A_87 = arith.constant 0 : i32
      %swap3A_88 = arith.index_cast %swap3A_87 : i32 to index
      %swap3A_89 = arith.constant 48 : index
      %swap3A_90 = tpu.vector_load %arg11[%swap3A_88, %swap3A_89] {strides = array<i32>} : memref<2x128xf32, #tpu.memory_space<vmem>>, vector<16xf32>,
      tpu.vector_store %arg11[%swap3A_88, %swap3A_89], %mul3A_86 {strides = array<i32>} : memref<2x128xf32, #tpu.memory_space<vmem>>, vector<16xf32>,
      %get3A_91 = arith.index_cast %add3A_45 : i32 to index
      %get3A_92 = arith.constant 64 : index
      %get3A_93 = tpu.vector_load %arg8[%get3A_91, %get3A_92] {strides = array<i32>} : memref<80x128xi32, #tpu.memory_space<vmem>>, vector<16xi32>,
      %get3A_94 = arith.index_cast %add3A_45 : i32 to index
      %get3A_95 = arith.constant 64 : index
      %get3A_96 = tpu.vector_load %arg10[%get3A_94, %get3A_95] {strides = array<i32>} : memref<80x128xf32, #tpu.memory_space<vmem>>, vector<16xf32>,
      %gather3A_97 = tpu.vector_load_idx %arg7[%get3A_93] : memref<10000xf32, #tpu.memory_space<vmem>>[vector<16xi32>], vector<16xf32>,
      %mul3A_98 = arith.mulf %gather3A_97, %get3A_96 : vector<16xf32>
      %swap3A_99 = arith.constant 0 : i32
      %swap3A_100 = arith.index_cast %swap3A_99 : i32 to index
      %swap3A_101 = arith.constant 64 : index
      %swap3A_102 = tpu.vector_load %arg11[%swap3A_100, %swap3A_101] {strides = array<i32>} : memref<2x128xf32, #tpu.memory_space<vmem>>, vector<16xf32>,
      tpu.vector_store %arg11[%swap3A_100, %swap3A_101], %mul3A_98 {strides = array<i32>} : memref<2x128xf32, #tpu.memory_space<vmem>>, vector<16xf32>,
      %get3A_103 = arith.index_cast %add3A_45 : i32 to index
      %get3A_104 = arith.constant 80 : index
      %get3A_105 = tpu.vector_load %arg8[%get3A_103, %get3A_104] {strides = array<i32>} : memref<80x128xi32, #tpu.memory_space<vmem>>, vector<16xi32>,
      %get3A_106 = arith.index_cast %add3A_45 : i32 to index
      %get3A_107 = arith.constant 80 : index
      %get3A_108 = tpu.vector_load %arg10[%get3A_106, %get3A_107] {strides = array<i32>} : memref<80x128xf32, #tpu.memory_space<vmem>>, vector<16xf32>,
      %gather3A_109 = tpu.vector_load_idx %arg7[%get3A_105] : memref<10000xf32, #tpu.memory_space<vmem>>[vector<16xi32>], vector<16xf32>,
      %mul3A_110 = arith.mulf %gather3A_109, %get3A_108 : vector<16xf32>
      %swap3A_111 = arith.constant 0 : i32
      %swap3A_112 = arith.index_cast %swap3A_111 : i32 to index
      %swap3A_113 = arith.constant 80 : index
      %swap3A_114 = tpu.vector_load %arg11[%swap3A_112, %swap3A_113] {strides = array<i32>} : memref<2x128xf32, #tpu.memory_space<vmem>>, vector<16xf32>,
      tpu.vector_store %arg11[%swap3A_112, %swap3A_113], %mul3A_110 {strides = array<i32>} : memref<2x128xf32, #tpu.memory_space<vmem>>, vector<16xf32>,
      %get3A_115 = arith.index_cast %add3A_45 : i32 to index
      %get3A_116 = arith.constant 96 : index
      %get3A_117 = tpu.vector_load %arg8[%get3A_115, %get3A_116] {strides = array<i32>} : memref<80x128xi32, #tpu.memory_space<vmem>>, vector<16xi32>,
      %get3A_118 = arith.index_cast %add3A_45 : i32 to index
      %get3A_119 = arith.constant 96 : index
      %get3A_120 = tpu.vector_load %arg10[%get3A_118, %get3A_119] {strides = array<i32>} : memref<80x128xf32, #tpu.memory_space<vmem>>, vector<16xf32>,
      %gather3A_121 = tpu.vector_load_idx %arg7[%get3A_117] : memref<10000xf32, #tpu.memory_space<vmem>>[vector<16xi32>], vector<16xf32>,
      %mul3A_122 = arith.mulf %gather3A_121, %get3A_120 : vector<16xf32>
      %swap3A_123 = arith.constant 0 : i32
      %swap3A_124 = arith.index_cast %swap3A_123 : i32 to index
      %swap3A_125 = arith.constant 96 : index
      %swap3A_126 = tpu.vector_load %arg11[%swap3A_124, %swap3A_125] {strides = array<i32>} : memref<2x128xf32, #tpu.memory_space<vmem>>, vector<16xf32>,
      tpu.vector_store %arg11[%swap3A_124, %swap3A_125], %mul3A_122 {strides = array<i32>} : memref<2x128xf32, #tpu.memory_space<vmem>>, vector<16xf32>,
      %get3A_127 = arith.index_cast %add3A_45 : i32 to index
      %get3A_128 = arith.constant 112 : index
      %get3A_129 = tpu.vector_load %arg8[%get3A_127, %get3A_128] {strides = array<i32>} : memref<80x128xi32, #tpu.memory_space<vmem>>, vector<16xi32>,
      %get3A_130 = arith.index_cast %add3A_45 : i32 to index
      %get3A_131 = arith.constant 112 : index
      %get3A_132 = tpu.vector_load %arg10[%get3A_130, %get3A_131] {strides = array<i32>} : memref<80x128xf32, #tpu.memory_space<vmem>>, vector<16xf32>,
      %gather3A_133 = tpu.vector_load_idx %arg7[%get3A_129] : memref<10000xf32, #tpu.memory_space<vmem>>[vector<16xi32>], vector<16xf32>,
      %mul3A_134 = arith.mulf %gather3A_133, %get3A_132 : vector<16xf32>
      %swap3A_135 = arith.constant 0 : i32
      %swap3A_136 = arith.index_cast %swap3A_135 : i32 to index
      %swap3A_137 = arith.constant 112 : index
      %swap3A_138 = tpu.vector_load %arg11[%swap3A_136, %swap3A_137] {strides = array<i32>} : memref<2x128xf32, #tpu.memory_space<vmem>>, vector<16xf32>,
      tpu.vector_store %arg11[%swap3A_136, %swap3A_137], %mul3A_134 {strides = array<i32>} : memref<2x128xf32, #tpu.memory_space<vmem>>, vector<16xf32>,
      %ge3A = arith.constant 2 : i32
      %ge3A_139 = arith.cmpi sge, %add3A_45, %ge3A : i32
      %convert_element_type3A = arith.extui %ge3A_139 : i1 to i32
      %cond3A = arith.constant 0 : i32
      %cond3A_140 = arith.cmpi ne, %convert_element_type3A, %cond3A : i32
      scf.if %cond3A_140 {
        %sub3A = arith.constant 2 : i32
        %sub3A_264 = arith.subi %add3A_45, %sub3A : i32
        %dma_wait3A_265 = arith.constant 0 : i32
        %dma_wait3A_266 = arith.constant 0 : i32
        %dma_wait3A_267 = tpu.memref_slice %arg11[%dma_wait3A_265, %dma_wait3A_266] : memref<2x128xf32, #tpu.memory_space<vmem>> -> memref<1x128xf32, #tpu.memory_space<vmem>>
        %dma_wait3A_268 = tpu.memref_squeeze %dma_wait3A_267 : memref<1x128xf32, #tpu.memory_space<vmem>> -> memref<128xf32, #tpu.memory_space<vmem>>
        %dma_wait3A_269 = arith.constant 0 : i32
        %dma_wait3A_270 = tpu.memref_slice %arg9[%sub3A_264, %dma_wait3A_269] : memref<80x128xi32, #tpu.memory_space<vmem>> -> memref<1x128xi32, #tpu.memory_space<vmem>>
        %dma_wait3A_271 = tpu.memref_squeeze %dma_wait3A_270 : memref<1x128xi32, #tpu.memory_space<vmem>> -> memref<128xi32, #tpu.memory_space<vmem>>
        %dma_wait3A_272 = arith.constant 0 : i32
        %dma_wait3A_273 = tpu.memref_slice %arg13[%dma_wait3A_272] : memref<10240xf32, #tpu.memory_space<vmem_shared>> -> memref<10240xf32, #tpu.memory_space<vmem_shared>>
        tpu.wait_indirect_dma semaphore(%arg14 : memref<!tpu.dma_semaphore, #tpu.memory_space<semaphore_mem>>) src(%dma_wait3A_268 : memref<128xf32, #tpu.memory_space<vmem>>) dst(%dma_wait3A_273 : memref<10240xf32, #tpu.memory_space<vmem_shared>>)
      } else {
      }
      %dma_start3A = arith.constant 0 : i32
      %dma_start3A_141 = arith.constant 0 : i32
      %dma_start3A_142 = tpu.memref_slice %arg11[%dma_start3A, %dma_start3A_141] : memref<2x128xf32, #tpu.memory_space<vmem>> -> memref<1x128xf32, #tpu.memory_space<vmem>>
      %dma_start3A_143 = tpu.memref_squeeze %dma_start3A_142 : memref<1x128xf32, #tpu.memory_space<vmem>> -> memref<128xf32, #tpu.memory_space<vmem>>
      %dma_start3A_144 = arith.constant 0 : i32
      %dma_start3A_145 = tpu.memref_slice %arg9[%add3A_45, %dma_start3A_144] : memref<80x128xi32, #tpu.memory_space<vmem>> -> memref<1x128xi32, #tpu.memory_space<vmem>>
      %dma_start3A_146 = tpu.memref_squeeze %dma_start3A_145 : memref<1x128xi32, #tpu.memory_space<vmem>> -> memref<128xi32, #tpu.memory_space<vmem>>
      %dma_start3A_147 = arith.constant 0 : i32
      %dma_start3A_148 = tpu.memref_slice %arg13[%dma_start3A_147] : memref<10240xf32, #tpu.memory_space<vmem_shared>> -> memref<10240xf32, #tpu.memory_space<vmem_shared>>
      tpu.enqueue_indirect_dma source(%dma_start3A_143 : memref<128xf32, #tpu.memory_space<vmem>>) target(%dma_start3A_148 : memref<10240xf32, #tpu.memory_space<vmem_shared>>) offsets(%dma_start3A_146 : memref<128xi32, #tpu.memory_space<vmem>>) semaphore(%arg14 : memref<!tpu.dma_semaphore, #tpu.memory_space<semaphore_mem>>) {add = true}
      %mul3A_149 = arith.constant 2 : i32
      %mul3A_150 = arith.muli %scan3A_40, %mul3A_149 : i32
      %add3A_151 = arith.constant 1 : i32
      %add3A_152 = arith.addi %mul3A_150, %add3A_151 : i32
      %get3A_153 = arith.index_cast %add3A_152 : i32 to index
      %get3A_154 = arith.constant 0 : index
      %get3A_155 = tpu.vector_load %arg8[%get3A_153, %get3A_154] {strides = array<i32>} : memref<80x128xi32, #tpu.memory_space<vmem>>, vector<16xi32>,
      %get3A_156 = arith.index_cast %add3A_152 : i32 to index
      %get3A_157 = arith.constant 0 : index
      %get3A_158 = tpu.vector_load %arg10[%get3A_156, %get3A_157] {strides = array<i32>} : memref<80x128xf32, #tpu.memory_space<vmem>>, vector<16xf32>,
      %gather3A_159 = tpu.vector_load_idx %arg7[%get3A_155] : memref<10000xf32, #tpu.memory_space<vmem>>[vector<16xi32>], vector<16xf32>,
      %mul3A_160 = arith.mulf %gather3A_159, %get3A_158 : vector<16xf32>
      %swap3A_161 = arith.constant 1 : i32
      %swap3A_162 = arith.index_cast %swap3A_161 : i32 to index
      %swap3A_163 = arith.constant 0 : index
      %swap3A_164 = tpu.vector_load %arg11[%swap3A_162, %swap3A_163] {strides = array<i32>} : memref<2x128xf32, #tpu.memory_space<vmem>>, vector<16xf32>,
      tpu.vector_store %arg11[%swap3A_162, %swap3A_163], %mul3A_160 {strides = array<i32>} : memref<2x128xf32, #tpu.memory_space<vmem>>, vector<16xf32>,
      %get3A_165 = arith.index_cast %add3A_152 : i32 to index
      %get3A_166 = arith.constant 16 : index
      %get3A_167 = tpu.vector_load %arg8[%get3A_165, %get3A_166] {strides = array<i32>} : memref<80x128xi32, #tpu.memory_space<vmem>>, vector<16xi32>,
      %get3A_168 = arith.index_cast %add3A_152 : i32 to index
      %get3A_169 = arith.constant 16 : index
      %get3A_170 = tpu.vector_load %arg10[%get3A_168, %get3A_169] {strides = array<i32>} : memref<80x128xf32, #tpu.memory_space<vmem>>, vector<16xf32>,
      %gather3A_171 = tpu.vector_load_idx %arg7[%get3A_167] : memref<10000xf32, #tpu.memory_space<vmem>>[vector<16xi32>], vector<16xf32>,
      %mul3A_172 = arith.mulf %gather3A_171, %get3A_170 : vector<16xf32>
      %swap3A_173 = arith.constant 1 : i32
      %swap3A_174 = arith.index_cast %swap3A_173 : i32 to index
      %swap3A_175 = arith.constant 16 : index
      %swap3A_176 = tpu.vector_load %arg11[%swap3A_174, %swap3A_175] {strides = array<i32>} : memref<2x128xf32, #tpu.memory_space<vmem>>, vector<16xf32>,
      tpu.vector_store %arg11[%swap3A_174, %swap3A_175], %mul3A_172 {strides = array<i32>} : memref<2x128xf32, #tpu.memory_space<vmem>>, vector<16xf32>,
      %get3A_177 = arith.index_cast %add3A_152 : i32 to index
      %get3A_178 = arith.constant 32 : index
      %get3A_179 = tpu.vector_load %arg8[%get3A_177, %get3A_178] {strides = array<i32>} : memref<80x128xi32, #tpu.memory_space<vmem>>, vector<16xi32>,
      %get3A_180 = arith.index_cast %add3A_152 : i32 to index
      %get3A_181 = arith.constant 32 : index
      %get3A_182 = tpu.vector_load %arg10[%get3A_180, %get3A_181] {strides = array<i32>} : memref<80x128xf32, #tpu.memory_space<vmem>>, vector<16xf32>,
      %gather3A_183 = tpu.vector_load_idx %arg7[%get3A_179] : memref<10000xf32, #tpu.memory_space<vmem>>[vector<16xi32>], vector<16xf32>,
      %mul3A_184 = arith.mulf %gather3A_183, %get3A_182 : vector<16xf32>
      %swap3A_185 = arith.constant 1 : i32
      %swap3A_186 = arith.index_cast %swap3A_185 : i32 to index
      %swap3A_187 = arith.constant 32 : index
      %swap3A_188 = tpu.vector_load %arg11[%swap3A_186, %swap3A_187] {strides = array<i32>} : memref<2x128xf32, #tpu.memory_space<vmem>>, vector<16xf32>,
      tpu.vector_store %arg11[%swap3A_186, %swap3A_187], %mul3A_184 {strides = array<i32>} : memref<2x128xf32, #tpu.memory_space<vmem>>, vector<16xf32>,
      %get3A_189 = arith.index_cast %add3A_152 : i32 to index
      %get3A_190 = arith.constant 48 : index
      %get3A_191 = tpu.vector_load %arg8[%get3A_189, %get3A_190] {strides = array<i32>} : memref<80x128xi32, #tpu.memory_space<vmem>>, vector<16xi32>,
      %get3A_192 = arith.index_cast %add3A_152 : i32 to index
      %get3A_193 = arith.constant 48 : index
      %get3A_194 = tpu.vector_load %arg10[%get3A_192, %get3A_193] {strides = array<i32>} : memref<80x128xf32, #tpu.memory_space<vmem>>, vector<16xf32>,
      %gather3A_195 = tpu.vector_load_idx %arg7[%get3A_191] : memref<10000xf32, #tpu.memory_space<vmem>>[vector<16xi32>], vector<16xf32>,
      %mul3A_196 = arith.mulf %gather3A_195, %get3A_194 : vector<16xf32>
      %swap3A_197 = arith.constant 1 : i32
      %swap3A_198 = arith.index_cast %swap3A_197 : i32 to index
      %swap3A_199 = arith.constant 48 : index
      %swap3A_200 = tpu.vector_load %arg11[%swap3A_198, %swap3A_199] {strides = array<i32>} : memref<2x128xf32, #tpu.memory_space<vmem>>, vector<16xf32>,
      tpu.vector_store %arg11[%swap3A_198, %swap3A_199], %mul3A_196 {strides = array<i32>} : memref<2x128xf32, #tpu.memory_space<vmem>>, vector<16xf32>,
      %get3A_201 = arith.index_cast %add3A_152 : i32 to index
      %get3A_202 = arith.constant 64 : index
      %get3A_203 = tpu.vector_load %arg8[%get3A_201, %get3A_202] {strides = array<i32>} : memref<80x128xi32, #tpu.memory_space<vmem>>, vector<16xi32>,
      %get3A_204 = arith.index_cast %add3A_152 : i32 to index
      %get3A_205 = arith.constant 64 : index
      %get3A_206 = tpu.vector_load %arg10[%get3A_204, %get3A_205] {strides = array<i32>} : memref<80x128xf32, #tpu.memory_space<vmem>>, vector<16xf32>,
      %gather3A_207 = tpu.vector_load_idx %arg7[%get3A_203] : memref<10000xf32, #tpu.memory_space<vmem>>[vector<16xi32>], vector<16xf32>,
      %mul3A_208 = arith.mulf %gather3A_207, %get3A_206 : vector<16xf32>
      %swap3A_209 = arith.constant 1 : i32
      %swap3A_210 = arith.index_cast %swap3A_209 : i32 to index
      %swap3A_211 = arith.constant 64 : index
      %swap3A_212 = tpu.vector_load %arg11[%swap3A_210, %swap3A_211] {strides = array<i32>} : memref<2x128xf32, #tpu.memory_space<vmem>>, vector<16xf32>,
      tpu.vector_store %arg11[%swap3A_210, %swap3A_211], %mul3A_208 {strides = array<i32>} : memref<2x128xf32, #tpu.memory_space<vmem>>, vector<16xf32>,
      %get3A_213 = arith.index_cast %add3A_152 : i32 to index
      %get3A_214 = arith.constant 80 : index
      %get3A_215 = tpu.vector_load %arg8[%get3A_213, %get3A_214] {strides = array<i32>} : memref<80x128xi32, #tpu.memory_space<vmem>>, vector<16xi32>,
      %get3A_216 = arith.index_cast %add3A_152 : i32 to index
      %get3A_217 = arith.constant 80 : index
      %get3A_218 = tpu.vector_load %arg10[%get3A_216, %get3A_217] {strides = array<i32>} : memref<80x128xf32, #tpu.memory_space<vmem>>, vector<16xf32>,
      %gather3A_219 = tpu.vector_load_idx %arg7[%get3A_215] : memref<10000xf32, #tpu.memory_space<vmem>>[vector<16xi32>], vector<16xf32>,
      %mul3A_220 = arith.mulf %gather3A_219, %get3A_218 : vector<16xf32>
      %swap3A_221 = arith.constant 1 : i32
      %swap3A_222 = arith.index_cast %swap3A_221 : i32 to index
      %swap3A_223 = arith.constant 80 : index
      %swap3A_224 = tpu.vector_load %arg11[%swap3A_222, %swap3A_223] {strides = array<i32>} : memref<2x128xf32, #tpu.memory_space<vmem>>, vector<16xf32>,
      tpu.vector_store %arg11[%swap3A_222, %swap3A_223], %mul3A_220 {strides = array<i32>} : memref<2x128xf32, #tpu.memory_space<vmem>>, vector<16xf32>,
      %get3A_225 = arith.index_cast %add3A_152 : i32 to index
      %get3A_226 = arith.constant 96 : index
      %get3A_227 = tpu.vector_load %arg8[%get3A_225, %get3A_226] {strides = array<i32>} : memref<80x128xi32, #tpu.memory_space<vmem>>, vector<16xi32>,
      %get3A_228 = arith.index_cast %add3A_152 : i32 to index
      %get3A_229 = arith.constant 96 : index
      %get3A_230 = tpu.vector_load %arg10[%get3A_228, %get3A_229] {strides = array<i32>} : memref<80x128xf32, #tpu.memory_space<vmem>>, vector<16xf32>,
      %gather3A_231 = tpu.vector_load_idx %arg7[%get3A_227] : memref<10000xf32, #tpu.memory_space<vmem>>[vector<16xi32>], vector<16xf32>,
      %mul3A_232 = arith.mulf %gather3A_231, %get3A_230 : vector<16xf32>
      %swap3A_233 = arith.constant 1 : i32
      %swap3A_234 = arith.index_cast %swap3A_233 : i32 to index
      %swap3A_235 = arith.constant 96 : index
      %swap3A_236 = tpu.vector_load %arg11[%swap3A_234, %swap3A_235] {strides = array<i32>} : memref<2x128xf32, #tpu.memory_space<vmem>>, vector<16xf32>,
      tpu.vector_store %arg11[%swap3A_234, %swap3A_235], %mul3A_232 {strides = array<i32>} : memref<2x128xf32, #tpu.memory_space<vmem>>, vector<16xf32>,
      %get3A_237 = arith.index_cast %add3A_152 : i32 to index
      %get3A_238 = arith.constant 112 : index
      %get3A_239 = tpu.vector_load %arg8[%get3A_237, %get3A_238] {strides = array<i32>} : memref<80x128xi32, #tpu.memory_space<vmem>>, vector<16xi32>,
      %get3A_240 = arith.index_cast %add3A_152 : i32 to index
      %get3A_241 = arith.constant 112 : index
      %get3A_242 = tpu.vector_load %arg10[%get3A_240, %get3A_241] {strides = array<i32>} : memref<80x128xf32, #tpu.memory_space<vmem>>, vector<16xf32>,
      %gather3A_243 = tpu.vector_load_idx %arg7[%get3A_239] : memref<10000xf32, #tpu.memory_space<vmem>>[vector<16xi32>], vector<16xf32>,
      %mul3A_244 = arith.mulf %gather3A_243, %get3A_242 : vector<16xf32>
      %swap3A_245 = arith.constant 1 : i32
      %swap3A_246 = arith.index_cast %swap3A_245 : i32 to index
      %swap3A_247 = arith.constant 112 : index
      %swap3A_248 = tpu.vector_load %arg11[%swap3A_246, %swap3A_247] {strides = array<i32>} : memref<2x128xf32, #tpu.memory_space<vmem>>, vector<16xf32>,
      tpu.vector_store %arg11[%swap3A_246, %swap3A_247], %mul3A_244 {strides = array<i32>} : memref<2x128xf32, #tpu.memory_space<vmem>>, vector<16xf32>,
      %ge3A_249 = arith.constant 2 : i32
      %ge3A_250 = arith.cmpi sge, %add3A_152, %ge3A_249 : i32
      %convert_element_type3A_251 = arith.extui %ge3A_250 : i1 to i32
      %cond3A_252 = arith.constant 0 : i32
      %cond3A_253 = arith.cmpi ne, %convert_element_type3A_251, %cond3A_252 : i32
      scf.if %cond3A_253 {
        %sub3A = arith.constant 2 : i32
        %sub3A_264 = arith.subi %add3A_152, %sub3A : i32
        %dma_wait3A_265 = arith.constant 1 : i32
        %dma_wait3A_266 = arith.constant 0 : i32
        %dma_wait3A_267 = tpu.memref_slice %arg11[%dma_wait3A_265, %dma_wait3A_266] : memref<2x128xf32, #tpu.memory_space<vmem>> -> memref<1x128xf32, #tpu.memory_space<vmem>>
        %dma_wait3A_268 = tpu.memref_squeeze %dma_wait3A_267 : memref<1x128xf32, #tpu.memory_space<vmem>> -> memref<128xf32, #tpu.memory_space<vmem>>
        %dma_wait3A_269 = arith.constant 0 : i32
        %dma_wait3A_270 = tpu.memref_slice %arg9[%sub3A_264, %dma_wait3A_269] : memref<80x128xi32, #tpu.memory_space<vmem>> -> memref<1x128xi32, #tpu.memory_space<vmem>>
        %dma_wait3A_271 = tpu.memref_squeeze %dma_wait3A_270 : memref<1x128xi32, #tpu.memory_space<vmem>> -> memref<128xi32, #tpu.memory_space<vmem>>
        %dma_wait3A_272 = arith.constant 0 : i32
        %dma_wait3A_273 = tpu.memref_slice %arg13[%dma_wait3A_272] : memref<10240xf32, #tpu.memory_space<vmem_shared>> -> memref<10240xf32, #tpu.memory_space<vmem_shared>>
        tpu.wait_indirect_dma semaphore(%arg15 : memref<!tpu.dma_semaphore, #tpu.memory_space<semaphore_mem>>) src(%dma_wait3A_268 : memref<128xf32, #tpu.memory_space<vmem>>) dst(%dma_wait3A_273 : memref<10240xf32, #tpu.memory_space<vmem_shared>>)
      } else {
      }
      %dma_start3A_254 = arith.constant 1 : i32
      %dma_start3A_255 = arith.constant 0 : i32
      %dma_start3A_256 = tpu.memref_slice %arg11[%dma_start3A_254, %dma_start3A_255] : memref<2x128xf32, #tpu.memory_space<vmem>> -> memref<1x128xf32, #tpu.memory_space<vmem>>
      %dma_start3A_257 = tpu.memref_squeeze %dma_start3A_256 : memref<1x128xf32, #tpu.memory_space<vmem>> -> memref<128xf32, #tpu.memory_space<vmem>>
      %dma_start3A_258 = arith.constant 0 : i32
      %dma_start3A_259 = tpu.memref_slice %arg9[%add3A_152, %dma_start3A_258] : memref<80x128xi32, #tpu.memory_space<vmem>> -> memref<1x128xi32, #tpu.memory_space<vmem>>
      %dma_start3A_260 = tpu.memref_squeeze %dma_start3A_259 : memref<1x128xi32, #tpu.memory_space<vmem>> -> memref<128xi32, #tpu.memory_space<vmem>>
      %dma_start3A_261 = arith.constant 0 : i32
      %dma_start3A_262 = tpu.memref_slice %arg13[%dma_start3A_261] : memref<10240xf32, #tpu.memory_space<vmem_shared>> -> memref<10240xf32, #tpu.memory_space<vmem_shared>>
      tpu.enqueue_indirect_dma source(%dma_start3A_257 : memref<128xf32, #tpu.memory_space<vmem>>) target(%dma_start3A_262 : memref<10240xf32, #tpu.memory_space<vmem_shared>>) offsets(%dma_start3A_260 : memref<128xi32, #tpu.memory_space<vmem>>) semaphore(%arg15 : memref<!tpu.dma_semaphore, #tpu.memory_space<semaphore_mem>>) {add = true}
      %scan3A_263 = arith.constant 0 : i32
      scf.yield %scan3A_263 : i32
    }
    %scan3A_15 = arith.constant 40 : i32
    %dma_wait3A = arith.constant 0 : i32
    %dma_wait3A_16 = arith.constant 78 : i32
    %dma_wait3A_17 = arith.constant 0 : i32
    %dma_wait3A_18 = tpu.memref_slice %arg11[%dma_wait3A, %dma_wait3A_17] : memref<2x128xf32, #tpu.memory_space<vmem>> -> memref<1x128xf32, #tpu.memory_space<vmem>>
    %dma_wait3A_19 = tpu.memref_squeeze %dma_wait3A_18 : memref<1x128xf32, #tpu.memory_space<vmem>> -> memref<128xf32, #tpu.memory_space<vmem>>
    %dma_wait3A_20 = arith.constant 0 : i32
    %dma_wait3A_21 = tpu.memref_slice %arg9[%dma_wait3A_16, %dma_wait3A_20] : memref<80x128xi32, #tpu.memory_space<vmem>> -> memref<1x128xi32, #tpu.memory_space<vmem>>
    %dma_wait3A_22 = tpu.memref_squeeze %dma_wait3A_21 : memref<1x128xi32, #tpu.memory_space<vmem>> -> memref<128xi32, #tpu.memory_space<vmem>>
    %dma_wait3A_23 = arith.constant 0 : i32
    %dma_wait3A_24 = tpu.memref_slice %arg13[%dma_wait3A_23] : memref<10240xf32, #tpu.memory_space<vmem_shared>> -> memref<10240xf32, #tpu.memory_space<vmem_shared>>
    tpu.wait_indirect_dma semaphore(%arg14 : memref<!tpu.dma_semaphore, #tpu.memory_space<semaphore_mem>>) src(%dma_wait3A_19 : memref<128xf32, #tpu.memory_space<vmem>>) dst(%dma_wait3A_24 : memref<10240xf32, #tpu.memory_space<vmem_shared>>)
    %dma_wait3A_25 = arith.constant 1 : i32
    %dma_wait3A_26 = arith.constant 79 : i32
    %dma_wait3A_27 = arith.constant 0 : i32
    %dma_wait3A_28 = tpu.memref_slice %arg11[%dma_wait3A_25, %dma_wait3A_27] : memref<2x128xf32, #tpu.memory_space<vmem>> -> memref<1x128xf32, #tpu.memory_space<vmem>>
    %dma_wait3A_29 = tpu.memref_squeeze %dma_wait3A_28 : memref<1x128xf32, #tpu.memory_space<vmem>> -> memref<128xf32, #tpu.memory_space<vmem>>
    %dma_wait3A_30 = arith.constant 0 : i32
    %dma_wait3A_31 = tpu.memref_slice %arg9[%dma_wait3A_26, %dma_wait3A_30] : memref<80x128xi32, #tpu.memory_space<vmem>> -> memref<1x128xi32, #tpu.memory_space<vmem>>
    %dma_wait3A_32 = tpu.memref_squeeze %dma_wait3A_31 : memref<1x128xi32, #tpu.memory_space<vmem>> -> memref<128xi32, #tpu.memory_space<vmem>>
    %dma_wait3A_33 = arith.constant 0 : i32
    %dma_wait3A_34 = tpu.memref_slice %arg13[%dma_wait3A_33] : memref<10240xf32, #tpu.memory_space<vmem_shared>> -> memref<10240xf32, #tpu.memory_space<vmem_shared>>
    tpu.wait_indirect_dma semaphore(%arg15 : memref<!tpu.dma_semaphore, #tpu.memory_space<semaphore_mem>>) src(%dma_wait3A_29 : memref<128xf32, #tpu.memory_space<vmem>>) dst(%dma_wait3A_34 : memref<10240xf32, #tpu.memory_space<vmem_shared>>)
    %barrier3A_35 = arith.constant 0 : index
    tpu.barrier barrier_id(%barrier3A_35)
    %mul3A_36 = arith.constant 640 : i32
    %mul3A_37 = arith.muli %arg1, %mul3A_36 : i32
    "tpu.region"() ({
      %run_scoped3A = tpu.sem_alloc : memref<!tpu.dma_semaphore, #tpu.memory_space<semaphore_mem>>
      %dma_start3A = tpu.memref_slice %arg13[%mul3A_37] : memref<10240xf32, #tpu.memory_space<vmem_shared>> -> memref<640xf32, #tpu.memory_space<vmem_shared>>
      %dma_start3A_40 = tpu.memref_slice %arg13[%mul3A_37] : memref<10240xf32, #tpu.memory_space<vmem_shared>> -> memref<640xf32, #tpu.memory_space<vmem_shared>>
      tpu.enqueue_dma source(%dma_start3A_40 : memref<640xf32, #tpu.memory_space<vmem_shared>>) target(%arg12 : memref<640xf32, #tpu.memory_space<vmem>>) target_semaphore(%run_scoped3A : memref<!tpu.dma_semaphore, #tpu.memory_space<semaphore_mem>>)
      %dma_wait3A_41 = tpu.memref_slice %arg13[%mul3A_37] : memref<10240xf32, #tpu.memory_space<vmem_shared>> -> memref<640xf32, #tpu.memory_space<vmem_shared>>
      %dma_wait3A_42 = tpu.memref_slice %arg13[%mul3A_37] : memref<10240xf32, #tpu.memory_space<vmem_shared>> -> memref<640xf32, #tpu.memory_space<vmem_shared>>
      tpu.wait_dma2 semaphore(%run_scoped3A : memref<!tpu.dma_semaphore, #tpu.memory_space<semaphore_mem>>) src(%dma_wait3A_42 : memref<640xf32, #tpu.memory_space<vmem_shared>>) dst(%arg12 : memref<640xf32, #tpu.memory_space<vmem>>)
      tpu.yield
    }) : () -> ()
    %mul3A_38 = arith.constant 640 : i32
    %mul3A_39 = arith.muli %arg1, %mul3A_38 : i32
    "tpu.region"() ({
      %run_scoped3A = tpu.sem_alloc : memref<!tpu.dma_semaphore, #tpu.memory_space<semaphore_mem>>
      %dma_start3A = tpu.memref_slice %arg6[%arg0, %mul3A_39] : memref<2x10240xf32, #tpu.memory_space<hbm>> -> memref<1x640xf32, #tpu.memory_space<hbm>>
      %dma_start3A_40 = tpu.memref_squeeze %dma_start3A : memref<1x640xf32, #tpu.memory_space<hbm>> -> memref<640xf32, #tpu.memory_space<hbm>>
      %dma_start3A_41 = tpu.memref_slice %arg6[%arg0, %mul3A_39] : memref<2x10240xf32, #tpu.memory_space<hbm>> -> memref<1x640xf32, #tpu.memory_space<hbm>>
      %dma_start3A_42 = tpu.memref_squeeze %dma_start3A_41 : memref<1x640xf32, #tpu.memory_space<hbm>> -> memref<640xf32, #tpu.memory_space<hbm>>
      tpu.enqueue_dma source(%arg12 : memref<640xf32, #tpu.memory_space<vmem>>) target(%dma_start3A_42 : memref<640xf32, #tpu.memory_space<hbm>>) target_semaphore(%run_scoped3A : memref<!tpu.dma_semaphore, #tpu.memory_space<semaphore_mem>>)
      %dma_wait3A_43 = tpu.memref_slice %arg6[%arg0, %mul3A_39] : memref<2x10240xf32, #tpu.memory_space<hbm>> -> memref<1x640xf32, #tpu.memory_space<hbm>>
      %dma_wait3A_44 = tpu.memref_squeeze %dma_wait3A_43 : memref<1x640xf32, #tpu.memory_space<hbm>> -> memref<640xf32, #tpu.memory_space<hbm>>
      %dma_wait3A_45 = tpu.memref_slice %arg6[%arg0, %mul3A_39] : memref<2x10240xf32, #tpu.memory_space<hbm>> -> memref<1x640xf32, #tpu.memory_space<hbm>>
      %dma_wait3A_46 = tpu.memref_squeeze %dma_wait3A_45 : memref<1x640xf32, #tpu.memory_space<hbm>> -> memref<640xf32, #tpu.memory_space<hbm>>
      tpu.wait_dma2 semaphore(%run_scoped3A : memref<!tpu.dma_semaphore, #tpu.memory_space<semaphore_mem>>) src(%arg12 : memref<640xf32, #tpu.memory_space<vmem>>) dst(%dma_wait3A_46 : memref<640xf32, #tpu.memory_space<hbm>>)
      tpu.yield
    }) : () -> ()
    return
  }
}

module attributes {stable_mosaic.version = 14 : i64} {
  func.func @_mm1_body(%arg0: memref<10000x128xf32, #tpu.memory_space<vmem>>, %arg1: memref<128x16xf32, #tpu.memory_space<vmem>>, %arg2: memref<10000x16xf32, #tpu.memory_space<vmem>>) attributes {dimension_semantics = [], scalar_prefetch = 0 : i64, scratch_operands = 0 : i64, tpu.core_type = #tpu.core_type<tc>} {
    %get3A = arith.constant 0 : index
    %get3A_0 = arith.constant 0 : index
    %get3A_1 = vector.load %arg0[%get3A, %get3A_0] : memref<10000x128xf32, #tpu.memory_space<vmem>>, vector<10000x128xf32>
    %get3A_2 = arith.constant 0 : index
    %get3A_3 = arith.constant 0 : index
    %get3A_4 = vector.load %arg1[%get3A_2, %get3A_3] : memref<128x16xf32, #tpu.memory_space<vmem>>, vector<128x16xf32>
    %dot_general3A = arith.constant dense<0.000000e+00> : vector<10000x16xf32>
    %dot_general3A_5 = tpu.matmul %get3A_1, %get3A_4, %dot_general3A {dimension_numbers = #tpu.dot_dimension_numbers<[1], [0], [0], [1], [0, 0, 1, 1], [], []>, transpose_lhs_hint = false} : vector<10000x128xf32>, vector<128x16xf32>, vector<10000x16xf32> -> vector<10000x16xf32>
    %swap3A = arith.constant 0 : index
    %swap3A_6 = arith.constant 0 : index
    %swap3A_7 = vector.load %arg2[%swap3A, %swap3A_6] : memref<10000x16xf32, #tpu.memory_space<vmem>>, vector<10000x16xf32>
    tpu.vector_store %arg2[%swap3A, %swap3A_6], %dot_general3A_5 {strides = array<i32>} : memref<10000x16xf32, #tpu.memory_space<vmem>>, vector<10000x16xf32>,
    return
  }
}

module attributes {stable_mosaic.version = 14 : i64} {
  func.func @_mid_body(%arg0: memref<2x10240x16xf32, #tpu.memory_space<vmem>>, %arg1: memref<16xf32, #tpu.memory_space<vmem>>, %arg2: memref<16x1xf32, #tpu.memory_space<vmem>>, %arg3: memref<10000x1xf32, #tpu.memory_space<vmem>>) attributes {dimension_semantics = [], scalar_prefetch = 0 : i64, scratch_operands = 0 : i64, tpu.core_type = #tpu.core_type<tc>} {
    %get3A = arith.constant 0 : index
    %get3A_0 = arith.constant 0 : index
    %get3A_1 = arith.constant 0 : index
    %get3A_2 = vector.load %arg0[%get3A, %get3A_0, %get3A_1] : memref<2x10240x16xf32, #tpu.memory_space<vmem>>, vector<1x10000x16xf32>
    %get3A_3 = vector.shape_cast %get3A_2 : vector<1x10000x16xf32> to vector<10000x16xf32>
    %get3A_4 = arith.constant 1 : index
    %get3A_5 = arith.constant 0 : index
    %get3A_6 = arith.constant 0 : index
    %get3A_7 = vector.load %arg0[%get3A_4, %get3A_5, %get3A_6] : memref<2x10240x16xf32, #tpu.memory_space<vmem>>, vector<1x10000x16xf32>
    %get3A_8 = vector.shape_cast %get3A_7 : vector<1x10000x16xf32> to vector<10000x16xf32>
    %add3A = arith.addf %get3A_3, %get3A_8 : vector<10000x16xf32>
    %get3A_9 = arith.constant 0 : index
    %get3A_10 = vector.load %arg1[%get3A_9] : memref<16xf32, #tpu.memory_space<vmem>>, vector<16xf32>
    %broadcast_in_dim3A = vector.shape_cast %get3A_10 : vector<16xf32> to vector<1x16xf32>
    %add3A_11 = vector.broadcast %broadcast_in_dim3A : vector<1x16xf32> to vector<10000x16xf32>
    %add3A_12 = arith.addf %add3A, %add3A_11 : vector<10000x16xf32>
    %max3A = arith.constant 0.000000e+00 : f32
    %max3A_13 = vector.broadcast %max3A : f32 to vector<10000x16xf32>
    %max3A_14 = arith.maximumf %add3A_12, %max3A_13 : vector<10000x16xf32>
    %get3A_15 = arith.constant 0 : index
    %get3A_16 = arith.constant 0 : index
    %get3A_17 = vector.load %arg2[%get3A_15, %get3A_16] : memref<16x1xf32, #tpu.memory_space<vmem>>, vector<16x1xf32>
    %dot_general3A = arith.constant dense<0.000000e+00> : vector<10000x1xf32>
    %dot_general3A_18 = tpu.matmul %max3A_14, %get3A_17, %dot_general3A {dimension_numbers = #tpu.dot_dimension_numbers<[1], [0], [0], [1], [0, 0, 1, 1], [], []>, transpose_lhs_hint = false} : vector<10000x16xf32>, vector<16x1xf32>, vector<10000x1xf32> -> vector<10000x1xf32>
    %swap3A = arith.constant 0 : index
    %swap3A_19 = arith.constant 0 : index
    %swap3A_20 = vector.load %arg3[%swap3A, %swap3A_19] : memref<10000x1xf32, #tpu.memory_space<vmem>>, vector<10000x1xf32>
    tpu.vector_store %arg3[%swap3A, %swap3A_19], %dot_general3A_18 {strides = array<i32>} : memref<10000x1xf32, #tpu.memory_space<vmem>>, vector<10000x1xf32>,
    return
  }
}

module attributes {stable_mosaic.version = 14 : i64} {
  func.func @_final_body(%arg0: memref<2x10240xf32, #tpu.memory_space<vmem>>, %arg1: memref<1xf32, #tpu.memory_space<vmem>>, %arg2: memref<10000xf32, #tpu.memory_space<vmem>>) attributes {dimension_semantics = [], scalar_prefetch = 0 : i64, scratch_operands = 0 : i64, tpu.core_type = #tpu.core_type<tc>} {
    %get3A = arith.constant 0 : index
    %get3A_0 = arith.constant 0 : index
    %get3A_1 = vector.load %arg0[%get3A, %get3A_0] : memref<2x10240xf32, #tpu.memory_space<vmem>>, vector<1x10000xf32>
    %get3A_2 = vector.shape_cast %get3A_1 : vector<1x10000xf32> to vector<10000xf32>
    %get3A_3 = arith.constant 1 : index
    %get3A_4 = arith.constant 0 : index
    %get3A_5 = vector.load %arg0[%get3A_3, %get3A_4] : memref<2x10240xf32, #tpu.memory_space<vmem>>, vector<1x10000xf32>
    %get3A_6 = vector.shape_cast %get3A_5 : vector<1x10000xf32> to vector<10000xf32>
    %add3A = arith.addf %get3A_2, %get3A_6 : vector<10000xf32>
    %get3A_7 = arith.constant 0 : index
    %get3A_8 = vector.load %arg1[%get3A_7] : memref<1xf32, #tpu.memory_space<vmem>>, vector<1xf32>
    %add3A_9 = vector.broadcast %get3A_8 : vector<1xf32> to vector<10000xf32>
    %add3A_10 = arith.addf %add3A, %add3A_9 : vector<10000xf32>
    %neg3A = arith.constant 0.000000e+00 : f32
    %neg3A_11 = vector.broadcast %neg3A : f32 to vector<10000xf32>
    %neg3A_12 = arith.subf %neg3A_11, %add3A_10 : vector<10000xf32>
    %exp3A = math.exp %neg3A_12 : vector<10000xf32>
    %add3A_13 = arith.constant 1.000000e+00 : f32
    %add3A_14 = vector.broadcast %add3A_13 : f32 to vector<10000xf32>
    %add3A_15 = arith.addf %add3A_14, %exp3A : vector<10000xf32>
    %div3A = arith.constant 1.000000e+00 : f32
    %div3A_16 = vector.broadcast %div3A : f32 to vector<10000xf32>
    %div3A_17 = arith.divf %div3A_16, %add3A_15 : vector<10000xf32>
    %swap3A = arith.constant 0 : index
    %swap3A_18 = vector.load %arg2[%swap3A] : memref<10000xf32, #tpu.memory_space<vmem>>, vector<10000xf32>
    tpu.vector_store %arg2[%swap3A], %div3A_17 {strides = array<i32>} : memref<10000xf32, #tpu.memory_space<vmem>>, vector<10000xf32>,
    return
  }
}

</mosaic_0001>

<sc_bundles>
// kernel: kernel.10.cloned.1.call-start
scs
__scs_entry_jumppad:
0x0: {  	(pc) =	sbr.rel $0x88, $3  }
0x1: {  	(tag) =	ssettag $0x0;
	lr =	simm.s32 $0x1  }
0x2: {  	[smem:$0x3F9A] =	sst lr;
	_ =	strace $0xD0000000  }
0x3: {  	_ = 	snop  }
0x4: {  	_ = 	snop  }
0x5: {  	_ = 	snop  }
0x6: {  	_ = 	snop  }
0x7: {  	_ = 	snop  }
__scs_overlays_trampoline_lowered:
0x8: {  	[smem:$0x3FA9] =	sst s0  }
0x9: {  	[smem:$0x3FAA] =	sst s1  }
0xa: {  	[smem:$0x3FAB] =	sst s2  }
0xb: {  	[smem:$0x3FAC] =	sst s3  }
0xc: {  	[smem:$0x3FAD] =	sst s4  }
0xd: {  	[smem:$0x3FAE] =	sst s5  }
0xe: {  	[smem:$0x3FAF] =	sst s6  }
0xf: {  	[smem:$0x3FB0] =	sst s7  }
0x10: {  	[smem:$0x3FB1] =	sst s8  }
0x11: {  	[smem:$0x3FB2] =	sst s9;
	s0 =	simm.s32 @!p0 $0x0  }
0x12: {  	s1 =	sld [smem:$0x3F98];
	s0 =	simm.s32 @p0 $0x1  }
0x13: {  	[smem:$0x3FB3] =	sst s0;
	s0 =	simm.s32 @!p1 $0x0  }
0x14: {  	s2 =	sld [smem:$0x3F97];
	s0 =	simm.s32 @p1 $0x1  }
0x15: {  	[smem:$0x3FB4] =	sst s0;
	s0 =	simm.s32 @!p2 $0x0  }
0x16: {  	s3 =	sld [smem:$0x3FDB];
	s0 =	simm.s32 @p2 $0x1  }
0x17: {  	s4 =	simm.s32 $0x1BF5;
	[smem:$0x3FB6] =	sst s0  }
0x18: {  	s0 =	sld [smem:$0x3F99];
	_ =	swait.ge [sflag:s4], $0x0  }
0x19: {  	s7 =	sld [smem:$0x3F9A]  }
0x1a: {  	s8 =	sadd.s32 $0xFFFFE003, lr  }
0x1b: {  	s9 =	sadd.s32 $0xFFFFFEF7, lr;
	s5 =	simm.s32 $0xFFFFFFFF;
	p2 =	slt.u32 s8, $0xFFFFF086  }
0x1c: {  	p1 =	slt.u32 s9, $0xF7A;
	s5 =	simm.s32 @!p2 $0x0  }
0x1d: {  	s5 =	simm.s32 @p1 $0x1;
	p0 =	seq.s32 s7, s2  }
0x1e: {  	s7 =	smul.u32 @!p0 $0xF7A, s2;
	p2 =	seq.s32 @!p0 s5, $0x0  }
0x1f: {  	s9 =	smul.u32 $0xF7A, s1;
	s8 =	simm.s32 @!p0 $0x1BF5;
	p2 =	por !p2, p0  }
0x20: {  	[sflag:s8] =	ssyncset.s32 @!p0 $0xFFFFF086;
	s6 =	sadd.s32 @!p0 s3, s7;
	s7 =	simm.s32 @!p0 $0x108  }
0x21: {  	s3 =	sadd.s32 s3, s9;
	s6 =	sadd.s32 @!p0 $0x88, s6;
	s7 =	simm.s32 @p2 $0x1082  }
0x22: {  	[simem:s7], [sflag:s8] =	dma.local @!p0 [hbm:s6], $0xF7A  }
0x23: {  	s9 =	sor.u32 $0xD0000000, s2;
	s6 =	simm.s32 $0x108;
	_ =	swait.ge @!p0 [sflag:s8], $0x0  }
0x24: {  	s3 =	sadd.s32 $0x88, s3;
	s6 =	simm.s32 @!p1 $0x1082;
	[sflag:s4] =	ssyncset.s32 $0xFFFFF086  }
0x25: {  	[simem:s6], [sflag:s4] =	dma.local [hbm:s3], $0xF7A  }
0x26: {  	[smem:$0x3F9A] =	sst s1;
	(tag) =	ssettag s2;
	_ =	strace s9  }
0x27: {  	s1 =	sld [smem:$0x3FAA]  }
0x28: {  	s2 =	sld [smem:$0x3FAB]  }
0x29: {  	s4 =	sld [smem:$0x3FAD]  }
0x2a: {  	p0 =	seq.s32 s5, $0x0;
	s5 =	sld [smem:$0x3FAE]  }
0x2b: {  	s6 =	sld [smem:$0x3FAF]  }
0x2c: {  	s7 =	sld [smem:$0x3FB0]  }
0x2d: {  	s3 =	simm.s32 $0x108;
	s8 =	sld [smem:$0x3FB1]  }
0x2e: {  	s3 =	simm.s32 @!p0 $0x1082;
	s9 =	sld [smem:$0x3FB2]  }
0x2f: {  	lr =	sadd.s32 s0, s3;
	s0 =	sld [smem:$0x3FA9]  }
0x30: {  	s3 =	sld [smem:$0x3FAC]  }
0x31: {  	[smem:$0x3FB5] =	sst s10  }
0x32: {  	s10 =	sld [smem:$0x3FB3];
	_ =	sdelay $0x3  }
0x33: {  	p0 =	seq.s32 s10, $0x1;
	s10 =	sld [smem:$0x3FB5];
	_ =	sdelay $0x3  }
0x34: {  	[smem:$0x3FB5] =	sst s10  }
0x35: {  	s10 =	sld [smem:$0x3FB4];
	_ =	sdelay $0x3  }
0x36: {  	p1 =	seq.s32 s10, $0x1;
	s10 =	sld [smem:$0x3FB5];
	_ =	sdelay $0x3  }
0x37: {  	[smem:$0x3FB5] =	sst s10  }
0x38: {  	s10 =	sld [smem:$0x3FB6]  }
0x39: {  	_ = 	snop;
	(pc) =	sbr.ind lr, $3  }
0x3a: {  	_ = 	snop  }
0x3b: {  	_ = 	snop  }
0x3c: {  	p2 =	seq.s32 s10, $0x1;
	s10 =	sld [smem:$0x3FB5]  }
0x3d: {  	_ =	shalt  }
0x3e: {  	_ =	shalt  }
0x3f: {  	_ =	shalt  }
0x40: {  	_ =	shalt  }
0x41: {  	_ =	shalt  }
0x42: {  	_ =	shalt  }
0x43: {  	_ =	shalt  }
0x44: {  	_ =	shalt  }
0x45: {  	_ =	shalt  }
0x46: {  	_ =	shalt  }
0x47: {  	_ =	shalt  }
0x48: {  	_ =	shalt  }
0x49: {  	_ =	shalt  }
0x4a: {  	_ =	shalt  }
0x4b: {  	_ =	shalt  }
0x4c: {  	_ =	shalt  }
0x4d: {  	_ =	shalt  }
0x4e: {  	_ =	shalt  }
0x4f: {  	_ =	shalt  }
0x50: {  	_ =	shalt  }
0x51: {  	_ =	shalt  }
0x52: {  	_ =	shalt  }
0x53: {  	_ =	shalt  }
0x54: {  	_ =	shalt  }
0x55: {  	_ =	shalt  }
0x56: {  	_ =	shalt  }
0x57: {  	_ =	shalt  }
0x58: {  	_ =	shalt  }
0x59: {  	_ =	shalt  }
0x5a: {  	_ =	shalt  }
0x5b: {  	_ =	shalt  }
0x5c: {  	_ =	shalt  }
0x5d: {  	_ =	shalt  }
0x5e: {  	_ =	shalt  }
0x5f: {  	_ =	shalt  }
0x60: {  	_ =	shalt  }
0x61: {  	_ =	shalt  }
0x62: {  	_ =	shalt  }
0x63: {  	_ =	shalt  }
0x64: {  	_ =	shalt  }
0x65: {  	_ =	shalt  }
0x66: {  	_ =	shalt  }
0x67: {  	_ =	shalt  }
0x68: {  	_ =	shalt  }
0x69: {  	_ =	shalt  }
0x6a: {  	_ =	shalt  }
0x6b: {  	_ =	shalt  }
0x6c: {  	_ =	shalt  }
0x6d: {  	_ =	shalt  }
0x6e: {  	_ =	shalt  }
0x6f: {  	_ =	shalt  }
0x70: {  	_ =	shalt  }
0x71: {  	_ =	shalt  }
0x72: {  	_ =	shalt  }
0x73: {  	_ =	shalt  }
0x74: {  	_ =	shalt  }
0x75: {  	_ =	shalt  }
0x76: {  	_ =	shalt  }
0x77: {  	_ =	shalt  }
0x78: {  	_ =	shalt  }
0x79: {  	_ =	shalt  }
0x7a: {  	_ =	shalt  }
0x7b: {  	_ =	shalt  }
0x7c: {  	_ =	shalt  }
0x7d: {  	_ =	shalt  }
0x7e: {  	_ =	shalt  }
0x7f: {  	_ =	shalt  }
0x80: {  	_ =	shalt  }
0x81: {  	_ =	shalt  }
0x82: {  	_ =	shalt  }
0x83: {  	_ =	shalt  }
0x84: {  	_ =	shalt  }
0x85: {  	_ =	shalt  }
0x86: {  	_ =	shalt  }
0x87: {  	_ =	shalt  }
.Lfunc_end0:
.L_simem_size_0:
called_computation.1_lowered:
.L_overlay_start_0:
0x88: {  	s2 =	sld [smem:$0x3FD9]  }
0x89: {  	s3 =	sld [smem:$0x3FFE];
	_ =	sdelay $0x1  }
0x8a: {  	s1 =	srdreg.scid  }
0x8b: {  	s0 =	sand.u32 $0x1, s1  }
0x8c: {  	s16 =	sshll.u32 s0, $0xA;
	s2 =	sadd.s32 s3, s2  }
0x8d: {  	s2 =	sadd.s32 s2, s16  }
0x8e: {  	[smem:$0x3FC1] =	sst s2  }
0x8f: {  	_ = 	snop  }
0x90: {  	(tm) =	ssettm $0x1  }
0x91: {  	s17 =	sld [smem:$0x3FFB];
	_ =	sdelay $0x3  }
0x92: {  	_ =	strace s17  }
0x93: {  	s2 =	sld [smem:$0x3FFC];
	_ =	sdelay $0x3  }
0x94: {  	_ =	strace s2  }
0x95: {  	s2 =	sld [smem:$0x3FFD];
	_ =	sdelay $0x3  }
0x96: {  	_ =	strace s2  }
0x97: {  	_ =	strace $0x8FFFFFFF  }
0x98: {  	s18 =	sld [smem:$0x3FDB];
	_ =	sdelay $0x1  }
0x99: {  	s19 =	simm.s32 $_scs_section_size  }
0x9a: {  	s4 =	simm.s32 $_size__tile_overlayer_lowered;
	s5 =	simm.s32 $_tile_overlayer_lowered  }
0x9b: {  	s22 =	simm.s32 $0x1BFF;
	s21 =	sshll.u32 s5, $0x1;
	s2 =	sadd.s32 s19, s18  }
0x9c: {  	s6 =	simm.s32 $0x0;
	s20 =	sshll.u32 s4, $0x1;
	s4 =	sadd.s32 s21, s2  }
0x9d: {  	[timem:s6], [sflag:s22] =	dma.local [hbm:s4], s20  }
0x9e: {  	_ =	swait.ge [sflag:s22], s20  }
0x9f: {  	s3 =	ssub.s32 $0x0, s20;
	[sflag:s22] =	ssyncset.done $0x0  }
0xa0: {  	[sflag:s22] =	ssyncadd.s32 s3;
	_ =	sdelay $0x1  }
0xa1: {  	s23 =	simm.s32 $0x1B8B  }
0xa2: {  	_ =	swait.ge [sflag:s23], $0x1  }
0xa3: {  	[sflag:s23] =	ssyncset.done $0x0  }
0xa4: {  	s25 =	simm.s32 $0x1B8E;
	s24 =	sld [smem:$0x3FFE];
	[sflag:s23] =	ssyncadd.s32 $0xFFFFFFFF  }
0xa5: {  	s26 =	simm.s32 $execute0_lowered;
	[smem:$0x3FD2] =	sst s25  }
0xa6: {  	s4 =	sshll.u32 s26, $0x1;
	_ =	strace $0x80000049;
	[dreg:$0x1] =	wrdreg $0xFFFFFFFF  }
0xa7: {  	s28 =	simm.s32 $_size_execute0_lowered;
	s2 =	sadd.s32 s2, s4;
	[dreg:$0x0] =	wrdreg $0x0  }
0xa8: {  	s4 =	sshll.u32 s28, $0x1;
	[dreg:$0x2] =	wrdreg s2  }
0xa9: {  	[dreg:$0x3] =	wrdreg s4  }
0xaa: {  	[dreg:$0x4] =	wrdreg $0xC0  }
0xab: {  	_ =	task [dreg:s6], $0x5FFFF  }
0xac: {  	[dreg:$0x1] =	wrdreg $0xFFFFFFFF  }
0xad: {  	[dreg:$0x0] =	wrdreg $0x60  }
0xae: {  	[dreg:$0x2] =	wrdreg s24  }
0xaf: {  	[dreg:$0x3] =	wrdreg $0xA2900  }
0xb0: {  	[dreg:$0x4] =	wrdreg $0x9  }
0xb1: {  	_ =	task.clear_ibuf [dreg:s6], $0x5FFFF;
	_ =	strace $0x90000049  }
0xb2: {  	s29 =	simm.s32 $0x9;
	_ =	strace $0x8000004B  }
0xb3: {  	_ =	swait.ge [sflag:s29], $0x1  }
0xb4: {  	[sflag:s29] =	ssyncadd.s32 $0xFFFFFFFF  }
0xb5: {  	_ =	strace $0x9000004B  }
0xb6: {  	_ =	sfence  }
0xb7: {  	s30 =	sld [smem:$0x0];
	_ =	sdelay $0x2  }
0xb8: {  	s31 =	sshll.u32 s1, $0xD;
	s1 =	sshrl.u32 s1, $0x2  }
0xb9: {  	s3 =	sand.u32 $0x4000, s31;
	s1 =	sadd.s32 s1, s30  }
0xba: {  	s0 =	sor.u32 s3, s0;
	s1 =	sshll.u32 s1, $0x11  }
0xbb: {  	s0 =	sor.u32 s1, s0  }
0xbc: {  	s0 =	sadd.s32 $0x8F2B, s0  }
0xbd: {  	[sflag:s0] =	ssyncadd.remote.s32 $0x1  }
0xbe: {  	_ =	sfence.sel $0xFFFF  }
0xbf: {  	[dreg:$0x0] =	wrdreg $0xFFFFFFFF;
	(pc) =	sbr.abs _section_cstart, $3  }
0xc0: {  	[dreg:$0x1] =	wrdreg $0xFFFFFFFF  }
0xc1: {  	_ =	task.clear_ibuf [dreg:s6], $0x2FFFF;
	_ =	strace $0x9FFFFFFF  }
0xc2: {  	(tm) =	ssettm $0x7FFFFFFF  }
0xc3: {  	_ =	shalt  }
tec
execute0_lowered:
.L_overlay_start_1:
0x0: {  	(tag) =	ssettag $0x1  }
0x1: {  	s5 =	rddreg [dreg:$0x0]  }
0x2: {  	s2 =	rddreg [dreg:$0x1];
	s3 =	srdreg.scid  }
0x3: {  	s1 =	stileid.u32;
	s0 =	rddreg [dreg:$0x2];
	s12 =	simm.s32 $0x2710  }
0x4: {  	s13 =	simm.s32 $0x4F10;
	s14 =	simm.s32 $0x7710;
	s15 =	simm.s32 $0xA010  }
0x5: {  	s16 =	simm.s32 $0x80;
	s17 =	simm.s32 $0x9F10;
	s18 =	simm.s32 $0x9F90  }
0x6: {  	s19 =	simm.s32 $0x1;
	s20 =	simm.s32 $0x2;
	s21 =	simm.s32 $0x0  }
0x7: {  	s6 =	sand.u32 $0x1, s3;
	s8 =	smul.u32 $0x280, s1;
	s3 =	simm.s32 $0x0  }
0x8: {  	s4 =	sshll.u32 s1, $0x1;
	s7 =	smul.u32 $0x2800, s6;
	[smem:$0x7FF] =	sst s3  }
0x9: {  	s4 =	sor.u32 s6, s4;
	s6 =	ssub.s32 $0x2, s6;
	_ =	strace $0x8000004A  }
0xa: {  	s9 =	smul.u32 $0x500, s4;
	s31 =	sshrl.u32 s6, $0x1;
	s7 =	sadd.s32 s8, s7  }
0xb: {  	s4 =	sadd.s32 $0x400, s5;
	s11 =	ssub.s32 s6, s31;
	s7 =	sshrl.u32 s7, $0x3  }
0xc: {  	s8 =	sadd.s32 s8, s2;
	s9 =	sadd.s32 s9, s5;
	s10 =	sadd.s32 s7, s5  }
0xd: {  	s5 =	sadd.s32 $0x19400, s9;
	s6 =	sadd.s32 $0xF400, s9;
	s7 =	sadd.s32 $0x5400, s9  }
0xe: {  	v0 =	vimm.f32 $0.0e+00;
	s9 =	sadd.s32 $0xA00, s10;
	s10 =	smax.u32 s11, $0x1;
	s11 =	simm.s32 $0x3  }
.LBB2_1:
0xf: {  	[tilespmem:s3], [sflag:$0x3] =	stream.linear.gather [hbm4b:s4+s3], $0x2710, $0x38;
	[tilespmem:$0xA510] =	vst v63  }
0x10: {  	_ =	swait.ge [sflag:s11], $0x2710  }
0x11: {  	[sflag:s11] =	ssyncset.done $0x0  }
0x12: {  	[sflag:s11] =	ssyncadd.s32 $0xFFFFD8F0  }
0x13: {  	[tilespmem:s12], [sflag:$0x3] =	stream.linear.gather [hbm4b:s5+s3], $0x2800, $0x38;
	[tilespmem:$0xA510] =	vst v63  }
0x14: {  	_ =	swait.ge [sflag:s11], $0x2800  }
0x15: {  	[sflag:s11] =	ssyncset.done $0x0  }
0x16: {  	[sflag:s11] =	ssyncadd.s32 $0xFFFFD800  }
0x17: {  	[tilespmem:s13], [sflag:$0x3] =	stream.linear.gather [hbm4b:s6+s3], $0x2800, $0x38;
	[tilespmem:$0xA510] =	vst v63  }
0x18: {  	_ =	swait.ge [sflag:s11], $0x2800  }
0x19: {  	[sflag:s11] =	ssyncset.done $0x0  }
0x1a: {  	[sflag:s11] =	ssyncadd.s32 $0xFFFFD800  }
0x1b: {  	[tilespmem:s14], [sflag:$0x3] =	stream.linear.gather [hbm4b:s7+s3], $0x2800, $0x38;
	[tilespmem:$0xA510] =	vst v63  }
0x1c: {  	_ =	swait.ge [sflag:s11], $0x2800  }
0x1d: {  	[sflag:s11] =	ssyncset.done $0x0  }
0x1e: {  	[sflag:s11] =	ssyncadd.s32 $0xFFFFD800  }
0x1f: {  	[tilespmem:$0xA010] =	vst v0  }
0x20: {  	[tilespmem:$0xA020] =	vst v0  }
0x21: {  	[tilespmem:$0xA030] =	vst v0  }
0x22: {  	[tilespmem:$0xA040] =	vst v0  }
0x23: {  	[tilespmem:$0xA050] =	vst v0  }
0x24: {  	[tilespmem:$0xA060] =	vst v0  }
0x25: {  	[tilespmem:$0xA070] =	vst v0  }
0x26: {  	[tilespmem:$0xA080] =	vst v0  }
0x27: {  	[tilespmem:$0xA090] =	vst v0  }
0x28: {  	[tilespmem:$0xA0A0] =	vst v0  }
0x29: {  	[tilespmem:$0xA0B0] =	vst v0  }
0x2a: {  	[tilespmem:$0xA0C0] =	vst v0  }
0x2b: {  	[tilespmem:$0xA0D0] =	vst v0  }
0x2c: {  	[tilespmem:$0xA0E0] =	vst v0  }
0x2d: {  	[tilespmem:$0xA0F0] =	vst v0  }
0x2e: {  	[tilespmem:$0xA100] =	vst v0  }
0x2f: {  	[tilespmem:$0xA110] =	vst v0  }
0x30: {  	[tilespmem:$0xA120] =	vst v0  }
0x31: {  	[tilespmem:$0xA130] =	vst v0  }
0x32: {  	[tilespmem:$0xA140] =	vst v0  }
0x33: {  	[tilespmem:$0xA150] =	vst v0  }
0x34: {  	[tilespmem:$0xA160] =	vst v0  }
0x35: {  	[tilespmem:$0xA170] =	vst v0  }
0x36: {  	[tilespmem:$0xA180] =	vst v0  }
0x37: {  	[tilespmem:$0xA190] =	vst v0  }
0x38: {  	[tilespmem:$0xA1A0] =	vst v0  }
0x39: {  	[tilespmem:$0xA1B0] =	vst v0  }
0x3a: {  	[tilespmem:$0xA1C0] =	vst v0  }
0x3b: {  	[tilespmem:$0xA1D0] =	vst v0  }
0x3c: {  	[tilespmem:$0xA1E0] =	vst v0  }
0x3d: {  	[tilespmem:$0xA1F0] =	vst v0  }
0x3e: {  	[tilespmem:$0xA200] =	vst v0  }
0x3f: {  	[tilespmem:$0xA210] =	vst v0  }
0x40: {  	[tilespmem:$0xA220] =	vst v0  }
0x41: {  	[tilespmem:$0xA230] =	vst v0  }
0x42: {  	[tilespmem:$0xA240] =	vst v0  }
0x43: {  	[tilespmem:$0xA250] =	vst v0  }
0x44: {  	[tilespmem:$0xA260] =	vst v0  }
0x45: {  	[tilespmem:$0xA270] =	vst v0  }
0x46: {  	[tilespmem:$0xA280] =	vst v0  }
0x47: {  	[spmem:s8] =	stream.linear.scatter [tilespmem:s15], [sflag:$0x3], $0x280, $0x38;
	[tilespmem:$0xA510] =	vst v63  }
0x48: {  	_ =	swait.ge [sflag:s11], $0x280  }
0x49: {  	[sflag:s11] =	ssyncset.done $0x0  }
0x4a: {  	[sflag:s11] =	ssyncadd.s32 $0xFFFFFD80  }
0x4b: {  	s22 =	simm.s32 $0x0;
	[bflag:$0x0] =	sbarrier.arrive $0xFFFF  }
.LBB2_2:
0x4c: {  	s23 =	sshra.s32 s22, $0x2  }
0x4d: {  	v1 =	vld [tilespmem:s23+$0x2710];
	_ =	sdelay $0x6  }
0x4e: {  	v2 =	vld [tilespmem:s23+$0x7710]  }
0x4f: {  	v1 =	vld.idx.msk [tilespmem:v1+s3+$0x0], $0xffff;
	_ =	sdelay $0x4  }
0x50: {  	v1 =	vmul.f32 v1, v2;
	_ =	sdelay $0x1  }
0x51: {  	[tilespmem:$0x9F10] =	vst v1  }
0x52: {  	v1 =	vld [tilespmem:s23+$0x2720];
	_ =	sdelay $0x6  }
0x53: {  	v2 =	vld [tilespmem:s23+$0x7720]  }
0x54: {  	v1 =	vld.idx.msk [tilespmem:v1+s3+$0x0], $0xffff;
	_ =	sdelay $0x4  }
0x55: {  	v1 =	vmul.f32 v1, v2;
	_ =	sdelay $0x1  }
0x56: {  	[tilespmem:$0x9F20] =	vst v1  }
0x57: {  	v1 =	vld [tilespmem:s23+$0x2730];
	_ =	sdelay $0x6  }
0x58: {  	v2 =	vld [tilespmem:s23+$0x7730]  }
0x59: {  	v1 =	vld.idx.msk [tilespmem:v1+s3+$0x0], $0xffff;
	_ =	sdelay $0x4  }
0x5a: {  	v1 =	vmul.f32 v1, v2;
	_ =	sdelay $0x1  }
0x5b: {  	[tilespmem:$0x9F30] =	vst v1  }
0x5c: {  	v1 =	vld [tilespmem:s23+$0x2740];
	_ =	sdelay $0x6  }
0x5d: {  	v2 =	vld [tilespmem:s23+$0x7740]  }
0x5e: {  	v1 =	vld.idx.msk [tilespmem:v1+s3+$0x0], $0xffff;
	_ =	sdelay $0x4  }
0x5f: {  	v1 =	vmul.f32 v1, v2;
	_ =	sdelay $0x1  }
0x60: {  	[tilespmem:$0x9F40] =	vst v1  }
0x61: {  	v1 =	vld [tilespmem:s23+$0x2750];
	_ =	sdelay $0x6  }
0x62: {  	v2 =	vld [tilespmem:s23+$0x7750]  }
0x63: {  	v1 =	vld.idx.msk [tilespmem:v1+s3+$0x0], $0xffff;
	_ =	sdelay $0x4  }
0x64: {  	v1 =	vmul.f32 v1, v2;
	_ =	sdelay $0x1  }
0x65: {  	[tilespmem:$0x9F50] =	vst v1  }
0x66: {  	v1 =	vld [tilespmem:s23+$0x2760];
	_ =	sdelay $0x6  }
0x67: {  	v2 =	vld [tilespmem:s23+$0x7760]  }
0x68: {  	v1 =	vld.idx.msk [tilespmem:v1+s3+$0x0], $0xffff;
	_ =	sdelay $0x4  }
0x69: {  	v1 =	vmul.f32 v1, v2;
	_ =	sdelay $0x1  }
0x6a: {  	[tilespmem:$0x9F60] =	vst v1  }
0x6b: {  	v1 =	vld [tilespmem:s23+$0x2770];
	_ =	sdelay $0x6  }
0x6c: {  	v2 =	vld [tilespmem:s23+$0x7770]  }
0x6d: {  	v1 =	vld.idx.msk [tilespmem:v1+s3+$0x0], $0xffff;
	_ =	sdelay $0x4  }
0x6e: {  	v1 =	vmul.f32 v1, v2;
	_ =	sdelay $0x1  }
0x6f: {  	[tilespmem:$0x9F70] =	vst v1  }
0x70: {  	v1 =	vld [tilespmem:s23+$0x2780];
	_ =	sdelay $0x6  }
0x71: {  	v2 =	vld [tilespmem:s23+$0x7780]  }
0x72: {  	v1 =	vld.idx.msk [tilespmem:v1+s3+$0x0], $0xffff;
	_ =	sdelay $0x4  }
0x73: {  	v1 =	vmul.f32 v1, v2  }
0x74: {  	p0 =	seq.s32 s22, $0x0  }
0x75: {  	s24 =	simm.s32 @!p0 $0x1;
	[tilespmem:$0x9F80] =	vst v1  }
0x76: {  	_ =	swait.ge @!p0 [sflag:s24], $0x80  }
0x77: {  	[sflag:s24] =	ssyncset.done @!p0 $0x0  }
0x78: {  	s31 =	sadd.s32 $0x4F10, s23;
	[sflag:s24] =	ssyncadd.s32 @!p0 $0xFFFFFF80  }
0x79: {  	[spmem:s2] =	stream.indirect.scatter.add.f32 [tilespmem:s17], [sflag:$0x1], $0x1, s31, s16, $0xb8;
	[tilespmem:$0xA510] =	vst v63  }
0x7a: {  	v1 =	vld [tilespmem:s23+$0x2790];
	_ =	sdelay $0x6  }
0x7b: {  	v2 =	vld [tilespmem:s23+$0x7790]  }
0x7c: {  	v1 =	vld.idx.msk [tilespmem:v1+s3+$0x0], $0xffff;
	_ =	sdelay $0x4  }
0x7d: {  	v1 =	vmul.f32 v1, v2;
	_ =	sdelay $0x1  }
0x7e: {  	[tilespmem:$0x9F90] =	vst v1  }
0x7f: {  	v1 =	vld [tilespmem:s23+$0x27A0];
	_ =	sdelay $0x6  }
0x80: {  	v2 =	vld [tilespmem:s23+$0x77A0]  }
0x81: {  	v1 =	vld.idx.msk [tilespmem:v1+s3+$0x0], $0xffff;
	_ =	sdelay $0x4  }
0x82: {  	v1 =	vmul.f32 v1, v2;
	_ =	sdelay $0x1  }
0x83: {  	[tilespmem:$0x9FA0] =	vst v1  }
0x84: {  	v1 =	vld [tilespmem:s23+$0x27B0];
	_ =	sdelay $0x6  }
0x85: {  	v2 =	vld [tilespmem:s23+$0x77B0]  }
0x86: {  	v1 =	vld.idx.msk [tilespmem:v1+s3+$0x0], $0xffff;
	_ =	sdelay $0x4  }
0x87: {  	v1 =	vmul.f32 v1, v2;
	_ =	sdelay $0x1  }
0x88: {  	[tilespmem:$0x9FB0] =	vst v1  }
0x89: {  	v1 =	vld [tilespmem:s23+$0x27C0];
	_ =	sdelay $0x6  }
0x8a: {  	v2 =	vld [tilespmem:s23+$0x77C0]  }
0x8b: {  	v1 =	vld.idx.msk [tilespmem:v1+s3+$0x0], $0xffff;
	_ =	sdelay $0x4  }
0x8c: {  	v1 =	vmul.f32 v1, v2;
	_ =	sdelay $0x1  }
0x8d: {  	[tilespmem:$0x9FC0] =	vst v1  }
0x8e: {  	v1 =	vld [tilespmem:s23+$0x27D0];
	_ =	sdelay $0x6  }
0x8f: {  	v2 =	vld [tilespmem:s23+$0x77D0]  }
0x90: {  	v1 =	vld.idx.msk [tilespmem:v1+s3+$0x0], $0xffff;
	_ =	sdelay $0x4  }
0x91: {  	v1 =	vmul.f32 v1, v2;
	_ =	sdelay $0x1  }
0x92: {  	[tilespmem:$0x9FD0] =	vst v1  }
0x93: {  	v1 =	vld [tilespmem:s23+$0x27E0];
	_ =	sdelay $0x6  }
0x94: {  	v2 =	vld [tilespmem:s23+$0x77E0]  }
0x95: {  	v1 =	vld.idx.msk [tilespmem:v1+s3+$0x0], $0xffff;
	_ =	sdelay $0x4  }
0x96: {  	v1 =	vmul.f32 v1, v2;
	_ =	sdelay $0x1  }
0x97: {  	[tilespmem:$0x9FE0] =	vst v1  }
0x98: {  	v1 =	vld [tilespmem:s23+$0x27F0];
	_ =	sdelay $0x6  }
0x99: {  	v2 =	vld [tilespmem:s23+$0x77F0]  }
0x9a: {  	v1 =	vld.idx.msk [tilespmem:v1+s3+$0x0], $0xffff;
	_ =	sdelay $0x4  }
0x9b: {  	v1 =	vmul.f32 v1, v2;
	_ =	sdelay $0x1  }
0x9c: {  	[tilespmem:$0x9FF0] =	vst v1  }
0x9d: {  	v1 =	vld [tilespmem:s23+$0x2800];
	_ =	sdelay $0x6  }
0x9e: {  	v2 =	vld [tilespmem:s23+$0x7800]  }
0x9f: {  	v1 =	vld.idx.msk [tilespmem:v1+s3+$0x0], $0xffff;
	_ =	sdelay $0x4  }
0xa0: {  	v1 =	vmul.f32 v1, v2;
	_ =	sdelay $0x1  }
0xa1: {  	s24 =	simm.s32 @!p0 $0x2;
	[tilespmem:$0xA000] =	vst v1  }
0xa2: {  	_ =	swait.ge @!p0 [sflag:s24], $0x80  }
0xa3: {  	s22 =	sadd.s32 $0x400, s22;
	[sflag:s24] =	ssyncset.done @!p0 $0x0  }
0xa4: {  	[sflag:s24] =	ssyncadd.s32 @!p0 $0xFFFFFF80;
	p0 =	sne.s32 s22, $0xA000  }
.Ltmp0:
0xa5: {  	_ = 	snop;
	(pc) =	sbr.rel @p0 .LBB2_2-.Ltmp0, $3  }
0xa6: {  	_ =	sdelay $0x1  }
0xa7: {  	s23 =	sadd.s32 $0x4F90, s23  }
0xa8: {  	[spmem:s2] =	stream.indirect.scatter.add.f32 [tilespmem:s18], [sflag:$0x2], $0x1, s23, s16, $0xb8;
	[tilespmem:$0xA510] =	vst v63  }
0xa9: {  	_ =	swait.ge [sflag:s19], $0x80  }
0xaa: {  	[sflag:s19] =	ssyncset.done $0x0  }
0xab: {  	[sflag:s19] =	ssyncadd.s32 $0xFFFFFF80  }
0xac: {  	_ =	swait.ge [sflag:s20], $0x80  }
0xad: {  	[sflag:s20] =	ssyncset.done $0x0  }
0xae: {  	[sflag:s20] =	ssyncadd.s32 $0xFFFFFF80  }
0xaf: {  	[bflag:$0x0] =	sbarrier.arrive $0xFFFF  }
0xb0: {  	[tilespmem:s15], [sflag:$0x3] =	stream.linear.gather [spmem:s8], $0x280, $0x38;
	[tilespmem:$0xA510] =	vst v63  }
0xb1: {  	s21 =	sadd.s32 $0x1, s21;
	_ =	swait.ge [sflag:s11], $0x280  }
0xb2: {  	p0 =	sne.s32 s21, s10;
	[sflag:s11] =	ssyncset.done $0x0  }
.Ltmp1:
0xb3: {  	[sflag:s11] =	ssyncadd.s32 $0xFFFFFD80;
	(pc) =	sbr.rel @p0 .LBB2_1-.Ltmp1, $4  }
0xb4: {  	[hbm4b:s9+s3] =	stream.linear.scatter [tilespmem:s15], [sflag:$0x3], $0x280, $0x38;
	[tilespmem:$0xA510] =	vst v63  }
0xb5: {  	_ =	swait.ge [sflag:s11], $0x280  }
0xb6: {  	[sflag:s11] =	ssyncset.done $0x0  }
0xb7: {  	[sflag:s11] =	ssyncadd.s32 $0xFFFFFD80  }
0xb8: {  	_ =	sfence.sel $0x180000  }
0xb9: {  	[bflag:$0x0] =	sbarrier.arrive $0xFFFF  }
0xba: {  	p0 =	sne.s32 s1, $0x0;
	_ =	strace $0x9000004A  }
0xbb: {  	s0 =	sadd.s32 @!p0 $0x100000, s0;
	[bflag:$0x2] =	sbarrier.arrive $0xFFFF  }
0xbc: {  	[sflag:s0] =	ssyncadd.tile.s32 @!p0 $0x1;
	_ =	shalt  }
.Lfunc_end2:
_tile_overlayer_lowered:
.L_overlay_start_2:
0xbd: {  	(tag) =	ssettag $0x2  }
0xbe: {  	s0 =	rddreg [dreg:$0x0];
	s2 =	stileid.u32  }
0xbf: {  	s1 =	rddreg [dreg:$0x1];
	p0 =	sne.s32 s2, $0x0  }
0xc0: {  	s3 =	rddreg [dreg:$0x2];
	[bflag:$0x3] =	sbarrier.arrive $0xFFFF;
	s2 =	simm.s32 @!p0 $0x1C03  }
0xc1: {  	[timem:s3], [sflag:s2] =	dma.local @!p0 [hbm:s0], s1  }
0xc2: {  	s0 =	simm.s32 @!p0 $0x3  }
0xc3: {  	_ =	swait.ge @!p0 [sflag:s0], s1  }
0xc4: {  	s1 =	ssub.s32 @!p0 $0x0, s1;
	[sflag:s0] =	ssyncset.done @!p0 $0x0  }
0xc5: {  	[sflag:s0] =	ssyncadd.s32 @!p0 s1  }
0xc6: {  	[bflag:$0x3] =	sbarrier.arrive $0xFFFF  }
0xc7: {  	_ =	shalt  }

// kernel: kernel.7.cloned.1.call-start
scs
__scs_entry_jumppad:
0x0: {  	(pc) =	sbr.rel $0x88, $3  }
0x1: {  	(tag) =	ssettag $0x0;
	lr =	simm.s32 $0x1  }
0x2: {  	[smem:$0x3F9A] =	sst lr;
	_ =	strace $0xD0000000  }
0x3: {  	_ = 	snop  }
0x4: {  	_ = 	snop  }
0x5: {  	_ = 	snop  }
0x6: {  	_ = 	snop  }
0x7: {  	_ = 	snop  }
__scs_overlays_trampoline_lowered:
0x8: {  	[smem:$0x3FA9] =	sst s0  }
0x9: {  	[smem:$0x3FAA] =	sst s1  }
0xa: {  	[smem:$0x3FAB] =	sst s2  }
0xb: {  	[smem:$0x3FAC] =	sst s3  }
0xc: {  	[smem:$0x3FAD] =	sst s4  }
0xd: {  	[smem:$0x3FAE] =	sst s5  }
0xe: {  	[smem:$0x3FAF] =	sst s6  }
0xf: {  	[smem:$0x3FB0] =	sst s7  }
0x10: {  	[smem:$0x3FB1] =	sst s8  }
0x11: {  	[smem:$0x3FB2] =	sst s9;
	s0 =	simm.s32 @!p0 $0x0  }
0x12: {  	s1 =	sld [smem:$0x3F98];
	s0 =	simm.s32 @p0 $0x1  }
0x13: {  	[smem:$0x3FB3] =	sst s0;
	s0 =	simm.s32 @!p1 $0x0  }
0x14: {  	s2 =	sld [smem:$0x3F97];
	s0 =	simm.s32 @p1 $0x1  }
0x15: {  	[smem:$0x3FB4] =	sst s0;
	s0 =	simm.s32 @!p2 $0x0  }
0x16: {  	s3 =	sld [smem:$0x3FDB];
	s0 =	simm.s32 @p2 $0x1  }
0x17: {  	s4 =	simm.s32 $0x1BF5;
	[smem:$0x3FB6] =	sst s0  }
0x18: {  	s0 =	sld [smem:$0x3F99];
	_ =	swait.ge [sflag:s4], $0x0  }
0x19: {  	s7 =	sld [smem:$0x3F9A]  }
0x1a: {  	s8 =	sadd.s32 $0xFFFFE003, lr  }
0x1b: {  	s9 =	sadd.s32 $0xFFFFFEF7, lr;
	s5 =	simm.s32 $0xFFFFFFFF;
	p2 =	slt.u32 s8, $0xFFFFF086  }
0x1c: {  	p1 =	slt.u32 s9, $0xF7A;
	s5 =	simm.s32 @!p2 $0x0  }
0x1d: {  	s5 =	simm.s32 @p1 $0x1;
	p0 =	seq.s32 s7, s2  }
0x1e: {  	s7 =	smul.u32 @!p0 $0xF7A, s2;
	p2 =	seq.s32 @!p0 s5, $0x0  }
0x1f: {  	s9 =	smul.u32 $0xF7A, s1;
	s8 =	simm.s32 @!p0 $0x1BF5;
	p2 =	por !p2, p0  }
0x20: {  	[sflag:s8] =	ssyncset.s32 @!p0 $0xFFFFF086;
	s6 =	sadd.s32 @!p0 s3, s7;
	s7 =	simm.s32 @!p0 $0x108  }
0x21: {  	s3 =	sadd.s32 s3, s9;
	s6 =	sadd.s32 @!p0 $0x88, s6;
	s7 =	simm.s32 @p2 $0x1082  }
0x22: {  	[simem:s7], [sflag:s8] =	dma.local @!p0 [hbm:s6], $0xF7A  }
0x23: {  	s9 =	sor.u32 $0xD0000000, s2;
	s6 =	simm.s32 $0x108;
	_ =	swait.ge @!p0 [sflag:s8], $0x0  }
0x24: {  	s3 =	sadd.s32 $0x88, s3;
	s6 =	simm.s32 @!p1 $0x1082;
	[sflag:s4] =	ssyncset.s32 $0xFFFFF086  }
0x25: {  	[simem:s6], [sflag:s4] =	dma.local [hbm:s3], $0xF7A  }
0x26: {  	[smem:$0x3F9A] =	sst s1;
	(tag) =	ssettag s2;
	_ =	strace s9  }
0x27: {  	s1 =	sld [smem:$0x3FAA]  }
0x28: {  	s2 =	sld [smem:$0x3FAB]  }
0x29: {  	s4 =	sld [smem:$0x3FAD]  }
0x2a: {  	p0 =	seq.s32 s5, $0x0;
	s5 =	sld [smem:$0x3FAE]  }
0x2b: {  	s6 =	sld [smem:$0x3FAF]  }
0x2c: {  	s7 =	sld [smem:$0x3FB0]  }
0x2d: {  	s3 =	simm.s32 $0x108;
	s8 =	sld [smem:$0x3FB1]  }
0x2e: {  	s3 =	simm.s32 @!p0 $0x1082;
	s9 =	sld [smem:$0x3FB2]  }
0x2f: {  	lr =	sadd.s32 s0, s3;
	s0 =	sld [smem:$0x3FA9]  }
0x30: {  	s3 =	sld [smem:$0x3FAC]  }
0x31: {  	[smem:$0x3FB5] =	sst s10  }
0x32: {  	s10 =	sld [smem:$0x3FB3];
	_ =	sdelay $0x3  }
0x33: {  	p0 =	seq.s32 s10, $0x1;
	s10 =	sld [smem:$0x3FB5];
	_ =	sdelay $0x3  }
0x34: {  	[smem:$0x3FB5] =	sst s10  }
0x35: {  	s10 =	sld [smem:$0x3FB4];
	_ =	sdelay $0x3  }
0x36: {  	p1 =	seq.s32 s10, $0x1;
	s10 =	sld [smem:$0x3FB5];
	_ =	sdelay $0x3  }
0x37: {  	[smem:$0x3FB5] =	sst s10  }
0x38: {  	s10 =	sld [smem:$0x3FB6]  }
0x39: {  	_ = 	snop;
	(pc) =	sbr.ind lr, $3  }
0x3a: {  	_ = 	snop  }
0x3b: {  	_ = 	snop  }
0x3c: {  	p2 =	seq.s32 s10, $0x1;
	s10 =	sld [smem:$0x3FB5]  }
0x3d: {  	_ =	shalt  }
0x3e: {  	_ =	shalt  }
0x3f: {  	_ =	shalt  }
0x40: {  	_ =	shalt  }
0x41: {  	_ =	shalt  }
0x42: {  	_ =	shalt  }
0x43: {  	_ =	shalt  }
0x44: {  	_ =	shalt  }
0x45: {  	_ =	shalt  }
0x46: {  	_ =	shalt  }
0x47: {  	_ =	shalt  }
0x48: {  	_ =	shalt  }
0x49: {  	_ =	shalt  }
0x4a: {  	_ =	shalt  }
0x4b: {  	_ =	shalt  }
0x4c: {  	_ =	shalt  }
0x4d: {  	_ =	shalt  }
0x4e: {  	_ =	shalt  }
0x4f: {  	_ =	shalt  }
0x50: {  	_ =	shalt  }
0x51: {  	_ =	shalt  }
0x52: {  	_ =	shalt  }
0x53: {  	_ =	shalt  }
0x54: {  	_ =	shalt  }
0x55: {  	_ =	shalt  }
0x56: {  	_ =	shalt  }
0x57: {  	_ =	shalt  }
0x58: {  	_ =	shalt  }
0x59: {  	_ =	shalt  }
0x5a: {  	_ =	shalt  }
0x5b: {  	_ =	shalt  }
0x5c: {  	_ =	shalt  }
0x5d: {  	_ =	shalt  }
0x5e: {  	_ =	shalt  }
0x5f: {  	_ =	shalt  }
0x60: {  	_ =	shalt  }
0x61: {  	_ =	shalt  }
0x62: {  	_ =	shalt  }
0x63: {  	_ =	shalt  }
0x64: {  	_ =	shalt  }
0x65: {  	_ =	shalt  }
0x66: {  	_ =	shalt  }
0x67: {  	_ =	shalt  }
0x68: {  	_ =	shalt  }
0x69: {  	_ =	shalt  }
0x6a: {  	_ =	shalt  }
0x6b: {  	_ =	shalt  }
0x6c: {  	_ =	shalt  }
0x6d: {  	_ =	shalt  }
0x6e: {  	_ =	shalt  }
0x6f: {  	_ =	shalt  }
0x70: {  	_ =	shalt  }
0x71: {  	_ =	shalt  }
0x72: {  	_ =	shalt  }
0x73: {  	_ =	shalt  }
0x74: {  	_ =	shalt  }
0x75: {  	_ =	shalt  }
0x76: {  	_ =	shalt  }
0x77: {  	_ =	shalt  }
0x78: {  	_ =	shalt  }
0x79: {  	_ =	shalt  }
0x7a: {  	_ =	shalt  }
0x7b: {  	_ =	shalt  }
0x7c: {  	_ =	shalt  }
0x7d: {  	_ =	shalt  }
0x7e: {  	_ =	shalt  }
0x7f: {  	_ =	shalt  }
0x80: {  	_ =	shalt  }
0x81: {  	_ =	shalt  }
0x82: {  	_ =	shalt  }
0x83: {  	_ =	shalt  }
0x84: {  	_ =	shalt  }
0x85: {  	_ =	shalt  }
0x86: {  	_ =	shalt  }
0x87: {  	_ =	shalt  }
.Lfunc_end0:
.L_simem_size_0:
called_computation_lowered:
.L_overlay_start_0:
0x88: {  	s2 =	sld [smem:$0x3FD9]  }
0x89: {  	s3 =	sld [smem:$0x3FFE];
	_ =	sdelay $0x1  }
0x8a: {  	s1 =	srdreg.scid  }
0x8b: {  	s0 =	sand.u32 $0x1, s1  }
0x8c: {  	s16 =	sshll.u32 s0, $0xA;
	s2 =	sadd.s32 s3, s2  }
0x8d: {  	s2 =	sadd.s32 s2, s16  }
0x8e: {  	[smem:$0x3FC1] =	sst s2  }
0x8f: {  	_ = 	snop  }
0x90: {  	(tm) =	ssettm $0x1  }
0x91: {  	s17 =	sld [smem:$0x3FFB];
	_ =	sdelay $0x3  }
0x92: {  	_ =	strace s17  }
0x93: {  	s2 =	sld [smem:$0x3FFC];
	_ =	sdelay $0x3  }
0x94: {  	_ =	strace s2  }
0x95: {  	s2 =	sld [smem:$0x3FFD];
	_ =	sdelay $0x3  }
0x96: {  	_ =	strace s2  }
0x97: {  	_ =	strace $0x8FFFFFFF  }
0x98: {  	s18 =	sld [smem:$0x3FDB];
	_ =	sdelay $0x1  }
0x99: {  	s19 =	simm.s32 $_scs_section_size  }
0x9a: {  	s4 =	simm.s32 $_size__tile_overlayer_lowered;
	s5 =	simm.s32 $_tile_overlayer_lowered  }
0x9b: {  	s22 =	simm.s32 $0x1BFF;
	s21 =	sshll.u32 s5, $0x1;
	s2 =	sadd.s32 s19, s18  }
0x9c: {  	s6 =	simm.s32 $0x0;
	s20 =	sshll.u32 s4, $0x1;
	s4 =	sadd.s32 s21, s2  }
0x9d: {  	[timem:s6], [sflag:s22] =	dma.local [hbm:s4], s20  }
0x9e: {  	_ =	swait.ge [sflag:s22], s20  }
0x9f: {  	s3 =	ssub.s32 $0x0, s20;
	[sflag:s22] =	ssyncset.done $0x0  }
0xa0: {  	[sflag:s22] =	ssyncadd.s32 s3;
	_ =	sdelay $0x1  }
0xa1: {  	s23 =	simm.s32 $0x1B8B  }
0xa2: {  	_ =	swait.ge [sflag:s23], $0x1  }
0xa3: {  	[sflag:s23] =	ssyncset.done $0x0  }
0xa4: {  	s25 =	simm.s32 $0x1B8E;
	s24 =	sld [smem:$0x3FFE];
	[sflag:s23] =	ssyncadd.s32 $0xFFFFFFFF  }
0xa5: {  	s26 =	simm.s32 $execute0_lowered;
	[smem:$0x3FD2] =	sst s25  }
0xa6: {  	s4 =	sshll.u32 s26, $0x1;
	_ =	strace $0x80000046;
	[dreg:$0x1] =	wrdreg $0xFFFFFFFF  }
0xa7: {  	s28 =	simm.s32 $_size_execute0_lowered;
	s2 =	sadd.s32 s2, s4;
	[dreg:$0x0] =	wrdreg $0x0  }
0xa8: {  	s4 =	sshll.u32 s28, $0x1;
	[dreg:$0x2] =	wrdreg s2  }
0xa9: {  	[dreg:$0x3] =	wrdreg s4  }
0xaa: {  	[dreg:$0x4] =	wrdreg $0xC0  }
0xab: {  	_ =	task [dreg:s6], $0x5FFFF  }
0xac: {  	[dreg:$0x1] =	wrdreg $0xFFFFFFFF  }
0xad: {  	[dreg:$0x0] =	wrdreg $0x60  }
0xae: {  	[dreg:$0x2] =	wrdreg s24  }
0xaf: {  	[dreg:$0x3] =	wrdreg $0xC0000  }
0xb0: {  	[dreg:$0x4] =	wrdreg $0x9  }
0xb1: {  	_ =	task.clear_ibuf [dreg:s6], $0x5FFFF;
	_ =	strace $0x90000046  }
0xb2: {  	s29 =	simm.s32 $0x9;
	_ =	strace $0x80000048  }
0xb3: {  	_ =	swait.ge [sflag:s29], $0x1  }
0xb4: {  	[sflag:s29] =	ssyncadd.s32 $0xFFFFFFFF  }
0xb5: {  	_ =	strace $0x90000048  }
0xb6: {  	_ =	sfence  }
0xb7: {  	s30 =	sld [smem:$0x0];
	_ =	sdelay $0x2  }
0xb8: {  	s31 =	sshll.u32 s1, $0xD;
	s1 =	sshrl.u32 s1, $0x2  }
0xb9: {  	s3 =	sand.u32 $0x4000, s31;
	s1 =	sadd.s32 s1, s30  }
0xba: {  	s0 =	sor.u32 s3, s0;
	s1 =	sshll.u32 s1, $0x11  }
0xbb: {  	s0 =	sor.u32 s1, s0  }
0xbc: {  	s0 =	sadd.s32 $0x8F2B, s0  }
0xbd: {  	[sflag:s0] =	ssyncadd.remote.s32 $0x1  }
0xbe: {  	_ =	sfence.sel $0xFFFF  }
0xbf: {  	[dreg:$0x0] =	wrdreg $0xFFFFFFFF;
	(pc) =	sbr.abs _section_cstart, $3  }
0xc0: {  	[dreg:$0x1] =	wrdreg $0xFFFFFFFF  }
0xc1: {  	_ =	task.clear_ibuf [dreg:s6], $0x2FFFF;
	_ =	strace $0x9FFFFFFF  }
0xc2: {  	(tm) =	ssettm $0x7FFFFFFF  }
0xc3: {  	_ =	shalt  }
tec
execute0_lowered:
.L_overlay_start_1:
0x0: {  	(tag) =	ssettag $0x1  }
0x1: {  	s0 =	rddreg [dreg:$0x0]  }
0x2: {  	s2 =	rddreg [dreg:$0x1]  }
0x3: {  	s1 =	srdreg.scid;
	s4 =	stileid.u32  }
0x4: {  	s3 =	simm.s32 $0x0;
	s11 =	simm.s32 $0x9;
	s15 =	simm.s32 $0x80  }
0x5: {  	s16 =	simm.s32 $0x7800;
	s17 =	simm.s32 $0x8000;
	s18 =	simm.s32 $0x1  }
0x6: {  	s19 =	simm.s32 $0x8800;
	s20 =	simm.s32 $0x2;
	s21 =	simm.s32 $0x9000  }
0x7: {  	s22 =	simm.s32 $0x3;
	s23 =	simm.s32 $0x5;
	s24 =	simm.s32 $0x4  }
0x8: {  	s28 =	simm.s32 $0x8;
	s29 =	simm.s32 $0x0;
	s1 =	sand.u32 $0x1, s1  }
0x9: {  	s5 =	smul.u32 $0x2800, s4;
	[smem:$0x7FF] =	sst s3;
	s4 =	sshll.u32 s4, $0x1  }
0xa: {  	s6 =	smul.u32 $0x28000, s1;
	s4 =	sor.u32 s1, s4;
	s1 =	ssub.s32 $0x2, s1  }
0xb: {  	_ =	strace $0x80000047;
	s7 =	smul.u32 $0x500, s4;
	s8 =	sshrl.u32 s1, $0x1  }
0xc: {  	s4 =	sadd.s32 $0x400, s0;
	s6 =	sadd.s32 s5, s6;
	s1 =	ssub.s32 s1, s8  }
0xd: {  	s8 =	sadd.s32 s5, s2;
	s7 =	sadd.s32 s7, s0;
	s31 =	smax.u32 s1, $0x1  }
.Ltmp0:
0xe: {  	s25 =	sadd.s32 $0x19400, s7;
	[dreg:$0x7] =	wrdreg s31;
	(pc) =	sbr.rel .LBB2_1-.Ltmp0, $4  }
0xf: {  	s6 =	sshrl.u32 s6, $0x3;
	s26 =	sadd.s32 $0xF400, s7;
	[dreg:$0x3] =	wrdreg s25  }
0x10: {  	s0 =	sadd.s32 s6, s0;
	s30 =	sadd.s32 $0x5400, s7;
	[dreg:$0x4] =	wrdreg s26  }
0x11: {  	s5 =	simm.s32 $0x9800;
	[dreg:$0x5] =	wrdreg s30;
	s0 =	sadd.s32 $0x23400, s0  }
0x12: {  	v0 =	vimm.f32 $0.0e+00;
	s25 =	simm.s32 $0x6;
	s26 =	simm.s32 $0x7;
	[dreg:$0x6] =	wrdreg s0  }
.LBB2_14:
0x13: {  	_ =	swait.ge [sflag:s26], $0x800  }
0x14: {  	[sflag:s26] =	ssyncset.done $0x0  }
0x15: {  	[sflag:s26] =	ssyncadd.s32 $0xFFFFF800  }
0x16: {  	_ =	swait.ge [sflag:s28], $0x800  }
0x17: {  	[sflag:s28] =	ssyncset.done $0x0  }
0x18: {  	[sflag:s28] =	ssyncadd.s32 $0xFFFFF800  }
0x19: {  	s5 =	simm.s32 $0x9800;
	[bflag:$0x0] =	sbarrier.arrive $0xFFFF  }
0x1a: {  	[tilespmem:s5], [sflag:$0x9] =	stream.linear.gather [spmem:s8], $0x2800, $0x38;
	[tilespmem:$0xE800] =	vst v63  }
0x1b: {  	_ =	swait.ge [sflag:s11], $0x2800  }
0x1c: {  	[sflag:s11] =	ssyncset.done $0x0  }
0x1d: {  	s0 =	rddreg [dreg:$0x6];
	[sflag:s11] =	ssyncadd.s32 $0xFFFFD800  }
0x1e: {  	[hbm4b:s0+s3] =	stream.linear.scatter [tilespmem:s5], [sflag:$0x9], $0x2800, $0x38;
	[tilespmem:$0xE800] =	vst v63  }
0x1f: {  	_ =	swait.ge [sflag:s11], $0x2800  }
0x20: {  	s29 =	sadd.s32 $0x1, s29;
	s31 =	rddreg [dreg:$0x7]  }
0x21: {  	p0 =	sne.s32 s29, s31  }
.Ltmp1:
0x22: {  	_ = 	snop;
	(pc) =	sbr.rel @!p0 .LBB2_15-.Ltmp1, $3  }
0x23: {  	_ =	sdelay $0x1  }
0x24: {  	[sflag:s11] =	ssyncset.done $0x0  }
0x25: {  	[sflag:s11] =	ssyncadd.s32 $0xFFFFD800  }
.LBB2_1:
0x26: {  	s0 =	rddreg [dreg:$0x3]  }
0x27: {  	[tilespmem:s3], [sflag:$0x9] =	stream.linear.gather [hbm4b:s0+s3], $0x2800, $0x38;
	[tilespmem:$0xE800] =	vst v63  }
0x28: {  	_ =	swait.ge [sflag:s11], $0x2800  }
0x29: {  	[sflag:s11] =	ssyncset.done $0x0  }
0x2a: {  	s1 =	simm.s32 $0x2800;
	s14 =	rddreg [dreg:$0x4];
	[sflag:s11] =	ssyncadd.s32 $0xFFFFD800  }
0x2b: {  	[tilespmem:s1], [sflag:$0x9] =	stream.linear.gather [hbm4b:s14+s3], $0x2800, $0x38;
	[tilespmem:$0xE800] =	vst v63  }
0x2c: {  	_ =	swait.ge [sflag:s11], $0x2800  }
0x2d: {  	[sflag:s11] =	ssyncset.done $0x0  }
0x2e: {  	s31 =	simm.s32 $0x5000;
	s30 =	rddreg [dreg:$0x5];
	[sflag:s11] =	ssyncadd.s32 $0xFFFFD800  }
0x2f: {  	[tilespmem:s31], [sflag:$0x9] =	stream.linear.gather [hbm4b:s30+s3], $0x2800, $0x38;
	[tilespmem:$0xE800] =	vst v63  }
0x30: {  	_ =	swait.ge [sflag:s11], $0x2800  }
0x31: {  	[sflag:s11] =	ssyncset.done $0x0  }
0x32: {  	s0 =	simm.s32 $0x40;
	s1 =	simm.s32 $0x0;
	[sflag:s11] =	ssyncadd.s32 $0xFFFFD800  }
.LBB2_2:
0x33: {  	p0 =	sne.s32 s0, $0x9FC0;
	[tilespmem:s1+$0x9800] =	vst v0;
	s1 =	smov.u32 s0;
	s0 =	sadd.s32 $0x40, s0  }
.Ltmp2:
0x34: {  	(pc) =	sbr.rel @p0 .LBB2_2-.Ltmp2, $2  }
0x35: {  	_ =	sdelay $0x2  }
0x36: {  	s1 =	sshra.s32 s1, $0x2  }
0x37: {  	[tilespmem:s1+$0x9800] =	vst v0  }
0x38: {  	[spmem:s8] =	stream.linear.scatter [tilespmem:s5], [sflag:$0x9], $0x2800, $0x38;
	[tilespmem:$0xE800] =	vst v63  }
0x39: {  	_ =	swait.ge [sflag:s11], $0x2800  }
0x3a: {  	[sflag:s11] =	ssyncset.done $0x0  }
0x3b: {  	[sflag:s11] =	ssyncadd.s32 $0xFFFFD800  }
0x3c: {  	s30 =	simm.s32 $0x0;
	s31 =	simm.s32 $0x5000;
	[bflag:$0x0] =	sbarrier.arrive $0xFFFF  }
0x3d: {  	[tilespmem:s16], [sflag:$0x1] =	stream.indirect.gather [hbm4b:s4+s15], $0x10, s30, s15, $0xb8;
	[tilespmem:$0xE800] =	vst v63  }
0x3e: {  	s0 =	simm.s32 $0x5080;
	s1 =	simm.s32 $0x5100;
	s12 =	simm.s32 $0x5180  }
0x3f: {  	[tilespmem:s17], [sflag:$0x2] =	stream.indirect.gather [hbm4b:s4+s15], $0x10, s15, s15, $0xb8;
	[tilespmem:$0xE800] =	vst v63  }
.LBB2_4:
0x40: {  	v1 =	vmov s31;
	_ =	sdelay $0x1  }
0x41: {  	_ =	swait.ge [sflag:s18], $0x800  }
0x42: {  	[sflag:s18] =	ssyncset.done $0x0  }
0x43: {  	s5 =	simm.s32 $0x0;
	[sflag:s18] =	ssyncadd.s32 $0xFFFFF800  }
0x44: {  	v2 =	vld.idx.msk [tilespmem:v1+s5+$0x0 ss:$0x1], $0xffff  }
0x45: {  	s6 =	simm.s32 $0x7880  }
0x46: {  	v3 =	vld [tilespmem:s6+$0xFFFFFF80]  }
0x47: {  	v4 =	vld [tilespmem:s6+$0xFFFFFF90]  }
0x48: {  	v5 =	vld [tilespmem:s6+$0xFFFFFFA0]  }
0x49: {  	v6 =	vld [tilespmem:s6+$0xFFFFFFB0];
	v7 =	vbroadcast v2, $0x0  }
0x4a: {  	v10 =	vld [tilespmem:s6+$0xFFFFFFD0];
	v8 =	vbroadcast v2, $0x1  }
0x4b: {  	v46 =	vld [tilespmem:s6+$0xFFFFFFE0];
	v11 =	vbroadcast v2, $0x2;
	v3 =	vmul.f32 v7, v3  }
0x4c: {  	v9 =	vld [tilespmem:s6+$0xFFFFFFC0];
	v45 =	vbroadcast v2, $0x3;
	v4 =	vmul.f32 v4, v8  }
0x4d: {  	v49 =	vld [tilespmem:s6+$0x10];
	v47 =	vbroadcast v2, $0x5;
	v5 =	vmul.f32 v5, v11;
	[tilespmem:s6+$0xFFFFFF80] =	vst v3  }
0x4e: {  	v59 =	vld [tilespmem:s6+$0x60];
	v13 =	vbroadcast v2, $0x6;
	v6 =	vmul.f32 v6, v45;
	[tilespmem:s6+$0xFFFFFF90] =	vst v4  }
0x4f: {  	v12 =	vld [tilespmem:s6+$0xFFFFFFF0];
	v7 =	vmul.f32 v10, v47;
	v3 =	vbroadcast v2, $0x4;
	[tilespmem:s6+$0xFFFFFFA0] =	vst v5  }
0x50: {  	v48 =	vld [tilespmem:s6+$0x0];
	v53 =	vbroadcast v2, $0x9;
	v8 =	vmul.f32 v46, v13;
	[tilespmem:s6+$0xFFFFFFB0] =	vst v6  }
0x51: {  	v52 =	vld [tilespmem:s6+$0x30];
	v62 =	vbroadcast v2, $0xE;
	[tilespmem:s6+$0xFFFFFFD0] =	vst v7;
	v3 =	vmul.f32 v9, v3  }
0x52: {  	v55 =	vld [tilespmem:s6+$0x50];
	v50 =	vbroadcast v2, $0x7;
	v58 =	vmul.f32 v49, v53;
	[tilespmem:s6+$0xFFFFFFE0] =	vst v8  }
0x53: {  	v51 =	vld [tilespmem:s6+$0x20];
	v63 =	vmul.f32 v59, v62;
	[tilespmem:s6+$0xFFFFFFC0] =	vst v3;
	v3 =	vbroadcast v2, $0x8  }
0x54: {  	v54 =	vld [tilespmem:s6+$0x40];
	v57 =	vbroadcast v2, $0xB;
	v5 =	vmul.f32 v12, v50;
	[tilespmem:s6+$0x10] =	vst v58  }
0x55: {  	v60 =	vld [tilespmem:s6+$0x70];
	v61 =	vbroadcast v2, $0xD;
	[tilespmem:s6+$0x60] =	vst v63;
	v3 =	vmul.f32 v48, v3  }
0x56: {  	v56 =	vbroadcast v2, $0xA;
	v4 =	vmul.f32 v52, v57;
	[tilespmem:s6+$0xFFFFFFF0] =	vst v5  }
0x57: {  	v6 =	vmul.f32 v55, v61;
	[tilespmem:s6+$0x0] =	vst v3;
	v3 =	vbroadcast v2, $0xC  }
0x58: {  	v9 =	vmul.f32 v51, v56;
	[tilespmem:s6+$0x30] =	vst v4;
	v2 =	vbroadcast v2, $0xF  }
0x59: {  	[tilespmem:s6+$0x50] =	vst v6;
	v3 =	vmul.f32 v54, v3  }
0x5a: {  	[tilespmem:s6+$0x20] =	vst v9;
	v2 =	vmul.f32 v60, v2  }
0x5b: {  	[tilespmem:s6+$0x40] =	vst v3  }
0x5c: {  	s9 =	simm.s32 $0x10;
	s7 =	simm.s32 $0x80;
	s5 =	sshll.u32 s30, $0xB;
	[tilespmem:s6+$0x70] =	vst v2  }
.LBB2_5:
0x5d: {  	p0 =	sne.s32 s7, $0x1C0;
	v2 =	vld.idx.msk [tilespmem:v1+s9+$0x0 ss:$0x1], $0xffff;
	s6 =	sadd.s32 $0x100, s6  }
0x5e: {  	v3 =	vld [tilespmem:s6+$0xFFFFFFB0]  }
0x5f: {  	v4 =	vld [tilespmem:s6+$0xFFFFFF90]  }
0x60: {  	v5 =	vld [tilespmem:s6+$0xFFFFFF80]  }
0x61: {  	v6 =	vld [tilespmem:s6+$0xFFFFFFA0]  }
0x62: {  	v7 =	vld [tilespmem:s6+$0xFFFFFFF0]  }
0x63: {  	v8 =	vbroadcast v2, $0x0;
	v9 =	vbroadcast v2, $0x1;
	v10 =	vld [tilespmem:s6+$0xFFFFFFD0]  }
0x64: {  	v11 =	vbroadcast v2, $0x2;
	v12 =	vbroadcast v2, $0x3;
	v13 =	vld [tilespmem:s6+$0xFFFFFFC0]  }
0x65: {  	v4 =	vmul.f32 v4, v9;
	v5 =	vmul.f32 v8, v5;
	v8 =	vld [tilespmem:s6+$0xFFFFFFE0]  }
0x66: {  	v3 =	vmul.f32 v3, v12;
	v6 =	vmul.f32 v6, v11;
	v9 =	vld [tilespmem:s6+$0x30]  }
0x67: {  	v11 =	vbroadcast v2, $0x5;
	[tilespmem:s6+$0xFFFFFF80] =	vst v5;
	v5 =	vbroadcast v2, $0x4;
	v12 =	vld [tilespmem:s6+$0x10]  }
0x68: {  	v14 =	vbroadcast v2, $0x7;
	[tilespmem:s6+$0xFFFFFF90] =	vst v4;
	v4 =	vbroadcast v2, $0x6;
	v15 =	vld [tilespmem:s6+$0x0]  }
0x69: {  	[tilespmem:s6+$0xFFFFFFA0] =	vst v6;
	v5 =	vmul.f32 v13, v5;
	v6 =	vmul.f32 v10, v11;
	v10 =	vld [tilespmem:s6+$0x20]  }
0x6a: {  	[tilespmem:s6+$0xFFFFFFB0] =	vst v3;
	v3 =	vmul.f32 v8, v4;
	v4 =	vmul.f32 v7, v14;
	v7 =	vld [tilespmem:s6+$0x70]  }
0x6b: {  	v8 =	vbroadcast v2, $0x9;
	[tilespmem:s6+$0xFFFFFFC0] =	vst v5;
	v5 =	vbroadcast v2, $0x8;
	v11 =	vld [tilespmem:s6+$0x50]  }
0x6c: {  	v13 =	vbroadcast v2, $0xB;
	[tilespmem:s6+$0xFFFFFFD0] =	vst v6;
	v6 =	vbroadcast v2, $0xA;
	v14 =	vld [tilespmem:s6+$0x40]  }
0x6d: {  	[tilespmem:s6+$0xFFFFFFE0] =	vst v3;
	v3 =	vmul.f32 v15, v5;
	v5 =	vmul.f32 v12, v8;
	v8 =	vld [tilespmem:s6+$0x60]  }
0x6e: {  	[tilespmem:s6+$0xFFFFFFF0] =	vst v4;
	v4 =	vmul.f32 v10, v6;
	v6 =	vmul.f32 v9, v13  }
0x6f: {  	v9 =	vbroadcast v2, $0xD;
	[tilespmem:s6+$0x0] =	vst v3;
	v3 =	vbroadcast v2, $0xC  }
0x70: {  	[tilespmem:s6+$0x10] =	vst v5;
	v5 =	vbroadcast v2, $0xE;
	v2 =	vbroadcast v2, $0xF  }
0x71: {  	[tilespmem:s6+$0x20] =	vst v4;
	v3 =	vmul.f32 v14, v3;
	v4 =	vmul.f32 v11, v9  }
.Ltmp3:
0x72: {  	[tilespmem:s6+$0x30] =	vst v6;
	v5 =	vmul.f32 v8, v5;
	v2 =	vmul.f32 v7, v2;
	(pc) =	sbr.rel @p0 .LBB2_5-.Ltmp3, $4  }
0x73: {  	[tilespmem:s6+$0x40] =	vst v3  }
0x74: {  	[tilespmem:s6+$0x50] =	vst v4  }
0x75: {  	[tilespmem:s6+$0x60] =	vst v5  }
0x76: {  	s9 =	sshra.s32 s7, $0x2;
	s7 =	sadd.s32 $0x40, s7;
	[tilespmem:s6+$0x70] =	vst v2  }
0x77: {  	_ =	sdelay $0x3  }
0x78: {  	v1 =	vld.idx.msk [tilespmem:v1+s9+$0x0 ss:$0x1], $0xffff  }
0x79: {  	s6 =	sadd.s32 $0x100, s6  }
0x7a: {  	v2 =	vld [tilespmem:s6+$0xFFFFFF80]  }
0x7b: {  	v3 =	vld [tilespmem:s6+$0xFFFFFF90]  }
0x7c: {  	v4 =	vld [tilespmem:s6+$0xFFFFFFA0]  }
0x7d: {  	v5 =	vld [tilespmem:s6+$0xFFFFFFB0];
	v6 =	vbroadcast v1, $0x0  }
0x7e: {  	v9 =	vld [tilespmem:s6+$0xFFFFFFD0];
	v7 =	vbroadcast v1, $0x1  }
0x7f: {  	v8 =	vld [tilespmem:s6+$0xFFFFFFC0];
	v10 =	vbroadcast v1, $0x2;
	v2 =	vmul.f32 v6, v2  }
0x80: {  	v22 =	vld [tilespmem:s6+$0xFFFFFFE0];
	v21 =	vbroadcast v1, $0x3;
	v3 =	vmul.f32 v3, v7  }
0x81: {  	v24 =	vld [tilespmem:s6+$0x10];
	v23 =	vbroadcast v1, $0x5;
	v4 =	vmul.f32 v4, v10;
	[tilespmem:s6+$0xFFFFFF80] =	vst v2  }
0x82: {  	v11 =	vld [tilespmem:s6+$0xFFFFFFF0];
	v5 =	vmul.f32 v5, v21;
	v2 =	vbroadcast v1, $0x4;
	[tilespmem:s6+$0xFFFFFF90] =	vst v3  }
0x83: {  	v12 =	vbroadcast v1, $0x6;
	v6 =	vmul.f32 v9, v23;
	v3 =	vld [tilespmem:s6+$0x0];
	[tilespmem:s6+$0xFFFFFFA0] =	vst v4  }
0x84: {  	v30 =	vld [tilespmem:s6+$0x50];
	v28 =	vbroadcast v1, $0x9;
	[tilespmem:s6+$0xFFFFFFB0] =	vst v5;
	v2 =	vmul.f32 v8, v2  }
0x85: {  	v26 =	vld [tilespmem:s6+$0x20];
	v25 =	vbroadcast v1, $0x7;
	v7 =	vmul.f32 v22, v12;
	[tilespmem:s6+$0xFFFFFFD0] =	vst v6  }
0x86: {  	v27 =	vld [tilespmem:s6+$0x30];
	v32 =	vmul.f32 v24, v28;
	[tilespmem:s6+$0xFFFFFFC0] =	vst v2;
	v2 =	vbroadcast v1, $0x8  }
0x87: {  	v29 =	vld [tilespmem:s6+$0x40];
	v35 =	vbroadcast v1, $0xD;
	v4 =	vmul.f32 v11, v25;
	[tilespmem:s6+$0xFFFFFFE0] =	vst v7  }
0x88: {  	v33 =	vld [tilespmem:s6+$0x60];
	v31 =	vbroadcast v1, $0xA;
	[tilespmem:s6+$0x10] =	vst v32;
	v2 =	vmul.f32 v3, v2  }
0x89: {  	v34 =	vld [tilespmem:s6+$0x70];
	v5 =	vmul.f32 v30, v35;
	[tilespmem:s6+$0xFFFFFFF0] =	vst v4;
	v3 =	vbroadcast v1, $0xB  }
0x8a: {  	v8 =	vmul.f32 v26, v31;
	[tilespmem:s6+$0x0] =	vst v2;
	v2 =	vbroadcast v1, $0xC  }
0x8b: {  	v36 =	vbroadcast v1, $0xE;
	[tilespmem:s6+$0x50] =	vst v5;
	v3 =	vmul.f32 v27, v3  }
0x8c: {  	[tilespmem:s6+$0x20] =	vst v8;
	v1 =	vbroadcast v1, $0xF;
	v2 =	vmul.f32 v29, v2  }
0x8d: {  	[tilespmem:s6+$0x30] =	vst v3;
	v3 =	vmul.f32 v33, v36  }
0x8e: {  	v1 =	vmul.f32 v34, v1;
	[tilespmem:s6+$0x40] =	vst v2  }
0x8f: {  	s13 =	sshrl.u32 s5, $0x2;
	p0 =	seq.s32 s30, $0x0;
	[tilespmem:s6+$0x60] =	vst v3  }
0x90: {  	s10 =	sadd.s32 $0x2800, s13;
	[tilespmem:s6+$0x70] =	vst v1;
	s6 =	simm.s32 @!p0 $0x7  }
0x91: {  	[spmem:s2] =	stream.indirect.scatter.add.f32 [tilespmem:s16], [sflag:$0x5], $0x10, s10, s15, $0xb8;
	[tilespmem:$0xE800] =	vst v63  }
0x92: {  	_ =	swait.ge @!p0 [sflag:s6], $0x800  }
0x93: {  	s7 =	sor.u32 $0x400, s5;
	[sflag:s6] =	ssyncset.done @!p0 $0x0  }
0x94: {  	v1 =	vmov s0;
	[sflag:s6] =	ssyncadd.s32 @!p0 $0xFFFFF800;
	s6 =	sshrl.u32 s7, $0x2  }
0x95: {  	[tilespmem:s19], [sflag:$0x3] =	stream.indirect.gather [hbm4b:s4+s15], $0x10, s6, s15, $0xb8;
	[tilespmem:$0xE800] =	vst v63  }
0x96: {  	_ =	swait.ge [sflag:s20], $0x800  }
0x97: {  	[sflag:s20] =	ssyncset.done $0x0  }
0x98: {  	s14 =	simm.s32 $0x0;
	[sflag:s20] =	ssyncadd.s32 $0xFFFFF800  }
0x99: {  	v2 =	vld.idx.msk [tilespmem:v1+s14+$0x0 ss:$0x1], $0xffff  }
0x9a: {  	s9 =	simm.s32 $0x80F0  }
0x9b: {  	v3 =	vld [tilespmem:s9+$0xFFFFFF10]  }
0x9c: {  	v37 =	vld [tilespmem:s9+$0xFFFFFF20]  }
0x9d: {  	v38 =	vld [tilespmem:s9+$0xFFFFFF30]  }
0x9e: {  	v39 =	vld [tilespmem:s9+$0xFFFFFF40];
	v40 =	vbroadcast v2, $0x0  }
0x9f: {  	v43 =	vld [tilespmem:s9+$0xFFFFFF60];
	v41 =	vbroadcast v2, $0x1  }
0xa0: {  	v46 =	vld [tilespmem:s9+$0xFFFFFF70];
	v44 =	vbroadcast v2, $0x2;
	v3 =	vmul.f32 v40, v3  }
0xa1: {  	v42 =	vld [tilespmem:s9+$0xFFFFFF50];
	v45 =	vbroadcast v2, $0x3;
	v4 =	vmul.f32 v37, v41  }
0xa2: {  	v50 =	vld [tilespmem:s9+$0xFFFFFFA0];
	v48 =	vbroadcast v2, $0x5;
	v5 =	vmul.f32 v38, v44;
	[tilespmem:s9+$0xFFFFFF10] =	vst v3  }
0xa3: {  	v52 =	vld [tilespmem:s9+$0xFFFFFFB0];
	v13 =	vbroadcast v2, $0x6;
	v6 =	vmul.f32 v39, v45;
	[tilespmem:s9+$0xFFFFFF20] =	vst v4  }
0xa4: {  	v56 =	vld [tilespmem:s9+$0xFFFFFFE0];
	v7 =	vmul.f32 v43, v48;
	v3 =	vbroadcast v2, $0x4;
	[tilespmem:s9+$0xFFFFFF30] =	vst v5  }
0xa5: {  	v49 =	vld [tilespmem:s9+$0xFFFFFF90];
	v54 =	vbroadcast v2, $0x9;
	v8 =	vmul.f32 v46, v13;
	[tilespmem:s9+$0xFFFFFF40] =	vst v6  }
0xa6: {  	v47 =	vld [tilespmem:s9+$0xFFFFFF80];
	v57 =	vbroadcast v2, $0xA;
	[tilespmem:s9+$0xFFFFFF60] =	vst v7;
	v3 =	vmul.f32 v42, v3  }
0xa7: {  	v53 =	vld [tilespmem:s9+$0xFFFFFFC0];
	v61 =	vbroadcast v2, $0xD;
	v10 =	vmul.f32 v50, v54;
	[tilespmem:s9+$0xFFFFFF70] =	vst v8  }
0xa8: {  	v58 =	vld [tilespmem:s9+$0xFFFFFFF0];
	v9 =	vmul.f32 v52, v57;
	[tilespmem:s9+$0xFFFFFF50] =	vst v3;
	v3 =	vbroadcast v2, $0x8  }
0xa9: {  	v55 =	vld [tilespmem:s9+$0xFFFFFFD0];
	v51 =	vbroadcast v2, $0x7;
	v63 =	vmul.f32 v56, v61;
	[tilespmem:s9+$0xFFFFFFA0] =	vst v10  }
0xaa: {  	v60 =	vld [tilespmem:s9+$0x0];
	v59 =	vbroadcast v2, $0xB;
	[tilespmem:s9+$0xFFFFFFB0] =	vst v9;
	v3 =	vmul.f32 v49, v3  }
0xab: {  	v62 =	vbroadcast v2, $0xE;
	v5 =	vmul.f32 v47, v51;
	[tilespmem:s9+$0xFFFFFFE0] =	vst v63  }
0xac: {  	v6 =	vmul.f32 v53, v59;
	[tilespmem:s9+$0xFFFFFF90] =	vst v3;
	v3 =	vbroadcast v2, $0xC  }
0xad: {  	v4 =	vmul.f32 v58, v62;
	[tilespmem:s9+$0xFFFFFF80] =	vst v5;
	v2 =	vbroadcast v2, $0xF  }
0xae: {  	[tilespmem:s9+$0xFFFFFFC0] =	vst v6;
	v3 =	vmul.f32 v55, v3  }
0xaf: {  	[tilespmem:s9+$0xFFFFFFF0] =	vst v4;
	v2 =	vmul.f32 v60, v2  }
0xb0: {  	[tilespmem:s9+$0xFFFFFFD0] =	vst v3  }
0xb1: {  	s10 =	simm.s32 $0x80;
	s7 =	sor.u32 $0x200, s5;
	s14 =	simm.s32 $0x10;
	[tilespmem:s9+$0x0] =	vst v2  }
.LBB2_7:
0xb2: {  	p1 =	sne.s32 s10, $0x1C0;
	v2 =	vld.idx.msk [tilespmem:v1+s14+$0x0 ss:$0x1], $0xffff;
	s9 =	sadd.s32 $0x100, s9  }
0xb3: {  	v3 =	vld [tilespmem:s9+$0xFFFFFF40]  }
0xb4: {  	v4 =	vld [tilespmem:s9+$0xFFFFFF20]  }
0xb5: {  	v5 =	vld [tilespmem:s9+$0xFFFFFF10]  }
0xb6: {  	v6 =	vld [tilespmem:s9+$0xFFFFFF30]  }
0xb7: {  	v7 =	vld [tilespmem:s9+$0xFFFFFF80]  }
0xb8: {  	v8 =	vbroadcast v2, $0x0;
	v9 =	vbroadcast v2, $0x1;
	v10 =	vld [tilespmem:s9+$0xFFFFFF60]  }
0xb9: {  	v11 =	vbroadcast v2, $0x2;
	v12 =	vbroadcast v2, $0x3;
	v13 =	vld [tilespmem:s9+$0xFFFFFF50]  }
0xba: {  	v4 =	vmul.f32 v4, v9;
	v5 =	vmul.f32 v8, v5;
	v8 =	vld [tilespmem:s9+$0xFFFFFF70]  }
0xbb: {  	v3 =	vmul.f32 v3, v12;
	v6 =	vmul.f32 v6, v11;
	v9 =	vld [tilespmem:s9+$0xFFFFFFC0]  }
0xbc: {  	v11 =	vbroadcast v2, $0x5;
	[tilespmem:s9+$0xFFFFFF10] =	vst v5;
	v5 =	vbroadcast v2, $0x4;
	v12 =	vld [tilespmem:s9+$0xFFFFFFA0]  }
0xbd: {  	v14 =	vbroadcast v2, $0x7;
	[tilespmem:s9+$0xFFFFFF20] =	vst v4;
	v4 =	vbroadcast v2, $0x6;
	v15 =	vld [tilespmem:s9+$0xFFFFFF90]  }
0xbe: {  	[tilespmem:s9+$0xFFFFFF30] =	vst v6;
	v5 =	vmul.f32 v13, v5;
	v6 =	vmul.f32 v10, v11;
	v10 =	vld [tilespmem:s9+$0xFFFFFFB0]  }
0xbf: {  	[tilespmem:s9+$0xFFFFFF40] =	vst v3;
	v3 =	vmul.f32 v8, v4;
	v4 =	vmul.f32 v7, v14;
	v7 =	vld [tilespmem:s9+$0xFFFFFFF0]  }
0xc0: {  	v8 =	vbroadcast v2, $0x9;
	[tilespmem:s9+$0xFFFFFF50] =	vst v5;
	v5 =	vbroadcast v2, $0x8;
	v11 =	vld [tilespmem:s9+$0xFFFFFFE0]  }
0xc1: {  	v13 =	vbroadcast v2, $0xB;
	[tilespmem:s9+$0xFFFFFF60] =	vst v6;
	v6 =	vbroadcast v2, $0xA;
	v14 =	vld [tilespmem:s9+$0xFFFFFFD0]  }
0xc2: {  	[tilespmem:s9+$0xFFFFFF70] =	vst v3;
	v3 =	vmul.f32 v15, v5;
	v5 =	vmul.f32 v12, v8;
	v8 =	vld [tilespmem:s9+$0x0]  }
0xc3: {  	[tilespmem:s9+$0xFFFFFF80] =	vst v4;
	v4 =	vmul.f32 v10, v6;
	v6 =	vmul.f32 v9, v13  }
0xc4: {  	v9 =	vbroadcast v2, $0xD;
	[tilespmem:s9+$0xFFFFFF90] =	vst v3;
	v3 =	vbroadcast v2, $0xC  }
0xc5: {  	[tilespmem:s9+$0xFFFFFFA0] =	vst v5;
	v5 =	vbroadcast v2, $0xE;
	v2 =	vbroadcast v2, $0xF  }
0xc6: {  	[tilespmem:s9+$0xFFFFFFB0] =	vst v4;
	v3 =	vmul.f32 v14, v3;
	v4 =	vmul.f32 v11, v9  }
.Ltmp4:
0xc7: {  	[tilespmem:s9+$0xFFFFFFC0] =	vst v6;
	v5 =	vmul.f32 v7, v5;
	v2 =	vmul.f32 v8, v2;
	(pc) =	sbr.rel @p1 .LBB2_7-.Ltmp4, $4  }
0xc8: {  	[tilespmem:s9+$0xFFFFFFD0] =	vst v3  }
0xc9: {  	[tilespmem:s9+$0xFFFFFFE0] =	vst v4  }
0xca: {  	[tilespmem:s9+$0xFFFFFFF0] =	vst v5  }
0xcb: {  	s14 =	sshra.s32 s10, $0x2;
	s10 =	sadd.s32 $0x40, s10;
	[tilespmem:s9+$0x0] =	vst v2  }
0xcc: {  	_ =	sdelay $0x3  }
0xcd: {  	v1 =	vld.idx.msk [tilespmem:v1+s14+$0x0 ss:$0x1], $0xffff  }
0xce: {  	s9 =	sadd.s32 $0x100, s9  }
0xcf: {  	v2 =	vld [tilespmem:s9+$0xFFFFFF10]  }
0xd0: {  	v3 =	vld [tilespmem:s9+$0xFFFFFF20]  }
0xd1: {  	v4 =	vld [tilespmem:s9+$0xFFFFFF30]  }
0xd2: {  	v5 =	vld [tilespmem:s9+$0xFFFFFF40];
	v6 =	vbroadcast v1, $0x0  }
0xd3: {  	v9 =	vld [tilespmem:s9+$0xFFFFFF60];
	v7 =	vbroadcast v1, $0x1;
	v10 =	vbroadcast v1, $0x2  }
0xd4: {  	v8 =	vld [tilespmem:s9+$0xFFFFFF50];
	v21 =	vbroadcast v1, $0x3;
	v2 =	vmul.f32 v6, v2  }
0xd5: {  	v22 =	vld [tilespmem:s9+$0xFFFFFF70];
	v23 =	vbroadcast v1, $0x5;
	v3 =	vmul.f32 v3, v7  }
0xd6: {  	v24 =	vld [tilespmem:s9+$0xFFFFFFA0];
	v12 =	vbroadcast v1, $0x6;
	v4 =	vmul.f32 v4, v10;
	[tilespmem:s9+$0xFFFFFF10] =	vst v2  }
0xd7: {  	v30 =	vld [tilespmem:s9+$0xFFFFFFE0];
	v5 =	vmul.f32 v5, v21;
	v2 =	vbroadcast v1, $0x4;
	[tilespmem:s9+$0xFFFFFF20] =	vst v3  }
0xd8: {  	v25 =	vbroadcast v1, $0x7;
	v6 =	vmul.f32 v9, v23;
	v3 =	vld [tilespmem:s9+$0xFFFFFF90];
	[tilespmem:s9+$0xFFFFFF30] =	vst v4  }
0xd9: {  	v11 =	vld [tilespmem:s9+$0xFFFFFF80];
	v28 =	vbroadcast v1, $0x9;
	[tilespmem:s9+$0xFFFFFF40] =	vst v5;
	v2 =	vmul.f32 v8, v2  }
0xda: {  	v27 =	vld [tilespmem:s9+$0xFFFFFFC0];
	v34 =	vbroadcast v1, $0xD;
	v7 =	vmul.f32 v22, v12;
	[tilespmem:s9+$0xFFFFFF60] =	vst v6  }
0xdb: {  	v26 =	vld [tilespmem:s9+$0xFFFFFFB0];
	v9 =	vmul.f32 v24, v28;
	[tilespmem:s9+$0xFFFFFF50] =	vst v2;
	v2 =	vbroadcast v1, $0x8  }
0xdc: {  	v29 =	vld [tilespmem:s9+$0xFFFFFFD0];
	v31 =	vbroadcast v1, $0xA;
	v36 =	vmul.f32 v30, v34;
	[tilespmem:s9+$0xFFFFFF70] =	vst v7  }
0xdd: {  	v33 =	vld [tilespmem:s9+$0x0];
	v32 =	vbroadcast v1, $0xB;
	[tilespmem:s9+$0xFFFFFFA0] =	vst v9;
	v2 =	vmul.f32 v3, v2  }
0xde: {  	v35 =	vbroadcast v1, $0xE;
	v4 =	vmul.f32 v11, v25;
	[tilespmem:s9+$0xFFFFFFE0] =	vst v36;
	v3 =	vld [tilespmem:s9+$0xFFFFFFF0]  }
0xdf: {  	v5 =	vmul.f32 v27, v32;
	[tilespmem:s9+$0xFFFFFF90] =	vst v2;
	v2 =	vbroadcast v1, $0xC  }
0xe0: {  	[tilespmem:s9+$0xFFFFFF80] =	vst v4;
	v8 =	vmul.f32 v26, v31;
	v1 =	vbroadcast v1, $0xF  }
0xe1: {  	[tilespmem:s9+$0xFFFFFFC0] =	vst v5;
	v2 =	vmul.f32 v29, v2  }
0xe2: {  	[tilespmem:s9+$0xFFFFFFB0] =	vst v8;
	v1 =	vmul.f32 v33, v1  }
0xe3: {  	v3 =	vmul.f32 v3, v35;
	[tilespmem:s9+$0xFFFFFFD0] =	vst v2  }
0xe4: {  	s7 =	sshrl.u32 s7, $0x2;
	[tilespmem:s9+$0x0] =	vst v1  }
0xe5: {  	s7 =	sadd.s32 $0x2800, s7;
	[tilespmem:s9+$0xFFFFFFF0] =	vst v3  }
0xe6: {  	[spmem:s2] =	stream.indirect.scatter.add.f32 [tilespmem:s17], [sflag:$0x6], $0x10, s7, s15, $0xb8;
	[tilespmem:$0xE800] =	vst v63  }
0xe7: {  	s7 =	simm.s32 @!p0 $0x8  }
0xe8: {  	_ =	swait.ge @!p0 [sflag:s7], $0x800  }
0xe9: {  	s10 =	sor.u32 $0x600, s5;
	[sflag:s7] =	ssyncset.done @!p0 $0x0  }
0xea: {  	v1 =	vmov s1;
	[sflag:s7] =	ssyncadd.s32 @!p0 $0xFFFFF800;
	s7 =	sshrl.u32 s10, $0x2  }
0xeb: {  	[tilespmem:s21], [sflag:$0x4] =	stream.indirect.gather [hbm4b:s4+s15], $0x10, s7, s15, $0xb8;
	[tilespmem:$0xE800] =	vst v63  }
0xec: {  	_ =	swait.ge [sflag:s22], $0x800  }
0xed: {  	[sflag:s22] =	ssyncset.done $0x0  }
0xee: {  	s14 =	simm.s32 $0x0;
	[sflag:s22] =	ssyncadd.s32 $0xFFFFF800  }
0xef: {  	v2 =	vld.idx.msk [tilespmem:v1+s14+$0x0 ss:$0x1], $0xffff  }
0xf0: {  	s9 =	simm.s32 $0x88F0  }
0xf1: {  	v3 =	vld [tilespmem:s9+$0xFFFFFF10]  }
0xf2: {  	v37 =	vld [tilespmem:s9+$0xFFFFFF20]  }
0xf3: {  	v38 =	vld [tilespmem:s9+$0xFFFFFF30]  }
0xf4: {  	v39 =	vld [tilespmem:s9+$0xFFFFFF40];
	v40 =	vbroadcast v2, $0x0  }
0xf5: {  	v43 =	vld [tilespmem:s9+$0xFFFFFF60];
	v41 =	vbroadcast v2, $0x1  }
0xf6: {  	v46 =	vld [tilespmem:s9+$0xFFFFFF70];
	v44 =	vbroadcast v2, $0x2;
	v3 =	vmul.f32 v40, v3  }
0xf7: {  	v42 =	vld [tilespmem:s9+$0xFFFFFF50];
	v45 =	vbroadcast v2, $0x3;
	v4 =	vmul.f32 v37, v41  }
0xf8: {  	v50 =	vld [tilespmem:s9+$0xFFFFFFA0];
	v48 =	vbroadcast v2, $0x5;
	v5 =	vmul.f32 v38, v44;
	[tilespmem:s9+$0xFFFFFF10] =	vst v3  }
0xf9: {  	v52 =	vld [tilespmem:s9+$0xFFFFFFB0];
	v13 =	vbroadcast v2, $0x6;
	v6 =	vmul.f32 v39, v45;
	[tilespmem:s9+$0xFFFFFF20] =	vst v4  }
0xfa: {  	v56 =	vld [tilespmem:s9+$0xFFFFFFE0];
	v7 =	vmul.f32 v43, v48;
	v3 =	vbroadcast v2, $0x4;
	[tilespmem:s9+$0xFFFFFF30] =	vst v5  }
0xfb: {  	v49 =	vld [tilespmem:s9+$0xFFFFFF90];
	v54 =	vbroadcast v2, $0x9;
	v8 =	vmul.f32 v46, v13;
	[tilespmem:s9+$0xFFFFFF40] =	vst v6  }
0xfc: {  	v47 =	vld [tilespmem:s9+$0xFFFFFF80];
	v57 =	vbroadcast v2, $0xA;
	[tilespmem:s9+$0xFFFFFF60] =	vst v7;
	v3 =	vmul.f32 v42, v3  }
0xfd: {  	v53 =	vld [tilespmem:s9+$0xFFFFFFC0];
	v61 =	vbroadcast v2, $0xD;
	v10 =	vmul.f32 v50, v54;
	[tilespmem:s9+$0xFFFFFF70] =	vst v8  }
0xfe: {  	v58 =	vld [tilespmem:s9+$0xFFFFFFF0];
	v9 =	vmul.f32 v52, v57;
	[tilespmem:s9+$0xFFFFFF50] =	vst v3;
	v3 =	vbroadcast v2, $0x8  }
0xff: {  	v55 =	vld [tilespmem:s9+$0xFFFFFFD0];
	v51 =	vbroadcast v2, $0x7;
	v63 =	vmul.f32 v56, v61;
	[tilespmem:s9+$0xFFFFFFA0] =	vst v10  }
0x100: {  	v60 =	vld [tilespmem:s9+$0x0];
	v59 =	vbroadcast v2, $0xB;
	[tilespmem:s9+$0xFFFFFFB0] =	vst v9;
	v3 =	vmul.f32 v49, v3  }
0x101: {  	v62 =	vbroadcast v2, $0xE;
	v5 =	vmul.f32 v47, v51;
	[tilespmem:s9+$0xFFFFFFE0] =	vst v63  }
0x102: {  	v6 =	vmul.f32 v53, v59;
	[tilespmem:s9+$0xFFFFFF90] =	vst v3;
	v3 =	vbroadcast v2, $0xC  }
0x103: {  	v4 =	vmul.f32 v58, v62;
	[tilespmem:s9+$0xFFFFFF80] =	vst v5;
	v2 =	vbroadcast v2, $0xF  }
0x104: {  	[tilespmem:s9+$0xFFFFFFC0] =	vst v6;
	v3 =	vmul.f32 v55, v3  }
0x105: {  	[tilespmem:s9+$0xFFFFFFF0] =	vst v4;
	v2 =	vmul.f32 v60, v2  }
0x106: {  	[tilespmem:s9+$0xFFFFFFD0] =	vst v3  }
0x107: {  	s10 =	simm.s32 $0x80;
	s14 =	simm.s32 $0x10;
	[tilespmem:s9+$0x0] =	vst v2  }
.LBB2_9:
0x108: {  	p0 =	sne.s32 s10, $0x1C0;
	v2 =	vld.idx.msk [tilespmem:v1+s14+$0x0 ss:$0x1], $0xffff;
	s9 =	sadd.s32 $0x100, s9  }
0x109: {  	v3 =	vld [tilespmem:s9+$0xFFFFFF40]  }
0x10a: {  	v4 =	vld [tilespmem:s9+$0xFFFFFF20]  }
0x10b: {  	v5 =	vld [tilespmem:s9+$0xFFFFFF10]  }
0x10c: {  	v6 =	vld [tilespmem:s9+$0xFFFFFF30]  }
0x10d: {  	v7 =	vld [tilespmem:s9+$0xFFFFFF80]  }
0x10e: {  	v8 =	vbroadcast v2, $0x0;
	v9 =	vbroadcast v2, $0x1;
	v10 =	vld [tilespmem:s9+$0xFFFFFF60]  }
0x10f: {  	v11 =	vbroadcast v2, $0x2;
	v12 =	vbroadcast v2, $0x3;
	v13 =	vld [tilespmem:s9+$0xFFFFFF50]  }
0x110: {  	v4 =	vmul.f32 v4, v9;
	v5 =	vmul.f32 v8, v5;
	v8 =	vld [tilespmem:s9+$0xFFFFFF70]  }
0x111: {  	v3 =	vmul.f32 v3, v12;
	v6 =	vmul.f32 v6, v11;
	v9 =	vld [tilespmem:s9+$0xFFFFFFC0]  }
0x112: {  	v11 =	vbroadcast v2, $0x5;
	[tilespmem:s9+$0xFFFFFF10] =	vst v5;
	v5 =	vbroadcast v2, $0x4;
	v12 =	vld [tilespmem:s9+$0xFFFFFFA0]  }
0x113: {  	v14 =	vbroadcast v2, $0x7;
	[tilespmem:s9+$0xFFFFFF20] =	vst v4;
	v4 =	vbroadcast v2, $0x6;
	v15 =	vld [tilespmem:s9+$0xFFFFFF90]  }
0x114: {  	[tilespmem:s9+$0xFFFFFF30] =	vst v6;
	v5 =	vmul.f32 v13, v5;
	v6 =	vmul.f32 v10, v11;
	v10 =	vld [tilespmem:s9+$0xFFFFFFB0]  }
0x115: {  	[tilespmem:s9+$0xFFFFFF40] =	vst v3;
	v3 =	vmul.f32 v8, v4;
	v4 =	vmul.f32 v7, v14;
	v7 =	vld [tilespmem:s9+$0xFFFFFFF0]  }
0x116: {  	v8 =	vbroadcast v2, $0x9;
	[tilespmem:s9+$0xFFFFFF50] =	vst v5;
	v5 =	vbroadcast v2, $0x8;
	v11 =	vld [tilespmem:s9+$0xFFFFFFE0]  }
0x117: {  	v13 =	vbroadcast v2, $0xB;
	[tilespmem:s9+$0xFFFFFF60] =	vst v6;
	v6 =	vbroadcast v2, $0xA;
	v14 =	vld [tilespmem:s9+$0xFFFFFFD0]  }
0x118: {  	[tilespmem:s9+$0xFFFFFF70] =	vst v3;
	v3 =	vmul.f32 v15, v5;
	v5 =	vmul.f32 v12, v8;
	v8 =	vld [tilespmem:s9+$0x0]  }
0x119: {  	[tilespmem:s9+$0xFFFFFF80] =	vst v4;
	v4 =	vmul.f32 v10, v6;
	v6 =	vmul.f32 v9, v13  }
0x11a: {  	v9 =	vbroadcast v2, $0xD;
	[tilespmem:s9+$0xFFFFFF90] =	vst v3;
	v3 =	vbroadcast v2, $0xC  }
0x11b: {  	[tilespmem:s9+$0xFFFFFFA0] =	vst v5;
	v5 =	vbroadcast v2, $0xE;
	v2 =	vbroadcast v2, $0xF  }
0x11c: {  	[tilespmem:s9+$0xFFFFFFB0] =	vst v4;
	v3 =	vmul.f32 v14, v3;
	v4 =	vmul.f32 v11, v9  }
.Ltmp5:
0x11d: {  	[tilespmem:s9+$0xFFFFFFC0] =	vst v6;
	v5 =	vmul.f32 v7, v5;
	v2 =	vmul.f32 v8, v2;
	(pc) =	sbr.rel @p0 .LBB2_9-.Ltmp5, $4  }
0x11e: {  	[tilespmem:s9+$0xFFFFFFD0] =	vst v3  }
0x11f: {  	[tilespmem:s9+$0xFFFFFFE0] =	vst v4  }
0x120: {  	[tilespmem:s9+$0xFFFFFFF0] =	vst v5  }
0x121: {  	s14 =	sshra.s32 s10, $0x2;
	s10 =	sadd.s32 $0x40, s10;
	[tilespmem:s9+$0x0] =	vst v2  }
0x122: {  	_ =	sdelay $0x3  }
0x123: {  	v1 =	vld.idx.msk [tilespmem:v1+s14+$0x0 ss:$0x1], $0xffff  }
0x124: {  	s9 =	sadd.s32 $0x100, s9  }
0x125: {  	v2 =	vld [tilespmem:s9+$0xFFFFFF10]  }
0x126: {  	v3 =	vld [tilespmem:s9+$0xFFFFFF20]  }
0x127: {  	v4 =	vld [tilespmem:s9+$0xFFFFFF30]  }
0x128: {  	v5 =	vld [tilespmem:s9+$0xFFFFFF40];
	v6 =	vbroadcast v1, $0x0  }
0x129: {  	v9 =	vld [tilespmem:s9+$0xFFFFFF60];
	v7 =	vbroadcast v1, $0x1;
	v10 =	vbroadcast v1, $0x2  }
0x12a: {  	v8 =	vld [tilespmem:s9+$0xFFFFFF50];
	v21 =	vbroadcast v1, $0x3;
	v2 =	vmul.f32 v6, v2  }
0x12b: {  	v22 =	vld [tilespmem:s9+$0xFFFFFF70];
	v23 =	vbroadcast v1, $0x5;
	v3 =	vmul.f32 v3, v7  }
0x12c: {  	v24 =	vld [tilespmem:s9+$0xFFFFFFA0];
	v12 =	vbroadcast v1, $0x6;
	v4 =	vmul.f32 v4, v10;
	[tilespmem:s9+$0xFFFFFF10] =	vst v2  }
0x12d: {  	v30 =	vld [tilespmem:s9+$0xFFFFFFE0];
	v5 =	vmul.f32 v5, v21;
	v2 =	vbroadcast v1, $0x4;
	[tilespmem:s9+$0xFFFFFF20] =	vst v3  }
0x12e: {  	v25 =	vbroadcast v1, $0x7;
	v6 =	vmul.f32 v9, v23;
	v3 =	vld [tilespmem:s9+$0xFFFFFF90];
	[tilespmem:s9+$0xFFFFFF30] =	vst v4  }
0x12f: {  	v11 =	vld [tilespmem:s9+$0xFFFFFF80];
	v28 =	vbroadcast v1, $0x9;
	[tilespmem:s9+$0xFFFFFF40] =	vst v5;
	v2 =	vmul.f32 v8, v2  }
0x130: {  	v27 =	vld [tilespmem:s9+$0xFFFFFFC0];
	v34 =	vbroadcast v1, $0xD;
	v7 =	vmul.f32 v22, v12;
	[tilespmem:s9+$0xFFFFFF60] =	vst v6  }
0x131: {  	v26 =	vld [tilespmem:s9+$0xFFFFFFB0];
	v9 =	vmul.f32 v24, v28;
	[tilespmem:s9+$0xFFFFFF50] =	vst v2;
	v2 =	vbroadcast v1, $0x8  }
0x132: {  	v29 =	vld [tilespmem:s9+$0xFFFFFFD0];
	v31 =	vbroadcast v1, $0xA;
	v36 =	vmul.f32 v30, v34;
	[tilespmem:s9+$0xFFFFFF70] =	vst v7  }
0x133: {  	v33 =	vld [tilespmem:s9+$0x0];
	v32 =	vbroadcast v1, $0xB;
	[tilespmem:s9+$0xFFFFFFA0] =	vst v9;
	v2 =	vmul.f32 v3, v2  }
0x134: {  	v35 =	vbroadcast v1, $0xE;
	v4 =	vmul.f32 v11, v25;
	[tilespmem:s9+$0xFFFFFFE0] =	vst v36;
	v3 =	vld [tilespmem:s9+$0xFFFFFFF0]  }
0x135: {  	v5 =	vmul.f32 v27, v32;
	[tilespmem:s9+$0xFFFFFF90] =	vst v2;
	v2 =	vbroadcast v1, $0xC  }
0x136: {  	[tilespmem:s9+$0xFFFFFF80] =	vst v4;
	v8 =	vmul.f32 v26, v31;
	v1 =	vbroadcast v1, $0xF  }
0x137: {  	[tilespmem:s9+$0xFFFFFFC0] =	vst v5;
	v2 =	vmul.f32 v29, v2  }
0x138: {  	[tilespmem:s9+$0xFFFFFFB0] =	vst v8;
	v1 =	vmul.f32 v33, v1  }
0x139: {  	v3 =	vmul.f32 v3, v35;
	[tilespmem:s9+$0xFFFFFFD0] =	vst v2  }
0x13a: {  	[tilespmem:s9+$0x0] =	vst v1  }
0x13b: {  	s6 =	sadd.s32 $0x2800, s6;
	p0 =	seq.s32 s30, $0x13;
	[tilespmem:s9+$0xFFFFFFF0] =	vst v3  }
0x13c: {  	[spmem:s2] =	stream.indirect.scatter.add.f32 [tilespmem:s19], [sflag:$0x7], $0x10, s6, s15, $0xb8;
	[tilespmem:$0xE800] =	vst v63  }
0x13d: {  	s5 =	sshrl.u32 @!p0 s5, $0x2;
	_ =	swait.ge [sflag:s23], $0x800  }
0x13e: {  	s5 =	sadd.s32 @!p0 $0x200, s5;
	[sflag:s23] =	ssyncset.done $0x0  }
0x13f: {  	v1 =	vmov s12;
	s9 =	simm.s32 @!p0 $0x7800;
	s6 =	simm.s32 @!p0 $0x80;
	[sflag:s23] =	ssyncadd.s32 $0xFFFFF800  }
0x140: {  	[tilespmem:s9], [sflag:$0x1] =	stream.indirect.gather @!p0 [hbm4b:s4+s6], $0x10, s5, s6, $0xb8;
	[tilespmem:$0xE800] =	vst v63  }
0x141: {  	_ =	swait.ge [sflag:s24], $0x800  }
0x142: {  	[sflag:s24] =	ssyncset.done $0x0  }
0x143: {  	s14 =	simm.s32 $0x0;
	[sflag:s24] =	ssyncadd.s32 $0xFFFFF800  }
0x144: {  	v2 =	vld.idx.msk [tilespmem:v1+s14+$0x0 ss:$0x1], $0xffff  }
0x145: {  	s5 =	simm.s32 $0x90F0  }
0x146: {  	v3 =	vld [tilespmem:s5+$0xFFFFFF10]  }
0x147: {  	v37 =	vld [tilespmem:s5+$0xFFFFFF20]  }
0x148: {  	v38 =	vld [tilespmem:s5+$0xFFFFFF30]  }
0x149: {  	v39 =	vld [tilespmem:s5+$0xFFFFFF40];
	v40 =	vbroadcast v2, $0x0  }
0x14a: {  	v43 =	vld [tilespmem:s5+$0xFFFFFF60];
	v41 =	vbroadcast v2, $0x1  }
0x14b: {  	v46 =	vld [tilespmem:s5+$0xFFFFFF70];
	v44 =	vbroadcast v2, $0x2;
	v3 =	vmul.f32 v40, v3  }
0x14c: {  	v42 =	vld [tilespmem:s5+$0xFFFFFF50];
	v45 =	vbroadcast v2, $0x3;
	v4 =	vmul.f32 v37, v41  }
0x14d: {  	v50 =	vld [tilespmem:s5+$0xFFFFFFA0];
	v48 =	vbroadcast v2, $0x5;
	v5 =	vmul.f32 v38, v44;
	[tilespmem:s5+$0xFFFFFF10] =	vst v3  }
0x14e: {  	v52 =	vld [tilespmem:s5+$0xFFFFFFB0];
	v13 =	vbroadcast v2, $0x6;
	v6 =	vmul.f32 v39, v45;
	[tilespmem:s5+$0xFFFFFF20] =	vst v4  }
0x14f: {  	v56 =	vld [tilespmem:s5+$0xFFFFFFE0];
	v7 =	vmul.f32 v43, v48;
	v3 =	vbroadcast v2, $0x4;
	[tilespmem:s5+$0xFFFFFF30] =	vst v5  }
0x150: {  	v49 =	vld [tilespmem:s5+$0xFFFFFF90];
	v54 =	vbroadcast v2, $0x9;
	v8 =	vmul.f32 v46, v13;
	[tilespmem:s5+$0xFFFFFF40] =	vst v6  }
0x151: {  	v47 =	vld [tilespmem:s5+$0xFFFFFF80];
	v57 =	vbroadcast v2, $0xA;
	[tilespmem:s5+$0xFFFFFF60] =	vst v7;
	v3 =	vmul.f32 v42, v3  }
0x152: {  	v53 =	vld [tilespmem:s5+$0xFFFFFFC0];
	v61 =	vbroadcast v2, $0xD;
	v10 =	vmul.f32 v50, v54;
	[tilespmem:s5+$0xFFFFFF70] =	vst v8  }
0x153: {  	v58 =	vld [tilespmem:s5+$0xFFFFFFF0];
	v9 =	vmul.f32 v52, v57;
	[tilespmem:s5+$0xFFFFFF50] =	vst v3;
	v3 =	vbroadcast v2, $0x8  }
0x154: {  	v55 =	vld [tilespmem:s5+$0xFFFFFFD0];
	v51 =	vbroadcast v2, $0x7;
	v63 =	vmul.f32 v56, v61;
	[tilespmem:s5+$0xFFFFFFA0] =	vst v10  }
0x155: {  	v60 =	vld [tilespmem:s5+$0x0];
	v59 =	vbroadcast v2, $0xB;
	[tilespmem:s5+$0xFFFFFFB0] =	vst v9;
	v3 =	vmul.f32 v49, v3  }
0x156: {  	v62 =	vbroadcast v2, $0xE;
	v5 =	vmul.f32 v47, v51;
	[tilespmem:s5+$0xFFFFFFE0] =	vst v63  }
0x157: {  	v6 =	vmul.f32 v53, v59;
	[tilespmem:s5+$0xFFFFFF90] =	vst v3;
	v3 =	vbroadcast v2, $0xC  }
0x158: {  	v4 =	vmul.f32 v58, v62;
	[tilespmem:s5+$0xFFFFFF80] =	vst v5;
	v2 =	vbroadcast v2, $0xF  }
0x159: {  	[tilespmem:s5+$0xFFFFFFC0] =	vst v6;
	v3 =	vmul.f32 v55, v3  }
0x15a: {  	[tilespmem:s5+$0xFFFFFFF0] =	vst v4;
	v2 =	vmul.f32 v60, v2  }
0x15b: {  	[tilespmem:s5+$0xFFFFFFD0] =	vst v3  }
0x15c: {  	s9 =	simm.s32 $0x10;
	s6 =	simm.s32 $0x80;
	[tilespmem:s5+$0x0] =	vst v2  }
.LBB2_11:
0x15d: {  	p1 =	sne.s32 s6, $0x1C0;
	v2 =	vld.idx.msk [tilespmem:v1+s9+$0x0 ss:$0x1], $0xffff;
	s5 =	sadd.s32 $0x100, s5  }
0x15e: {  	v3 =	vld [tilespmem:s5+$0xFFFFFF40]  }
0x15f: {  	v4 =	vld [tilespmem:s5+$0xFFFFFF20]  }
0x160: {  	v5 =	vld [tilespmem:s5+$0xFFFFFF10]  }
0x161: {  	v6 =	vld [tilespmem:s5+$0xFFFFFF30]  }
0x162: {  	v7 =	vld [tilespmem:s5+$0xFFFFFF80]  }
0x163: {  	v8 =	vbroadcast v2, $0x0;
	v9 =	vbroadcast v2, $0x1;
	v10 =	vld [tilespmem:s5+$0xFFFFFF60]  }
0x164: {  	v11 =	vbroadcast v2, $0x2;
	v12 =	vbroadcast v2, $0x3;
	v13 =	vld [tilespmem:s5+$0xFFFFFF50]  }
0x165: {  	v4 =	vmul.f32 v4, v9;
	v5 =	vmul.f32 v8, v5;
	v8 =	vld [tilespmem:s5+$0xFFFFFF70]  }
0x166: {  	v3 =	vmul.f32 v3, v12;
	v6 =	vmul.f32 v6, v11;
	v9 =	vld [tilespmem:s5+$0xFFFFFFC0]  }
0x167: {  	v11 =	vbroadcast v2, $0x5;
	[tilespmem:s5+$0xFFFFFF10] =	vst v5;
	v5 =	vbroadcast v2, $0x4;
	v12 =	vld [tilespmem:s5+$0xFFFFFFA0]  }
0x168: {  	v14 =	vbroadcast v2, $0x7;
	[tilespmem:s5+$0xFFFFFF20] =	vst v4;
	v4 =	vbroadcast v2, $0x6;
	v15 =	vld [tilespmem:s5+$0xFFFFFF90]  }
0x169: {  	[tilespmem:s5+$0xFFFFFF30] =	vst v6;
	v5 =	vmul.f32 v13, v5;
	v6 =	vmul.f32 v10, v11;
	v10 =	vld [tilespmem:s5+$0xFFFFFFB0]  }
0x16a: {  	[tilespmem:s5+$0xFFFFFF40] =	vst v3;
	v3 =	vmul.f32 v8, v4;
	v4 =	vmul.f32 v7, v14;
	v7 =	vld [tilespmem:s5+$0xFFFFFFF0]  }
0x16b: {  	v8 =	vbroadcast v2, $0x9;
	[tilespmem:s5+$0xFFFFFF50] =	vst v5;
	v5 =	vbroadcast v2, $0x8;
	v11 =	vld [tilespmem:s5+$0xFFFFFFE0]  }
0x16c: {  	v13 =	vbroadcast v2, $0xB;
	[tilespmem:s5+$0xFFFFFF60] =	vst v6;
	v6 =	vbroadcast v2, $0xA;
	v14 =	vld [tilespmem:s5+$0xFFFFFFD0]  }
0x16d: {  	[tilespmem:s5+$0xFFFFFF70] =	vst v3;
	v3 =	vmul.f32 v15, v5;
	v5 =	vmul.f32 v12, v8;
	v8 =	vld [tilespmem:s5+$0x0]  }
0x16e: {  	[tilespmem:s5+$0xFFFFFF80] =	vst v4;
	v4 =	vmul.f32 v10, v6;
	v6 =	vmul.f32 v9, v13  }
0x16f: {  	v9 =	vbroadcast v2, $0xD;
	[tilespmem:s5+$0xFFFFFF90] =	vst v3;
	v3 =	vbroadcast v2, $0xC  }
0x170: {  	[tilespmem:s5+$0xFFFFFFA0] =	vst v5;
	v5 =	vbroadcast v2, $0xE;
	v2 =	vbroadcast v2, $0xF  }
0x171: {  	[tilespmem:s5+$0xFFFFFFB0] =	vst v4;
	v3 =	vmul.f32 v14, v3;
	v4 =	vmul.f32 v11, v9  }
.Ltmp6:
0x172: {  	[tilespmem:s5+$0xFFFFFFC0] =	vst v6;
	v5 =	vmul.f32 v7, v5;
	v2 =	vmul.f32 v8, v2;
	(pc) =	sbr.rel @p1 .LBB2_11-.Ltmp6, $4  }
0x173: {  	[tilespmem:s5+$0xFFFFFFD0] =	vst v3  }
0x174: {  	[tilespmem:s5+$0xFFFFFFE0] =	vst v4  }
0x175: {  	[tilespmem:s5+$0xFFFFFFF0] =	vst v5  }
0x176: {  	s9 =	sshra.s32 s6, $0x2;
	s6 =	sadd.s32 $0x40, s6;
	[tilespmem:s5+$0x0] =	vst v2  }
0x177: {  	_ =	sdelay $0x3  }
0x178: {  	v1 =	vld.idx.msk [tilespmem:v1+s9+$0x0 ss:$0x1], $0xffff  }
0x179: {  	s5 =	sadd.s32 $0x100, s5  }
0x17a: {  	v2 =	vld [tilespmem:s5+$0xFFFFFF10]  }
0x17b: {  	v3 =	vld [tilespmem:s5+$0xFFFFFF20]  }
0x17c: {  	v4 =	vld [tilespmem:s5+$0xFFFFFF30]  }
0x17d: {  	v5 =	vld [tilespmem:s5+$0xFFFFFF40];
	v6 =	vbroadcast v1, $0x0  }
0x17e: {  	v9 =	vld [tilespmem:s5+$0xFFFFFF60];
	v7 =	vbroadcast v1, $0x1;
	v10 =	vbroadcast v1, $0x2  }
0x17f: {  	v8 =	vld [tilespmem:s5+$0xFFFFFF50];
	v48 =	vbroadcast v1, $0x3;
	v2 =	vmul.f32 v6, v2  }
0x180: {  	v49 =	vld [tilespmem:s5+$0xFFFFFF70];
	v50 =	vbroadcast v1, $0x5;
	v3 =	vmul.f32 v3, v7  }
0x181: {  	v51 =	vld [tilespmem:s5+$0xFFFFFFA0];
	v12 =	vbroadcast v1, $0x6;
	v4 =	vmul.f32 v4, v10;
	[tilespmem:s5+$0xFFFFFF10] =	vst v2  }
0x182: {  	v57 =	vld [tilespmem:s5+$0xFFFFFFE0];
	v5 =	vmul.f32 v5, v48;
	v2 =	vbroadcast v1, $0x4;
	[tilespmem:s5+$0xFFFFFF20] =	vst v3  }
0x183: {  	v52 =	vbroadcast v1, $0x7;
	v6 =	vmul.f32 v9, v50;
	v3 =	vld [tilespmem:s5+$0xFFFFFF90];
	[tilespmem:s5+$0xFFFFFF30] =	vst v4  }
0x184: {  	v11 =	vld [tilespmem:s5+$0xFFFFFF80];
	v55 =	vbroadcast v1, $0x9;
	[tilespmem:s5+$0xFFFFFF40] =	vst v5;
	v2 =	vmul.f32 v8, v2  }
0x185: {  	v54 =	vld [tilespmem:s5+$0xFFFFFFC0];
	v61 =	vbroadcast v1, $0xD;
	v7 =	vmul.f32 v49, v12;
	[tilespmem:s5+$0xFFFFFF60] =	vst v6  }
0x186: {  	v53 =	vld [tilespmem:s5+$0xFFFFFFB0];
	v9 =	vmul.f32 v51, v55;
	[tilespmem:s5+$0xFFFFFF50] =	vst v2;
	v2 =	vbroadcast v1, $0x8  }
0x187: {  	v56 =	vld [tilespmem:s5+$0xFFFFFFD0];
	v58 =	vbroadcast v1, $0xA;
	v63 =	vmul.f32 v57, v61;
	[tilespmem:s5+$0xFFFFFF70] =	vst v7  }
0x188: {  	v60 =	vld [tilespmem:s5+$0x0];
	v59 =	vbroadcast v1, $0xB;
	[tilespmem:s5+$0xFFFFFFA0] =	vst v9;
	v2 =	vmul.f32 v3, v2  }
0x189: {  	v62 =	vbroadcast v1, $0xE;
	v4 =	vmul.f32 v11, v52;
	[tilespmem:s5+$0xFFFFFFE0] =	vst v63;
	v3 =	vld [tilespmem:s5+$0xFFFFFFF0]  }
0x18a: {  	v5 =	vmul.f32 v54, v59;
	[tilespmem:s5+$0xFFFFFF90] =	vst v2;
	v2 =	vbroadcast v1, $0xC  }
0x18b: {  	[tilespmem:s5+$0xFFFFFF80] =	vst v4;
	v8 =	vmul.f32 v53, v58;
	v1 =	vbroadcast v1, $0xF  }
0x18c: {  	[tilespmem:s5+$0xFFFFFFC0] =	vst v5;
	v2 =	vmul.f32 v56, v2  }
0x18d: {  	[tilespmem:s5+$0xFFFFFFB0] =	vst v8;
	v1 =	vmul.f32 v60, v1  }
0x18e: {  	v3 =	vmul.f32 v3, v62;
	[tilespmem:s5+$0xFFFFFFD0] =	vst v2  }
0x18f: {  	[tilespmem:s5+$0x0] =	vst v1  }
.Ltmp7:
0x190: {  	s14 =	sadd.s32 $0x2800, s7;
	[tilespmem:s5+$0xFFFFFFF0] =	vst v3;
	(pc) =	sbr.rel @p0 .LBB2_14-.Ltmp7, $4  }
0x191: {  	[spmem:s2] =	stream.indirect.scatter.add.f32 [tilespmem:s21], [sflag:$0x8], $0x10, s14, s15, $0xb8;
	[tilespmem:$0xE800] =	vst v63  }
0x192: {  	_ =	swait.ge [sflag:s25], $0x800  }
0x193: {  	[sflag:s25] =	ssyncset.done $0x0  }
0x194: {  	[sflag:s25] =	ssyncadd.s32 $0xFFFFF800  }
.Ltmp8:
0x195: {  	(pc) =	sbr.rel .LBB2_4-.Ltmp8, $4  }
0x196: {  	_ = 	snop  }
0x197: {  	s5 =	sadd.s32 $0x280, s13;
	s30 =	sadd.s32 $0x1, s30;
	s31 =	sadd.s32 $0x200, s31  }
0x198: {  	s0 =	sadd.s32 $0x200, s0;
	s1 =	sadd.s32 $0x200, s1;
	s12 =	sadd.s32 $0x200, s12  }
0x199: {  	[tilespmem:s17], [sflag:$0x2] =	stream.indirect.gather [hbm4b:s4+s15], $0x10, s5, s15, $0xb8;
	[tilespmem:$0xE800] =	vst v63  }
.LBB2_15:
0x19a: {  	_ =	sfence.sel $0x180000  }
0x19b: {  	[bflag:$0x0] =	sbarrier.arrive $0xFFFF  }
0x19c: {  	_ =	strace $0x90000047  }
0x19d: {  	s0 =	stileid.u32;
	[bflag:$0x2] =	sbarrier.arrive $0xFFFF  }
0x19e: {  	p0 =	sne.s32 s0, $0x0;
	s0 =	rddreg [dreg:$0x2]  }
0x19f: {  	s0 =	sadd.s32 @!p0 $0x100000, s0  }
0x1a0: {  	[sflag:s0] =	ssyncadd.tile.s32 @!p0 $0x1;
	_ =	shalt  }
.Lfunc_end2:
_tile_overlayer_lowered:
.L_overlay_start_2:
0x1a1: {  	(tag) =	ssettag $0x2  }
0x1a2: {  	s0 =	rddreg [dreg:$0x0];
	s2 =	stileid.u32  }
0x1a3: {  	s1 =	rddreg [dreg:$0x1];
	p0 =	sne.s32 s2, $0x0  }
0x1a4: {  	s3 =	rddreg [dreg:$0x2];
	[bflag:$0x3] =	sbarrier.arrive $0xFFFF;
	s2 =	simm.s32 @!p0 $0x1C09  }
0x1a5: {  	[timem:s3], [sflag:s2] =	dma.local @!p0 [hbm:s0], s1  }
0x1a6: {  	s0 =	simm.s32 @!p0 $0x9  }
0x1a7: {  	_ =	swait.ge @!p0 [sflag:s0], s1  }
0x1a8: {  	s1 =	ssub.s32 @!p0 $0x0, s1;
	[sflag:s0] =	ssyncset.done @!p0 $0x0  }
0x1a9: {  	[sflag:s0] =	ssyncadd.s32 @!p0 s1  }
0x1aa: {  	[bflag:$0x3] =	sbarrier.arrive $0xFFFF  }
0x1ab: {  	_ =	shalt  }

</sc_bundles>
